<compile_context>
chip_gen: v7x
topology: tpu7x:2x2x1
jax: 0.10.2.dev20260603
libtpu: 0.0.44.dev20260713+nightly
codegen_flags: <defaults>
</compile_context>

<pallas_src>
import functools

import jax
import jax.numpy as jnp
from jax import lax
from jax.experimental import pallas as pl
from jax.experimental.pallas import tpu as pltpu
from jax.experimental.pallas import tpu_sc as plsc

BATCH = 4096
SEQ = 200
EMB = 64
LANES = 16
NCOL = EMB // LANES

NC = 2
NS = 16
NW = NC * NS
B_PER_W = BATCH // NW
CHUNKS_PER_B = 2
CHUNK = SEQ // CHUNKS_PER_B
ROWS_PER_W = B_PER_W * CHUNKS_PER_B

_NEG = float(jnp.finfo(jnp.float32).min)
_UNROLL = 20


def _reduce_chunk(buf):

    def body(it, accs):
        s0 = it * _UNROLL
        for u in range(_UNROLL):
            accs = tuple(
                jnp.maximum(a, buf[s0 + u, pl.ds(LANES * j, LANES)])
                for j, a in enumerate(accs)
            )
        return accs

    init = tuple(jnp.full((LANES,), _NEG, jnp.float32) for _ in range(NCOL))
    return lax.fori_loop(0, CHUNK // _UNROLL, body, init)


@functools.partial(
    pl.kernel,
    out_type=jax.ShapeDtypeStruct((BATCH, EMB), jnp.float32),
    mesh=plsc.VectorSubcoreMesh(core_axis_name="c", subcore_axis_name="s"),
    compiler_params=pltpu.CompilerParams(use_tc_tiling_on_sc=False),
    scratch_types=[
        pltpu.VMEM((ROWS_PER_W, CHUNK), jnp.int32),
        pltpu.VMEM((CHUNK, EMB), jnp.float32),
        pltpu.VMEM((CHUNK, EMB), jnp.float32),
        pltpu.VMEM((CHUNK, EMB), jnp.float32),
        pltpu.VMEM((CHUNK, EMB), jnp.float32),
        pltpu.VMEM((B_PER_W, EMB), jnp.float32),
        pltpu.SemaphoreType.DMA,
        pltpu.SemaphoreType.DMA,
        pltpu.SemaphoreType.DMA,
        pltpu.SemaphoreType.DMA,
    ],
)
def _bow_encode(idx_hbm, table_hbm, out_hbm, idx_v,
                buf0, buf1, buf2, buf3, out_v, sem0, sem1, sem2, sem3):
    wid = lax.axis_index("s") * NC + lax.axis_index("c")
    base = wid * ROWS_PER_W
    bufs = (buf0, buf1, buf2, buf3)
    sems = (sem0, sem1, sem2, sem3)
    nbuf = len(bufs)

    pltpu.sync_copy(idx_hbm.at[pl.ds(base, ROWS_PER_W), :], idx_v)

    for q in range(nbuf):
        pltpu.async_copy(table_hbm.at[idx_v.at[q]], bufs[q], sems[q])

    def gbody(h, carry):
        accs = []
        for q in range(nbuf):
            r = nbuf * h + q
            pltpu.make_async_copy(table_hbm.at[idx_v.at[r]], bufs[q], sems[q]).wait()
            accs.append(_reduce_chunk(bufs[q]))

            @pl.when(h < ROWS_PER_W // nbuf - 1)
            def _():
                pltpu.async_copy(table_hbm.at[idx_v.at[r + nbuf]], bufs[q], sems[q])

        for j in range(NCOL):
            for k in range(nbuf // 2):
                out_v[(nbuf // 2) * h + k, pl.ds(LANES * j, LANES)] = jnp.maximum(
                    accs[2 * k][j], accs[2 * k + 1][j]
                )
        return carry

    lax.fori_loop(0, ROWS_PER_W // nbuf, gbody, 0)

    pltpu.sync_copy(out_v, out_hbm.at[pl.ds(wid * B_PER_W, B_PER_W), :])


@jax.jit
def kernel(input, emb_weight):
    idx = input.astype(jnp.int32).reshape(BATCH * CHUNKS_PER_B, CHUNK)
    return _bow_encode(idx, emb_weight)

# --- scband reference (transcript-rebuilt; emitter-appended) ---
"""Pipeline reference for scband-bowencoder-9749575762578 (READ-ONLY COPY).

The authoritative reference and input builder live on the scoring server;
editing this copy changes nothing except your own understanding.
"""

import jax, jax.numpy as jnp
import numpy as np

VOCAB = 1000000
EMB = 64
BATCH = 4096
SEQ = 200

def setup_inputs(seed: int = 0) -> dict:
    key = jax.random.key(seed)
    k_idx, k_emb = jax.random.split(key)
    input_ids = jax.random.randint(k_idx, (BATCH, SEQ), 0, VOCAB, dtype=jnp.int64 if jax.config.jax_enable_x64 else jnp.int32)
    emb_weight = jax.random.uniform(k_emb, (VOCAB, EMB), dtype=jnp.float32, minval=-0.1, maxval=0.1)
    emb_weight = emb_weight.at[0].set(0.0)
    return {"input": input_ids, "emb_weight": emb_weight}

def reference(input, emb_weight):
    # embedding lookup (gather)
    embedded = jnp.take(emb_weight, input, axis=0)  # [B, S, E]
    # F.dropout(p=0.25, training=False) is identity in eval mode
    # MaxPool1d over full seq_len == max over sequence dimension
    encoding = jnp.max(embedded, axis=1)  # [B, E]
    return encoding

if __name__ == "__main__":
    import jax
    _d = setup_inputs()
    print(jax.jit(kernel)(*tuple(_d.values())))

</pallas_src>

<mosaic_0001>
#map = affine_map<(d0, d1) -> (0, 0)>
module attributes {stable_mosaic.version = 14 : i64} {
  func.func @_bow_encode(%arg0: i32, %arg1: i32, %arg2: memref<8192x100xi32, #tpu.memory_space<hbm>>, %arg3: memref<1000000x64xf32, #tpu.memory_space<hbm>>, %arg4: memref<4096x64xf32, #tpu.memory_space<hbm>>, %arg5: memref<256x100xi32, #tpu.memory_space<vmem>>, %arg6: memref<100x64xf32, #tpu.memory_space<vmem>>, %arg7: memref<100x64xf32, #tpu.memory_space<vmem>>, %arg8: memref<100x64xf32, #tpu.memory_space<vmem>>, %arg9: memref<100x64xf32, #tpu.memory_space<vmem>>, %arg10: memref<128x64xf32, #tpu.memory_space<vmem>>, %arg11: memref<!tpu.dma_semaphore, #tpu.memory_space<semaphore_mem>>, %arg12: memref<!tpu.dma_semaphore, #tpu.memory_space<semaphore_mem>>, %arg13: memref<!tpu.dma_semaphore, #tpu.memory_space<semaphore_mem>>, %arg14: memref<!tpu.dma_semaphore, #tpu.memory_space<semaphore_mem>>) attributes {dimension_semantics = [#tpu.dimension_semantics<core_parallel>, #tpu.dimension_semantics<subcore_parallel>], iteration_bounds = array<i64: 2, 16>, scalar_prefetch = 0 : i64, scratch_operands = 10 : i64, tpu.core_type = #tpu.core_type<sc_vector_subcore>, window_params = [{transform_indices = #map}, {transform_indices = #map}, {transform_indices = #map}]} {
    %mul3A = arith.constant 2 : i32
    %mul3A_0 = arith.muli %arg1, %mul3A : i32
    %add3A = arith.addi %mul3A_0, %arg0 : i32
    %mul3A_1 = arith.constant 256 : i32
    %mul3A_2 = arith.muli %add3A, %mul3A_1 : i32
    "tpu.region"() ({
      %run_scoped3A = tpu.sem_alloc : memref<!tpu.dma_semaphore, #tpu.memory_space<semaphore_mem>>
      %dma_start3A_37 = arith.constant 0 : i32
      %dma_start3A_38 = tpu.memref_slice %arg2[%mul3A_2, %dma_start3A_37] : memref<8192x100xi32, #tpu.memory_space<hbm>> -> memref<256x100xi32, #tpu.memory_space<hbm>>
      %dma_start3A_39 = arith.constant 0 : i32
      %dma_start3A_40 = tpu.memref_slice %arg2[%mul3A_2, %dma_start3A_39] : memref<8192x100xi32, #tpu.memory_space<hbm>> -> memref<256x100xi32, #tpu.memory_space<hbm>>
      tpu.enqueue_dma source(%dma_start3A_40 : memref<256x100xi32, #tpu.memory_space<hbm>>) target(%arg5 : memref<256x100xi32, #tpu.memory_space<vmem>>) target_semaphore(%run_scoped3A : memref<!tpu.dma_semaphore, #tpu.memory_space<semaphore_mem>>)
      %dma_wait3A = arith.constant 0 : i32
      %dma_wait3A_41 = tpu.memref_slice %arg2[%mul3A_2, %dma_wait3A] : memref<8192x100xi32, #tpu.memory_space<hbm>> -> memref<256x100xi32, #tpu.memory_space<hbm>>
      %dma_wait3A_42 = arith.constant 0 : i32
      %dma_wait3A_43 = tpu.memref_slice %arg2[%mul3A_2, %dma_wait3A_42] : memref<8192x100xi32, #tpu.memory_space<hbm>> -> memref<256x100xi32, #tpu.memory_space<hbm>>
      tpu.wait_dma2 semaphore(%run_scoped3A : memref<!tpu.dma_semaphore, #tpu.memory_space<semaphore_mem>>) src(%dma_wait3A_43 : memref<256x100xi32, #tpu.memory_space<hbm>>) dst(%arg5 : memref<256x100xi32, #tpu.memory_space<vmem>>)
      tpu.yield
    }) : () -> ()
    %dma_start3A = arith.constant 0 : i32
    %dma_start3A_3 = arith.constant 0 : i32
    %dma_start3A_4 = tpu.memref_slice %arg5[%dma_start3A, %dma_start3A_3] : memref<256x100xi32, #tpu.memory_space<vmem>> -> memref<1x100xi32, #tpu.memory_space<vmem>>
    %dma_start3A_5 = tpu.memref_squeeze %dma_start3A_4 : memref<1x100xi32, #tpu.memory_space<vmem>> -> memref<100xi32, #tpu.memory_space<vmem>>
    %dma_start3A_6 = arith.constant 0 : i32
    %dma_start3A_7 = arith.constant 0 : i32
    %dma_start3A_8 = tpu.memref_slice %arg3[%dma_start3A_6, %dma_start3A_7] : memref<1000000x64xf32, #tpu.memory_space<hbm>> -> memref<1000000x64xf32, #tpu.memory_space<hbm>>
    tpu.enqueue_indirect_dma source(%dma_start3A_8 : memref<1000000x64xf32, #tpu.memory_space<hbm>>) target(%arg6 : memref<100x64xf32, #tpu.memory_space<vmem>>) offsets(%dma_start3A_5 : memref<100xi32, #tpu.memory_space<vmem>>) semaphore(%arg11 : memref<!tpu.dma_semaphore, #tpu.memory_space<semaphore_mem>>)
    %dma_start3A_9 = arith.constant 1 : i32
    %dma_start3A_10 = arith.constant 0 : i32
    %dma_start3A_11 = tpu.memref_slice %arg5[%dma_start3A_9, %dma_start3A_10] : memref<256x100xi32, #tpu.memory_space<vmem>> -> memref<1x100xi32, #tpu.memory_space<vmem>>
    %dma_start3A_12 = tpu.memref_squeeze %dma_start3A_11 : memref<1x100xi32, #tpu.memory_space<vmem>> -> memref<100xi32, #tpu.memory_space<vmem>>
    %dma_start3A_13 = arith.constant 0 : i32
    %dma_start3A_14 = arith.constant 0 : i32
    %dma_start3A_15 = tpu.memref_slice %arg3[%dma_start3A_13, %dma_start3A_14] : memref<1000000x64xf32, #tpu.memory_space<hbm>> -> memref<1000000x64xf32, #tpu.memory_space<hbm>>
    tpu.enqueue_indirect_dma source(%dma_start3A_15 : memref<1000000x64xf32, #tpu.memory_space<hbm>>) target(%arg7 : memref<100x64xf32, #tpu.memory_space<vmem>>) offsets(%dma_start3A_12 : memref<100xi32, #tpu.memory_space<vmem>>) semaphore(%arg12 : memref<!tpu.dma_semaphore, #tpu.memory_space<semaphore_mem>>)
    %dma_start3A_16 = arith.constant 2 : i32
    %dma_start3A_17 = arith.constant 0 : i32
    %dma_start3A_18 = tpu.memref_slice %arg5[%dma_start3A_16, %dma_start3A_17] : memref<256x100xi32, #tpu.memory_space<vmem>> -> memref<1x100xi32, #tpu.memory_space<vmem>>
    %dma_start3A_19 = tpu.memref_squeeze %dma_start3A_18 : memref<1x100xi32, #tpu.memory_space<vmem>> -> memref<100xi32, #tpu.memory_space<vmem>>
    %dma_start3A_20 = arith.constant 0 : i32
    %dma_start3A_21 = arith.constant 0 : i32
    %dma_start3A_22 = tpu.memref_slice %arg3[%dma_start3A_20, %dma_start3A_21] : memref<1000000x64xf32, #tpu.memory_space<hbm>> -> memref<1000000x64xf32, #tpu.memory_space<hbm>>
    tpu.enqueue_indirect_dma source(%dma_start3A_22 : memref<1000000x64xf32, #tpu.memory_space<hbm>>) target(%arg8 : memref<100x64xf32, #tpu.memory_space<vmem>>) offsets(%dma_start3A_19 : memref<100xi32, #tpu.memory_space<vmem>>) semaphore(%arg13 : memref<!tpu.dma_semaphore, #tpu.memory_space<semaphore_mem>>)
    %dma_start3A_23 = arith.constant 3 : i32
    %dma_start3A_24 = arith.constant 0 : i32
    %dma_start3A_25 = tpu.memref_slice %arg5[%dma_start3A_23, %dma_start3A_24] : memref<256x100xi32, #tpu.memory_space<vmem>> -> memref<1x100xi32, #tpu.memory_space<vmem>>
    %dma_start3A_26 = tpu.memref_squeeze %dma_start3A_25 : memref<1x100xi32, #tpu.memory_space<vmem>> -> memref<100xi32, #tpu.memory_space<vmem>>
    %dma_start3A_27 = arith.constant 0 : i32
    %dma_start3A_28 = arith.constant 0 : i32
    %dma_start3A_29 = tpu.memref_slice %arg3[%dma_start3A_27, %dma_start3A_28] : memref<1000000x64xf32, #tpu.memory_space<hbm>> -> memref<1000000x64xf32, #tpu.memory_space<hbm>>
    tpu.enqueue_indirect_dma source(%dma_start3A_29 : memref<1000000x64xf32, #tpu.memory_space<hbm>>) target(%arg9 : memref<100x64xf32, #tpu.memory_space<vmem>>) offsets(%dma_start3A_26 : memref<100xi32, #tpu.memory_space<vmem>>) semaphore(%arg14 : memref<!tpu.dma_semaphore, #tpu.memory_space<semaphore_mem>>)
    %scan3A = arith.constant 0 : i32
    %scan3A_30 = arith.constant 0 : i32
    %scan3A_31 = arith.constant 64 : i32
    %scan3A_32 = arith.addi %scan3A_30, %scan3A_31 : i32
    %scan3A_33 = arith.constant 1 : i32
    scf.for %scan3A_37 = %scan3A_30 to %scan3A_32 step %scan3A_33  : i32 {
      %mul3A_38 = arith.constant 4 : i32
      %mul3A_39 = arith.muli %mul3A_38, %scan3A_37 : i32
      %add3A_40 = arith.constant 0 : i32
      %add3A_41 = arith.addi %mul3A_39, %add3A_40 : i32
      %dma_wait3A = arith.constant 0 : i32
      %dma_wait3A_42 = tpu.memref_slice %arg5[%add3A_41, %dma_wait3A] : memref<256x100xi32, #tpu.memory_space<vmem>> -> memref<1x100xi32, #tpu.memory_space<vmem>>
      %dma_wait3A_43 = tpu.memref_squeeze %dma_wait3A_42 : memref<1x100xi32, #tpu.memory_space<vmem>> -> memref<100xi32, #tpu.memory_space<vmem>>
      %dma_wait3A_44 = arith.constant 0 : i32
      %dma_wait3A_45 = arith.constant 0 : i32
      %dma_wait3A_46 = tpu.memref_slice %arg3[%dma_wait3A_44, %dma_wait3A_45] : memref<1000000x64xf32, #tpu.memory_space<hbm>> -> memref<1000000x64xf32, #tpu.memory_space<hbm>>
      tpu.wait_indirect_dma semaphore(%arg11 : memref<!tpu.dma_semaphore, #tpu.memory_space<semaphore_mem>>) src(%dma_wait3A_46 : memref<1000000x64xf32, #tpu.memory_space<hbm>>) dst(%arg6 : memref<100x64xf32, #tpu.memory_space<vmem>>)
      %broadcast_in_dim3A = arith.constant -3.40282347E+38 : f32
      %broadcast_in_dim3A_47 = vector.broadcast %broadcast_in_dim3A : f32 to vector<16xf32>
      %broadcast_in_dim3A_48 = arith.constant -3.40282347E+38 : f32
      %broadcast_in_dim3A_49 = vector.broadcast %broadcast_in_dim3A_48 : f32 to vector<16xf32>
      %broadcast_in_dim3A_50 = arith.constant -3.40282347E+38 : f32
      %broadcast_in_dim3A_51 = vector.broadcast %broadcast_in_dim3A_50 : f32 to vector<16xf32>
      %broadcast_in_dim3A_52 = arith.constant -3.40282347E+38 : f32
      %broadcast_in_dim3A_53 = vector.broadcast %broadcast_in_dim3A_52 : f32 to vector<16xf32>
      %scan3A_54 = arith.constant 0 : i32
      %scan3A_55 = arith.constant 5 : i32
      %scan3A_56 = arith.addi %scan3A_54, %scan3A_55 : i32
      %scan3A_57 = arith.constant 1 : i32
      %scan3A_58:4 = scf.for %scan3A_227 = %scan3A_54 to %scan3A_56 step %scan3A_57 iter_args(%scan3A_228 = %broadcast_in_dim3A_47, %scan3A_229 = %broadcast_in_dim3A_49, %scan3A_230 = %broadcast_in_dim3A_51, %scan3A_231 = %broadcast_in_dim3A_53) -> (vector<16xf32>, vector<16xf32>, vector<16xf32>, vector<16xf32>)  : i32 {
        %mul3A_232 = arith.constant 20 : i32
        %mul3A_233 = arith.muli %scan3A_227, %mul3A_232 : i32
        %add3A_234 = arith.constant 0 : i32
        %add3A_235 = arith.addi %mul3A_233, %add3A_234 : i32
        %get3A = arith.index_cast %add3A_235 : i32 to index
        %get3A_236 = arith.constant 0 : index
        %get3A_237 = tpu.vector_load %arg6[%get3A, %get3A_236] {strides = array<i32>} : memref<100x64xf32, #tpu.memory_space<vmem>>, vector<1x16xf32>,
        %get3A_238 = vector.shape_cast %get3A_237 : vector<1x16xf32> to vector<16xf32>
        %max3A_239 = arith.maximumf %scan3A_228, %get3A_238 : vector<16xf32>
        %add3A_240 = arith.constant 0 : i32
        %add3A_241 = arith.addi %mul3A_233, %add3A_240 : i32
        %get3A_242 = arith.index_cast %add3A_241 : i32 to index
        %get3A_243 = arith.constant 16 : index
        %get3A_244 = tpu.vector_load %arg6[%get3A_242, %get3A_243] {strides = array<i32>} : memref<100x64xf32, #tpu.memory_space<vmem>>, vector<1x16xf32>,
        %get3A_245 = vector.shape_cast %get3A_244 : vector<1x16xf32> to vector<16xf32>
        %max3A_246 = arith.maximumf %scan3A_229, %get3A_245 : vector<16xf32>
        %add3A_247 = arith.constant 0 : i32
        %add3A_248 = arith.addi %mul3A_233, %add3A_247 : i32
        %get3A_249 = arith.index_cast %add3A_248 : i32 to index
        %get3A_250 = arith.constant 32 : index
        %get3A_251 = tpu.vector_load %arg6[%get3A_249, %get3A_250] {strides = array<i32>} : memref<100x64xf32, #tpu.memory_space<vmem>>, vector<1x16xf32>,
        %get3A_252 = vector.shape_cast %get3A_251 : vector<1x16xf32> to vector<16xf32>
        %max3A_253 = arith.maximumf %scan3A_230, %get3A_252 : vector<16xf32>
        %add3A_254 = arith.constant 0 : i32
        %add3A_255 = arith.addi %mul3A_233, %add3A_254 : i32
        %get3A_256 = arith.index_cast %add3A_255 : i32 to index
        %get3A_257 = arith.constant 48 : index
        %get3A_258 = tpu.vector_load %arg6[%get3A_256, %get3A_257] {strides = array<i32>} : memref<100x64xf32, #tpu.memory_space<vmem>>, vector<1x16xf32>,
        %get3A_259 = vector.shape_cast %get3A_258 : vector<1x16xf32> to vector<16xf32>
        %max3A_260 = arith.maximumf %scan3A_231, %get3A_259 : vector<16xf32>
        %add3A_261 = arith.constant 1 : i32
        %add3A_262 = arith.addi %mul3A_233, %add3A_261 : i32
        %get3A_263 = arith.index_cast %add3A_262 : i32 to index
        %get3A_264 = arith.constant 0 : index
        %get3A_265 = tpu.vector_load %arg6[%get3A_263, %get3A_264] {strides = array<i32>} : memref<100x64xf32, #tpu.memory_space<vmem>>, vector<1x16xf32>,
        %get3A_266 = vector.shape_cast %get3A_265 : vector<1x16xf32> to vector<16xf32>
        %max3A_267 = arith.maximumf %max3A_239, %get3A_266 : vector<16xf32>
        %add3A_268 = arith.constant 1 : i32
        %add3A_269 = arith.addi %mul3A_233, %add3A_268 : i32
        %get3A_270 = arith.index_cast %add3A_269 : i32 to index
        %get3A_271 = arith.constant 16 : index
        %get3A_272 = tpu.vector_load %arg6[%get3A_270, %get3A_271] {strides = array<i32>} : memref<100x64xf32, #tpu.memory_space<vmem>>, vector<1x16xf32>,
        %get3A_273 = vector.shape_cast %get3A_272 : vector<1x16xf32> to vector<16xf32>
        %max3A_274 = arith.maximumf %max3A_246, %get3A_273 : vector<16xf32>
        %add3A_275 = arith.constant 1 : i32
        %add3A_276 = arith.addi %mul3A_233, %add3A_275 : i32
        %get3A_277 = arith.index_cast %add3A_276 : i32 to index
        %get3A_278 = arith.constant 32 : index
        %get3A_279 = tpu.vector_load %arg6[%get3A_277, %get3A_278] {strides = array<i32>} : memref<100x64xf32, #tpu.memory_space<vmem>>, vector<1x16xf32>,
        %get3A_280 = vector.shape_cast %get3A_279 : vector<1x16xf32> to vector<16xf32>
        %max3A_281 = arith.maximumf %max3A_253, %get3A_280 : vector<16xf32>
        %add3A_282 = arith.constant 1 : i32
        %add3A_283 = arith.addi %mul3A_233, %add3A_282 : i32
        %get3A_284 = arith.index_cast %add3A_283 : i32 to index
        %get3A_285 = arith.constant 48 : index
        %get3A_286 = tpu.vector_load %arg6[%get3A_284, %get3A_285] {strides = array<i32>} : memref<100x64xf32, #tpu.memory_space<vmem>>, vector<1x16xf32>,
        %get3A_287 = vector.shape_cast %get3A_286 : vector<1x16xf32> to vector<16xf32>
        %max3A_288 = arith.maximumf %max3A_260, %get3A_287 : vector<16xf32>
        %add3A_289 = arith.constant 2 : i32
        %add3A_290 = arith.addi %mul3A_233, %add3A_289 : i32
        %get3A_291 = arith.index_cast %add3A_290 : i32 to index
        %get3A_292 = arith.constant 0 : index
        %get3A_293 = tpu.vector_load %arg6[%get3A_291, %get3A_292] {strides = array<i32>} : memref<100x64xf32, #tpu.memory_space<vmem>>, vector<1x16xf32>,
        %get3A_294 = vector.shape_cast %get3A_293 : vector<1x16xf32> to vector<16xf32>
        %max3A_295 = arith.maximumf %max3A_267, %get3A_294 : vector<16xf32>
        %add3A_296 = arith.constant 2 : i32
        %add3A_297 = arith.addi %mul3A_233, %add3A_296 : i32
        %get3A_298 = arith.index_cast %add3A_297 : i32 to index
        %get3A_299 = arith.constant 16 : index
        %get3A_300 = tpu.vector_load %arg6[%get3A_298, %get3A_299] {strides = array<i32>} : memref<100x64xf32, #tpu.memory_space<vmem>>, vector<1x16xf32>,
        %get3A_301 = vector.shape_cast %get3A_300 : vector<1x16xf32> to vector<16xf32>
        %max3A_302 = arith.maximumf %max3A_274, %get3A_301 : vector<16xf32>
        %add3A_303 = arith.constant 2 : i32
        %add3A_304 = arith.addi %mul3A_233, %add3A_303 : i32
        %get3A_305 = arith.index_cast %add3A_304 : i32 to index
        %get3A_306 = arith.constant 32 : index
        %get3A_307 = tpu.vector_load %arg6[%get3A_305, %get3A_306] {strides = array<i32>} : memref<100x64xf32, #tpu.memory_space<vmem>>, vector<1x16xf32>,
        %get3A_308 = vector.shape_cast %get3A_307 : vector<1x16xf32> to vector<16xf32>
        %max3A_309 = arith.maximumf %max3A_281, %get3A_308 : vector<16xf32>
        %add3A_310 = arith.constant 2 : i32
        %add3A_311 = arith.addi %mul3A_233, %add3A_310 : i32
        %get3A_312 = arith.index_cast %add3A_311 : i32 to index
        %get3A_313 = arith.constant 48 : index
        %get3A_314 = tpu.vector_load %arg6[%get3A_312, %get3A_313] {strides = array<i32>} : memref<100x64xf32, #tpu.memory_space<vmem>>, vector<1x16xf32>,
        %get3A_315 = vector.shape_cast %get3A_314 : vector<1x16xf32> to vector<16xf32>
        %max3A_316 = arith.maximumf %max3A_288, %get3A_315 : vector<16xf32>
        %add3A_317 = arith.constant 3 : i32
        %add3A_318 = arith.addi %mul3A_233, %add3A_317 : i32
        %get3A_319 = arith.index_cast %add3A_318 : i32 to index
        %get3A_320 = arith.constant 0 : index
        %get3A_321 = tpu.vector_load %arg6[%get3A_319, %get3A_320] {strides = array<i32>} : memref<100x64xf32, #tpu.memory_space<vmem>>, vector<1x16xf32>,
        %get3A_322 = vector.shape_cast %get3A_321 : vector<1x16xf32> to vector<16xf32>
        %max3A_323 = arith.maximumf %max3A_295, %get3A_322 : vector<16xf32>
        %add3A_324 = arith.constant 3 : i32
        %add3A_325 = arith.addi %mul3A_233, %add3A_324 : i32
        %get3A_326 = arith.index_cast %add3A_325 : i32 to index
        %get3A_327 = arith.constant 16 : index
        %get3A_328 = tpu.vector_load %arg6[%get3A_326, %get3A_327] {strides = array<i32>} : memref<100x64xf32, #tpu.memory_space<vmem>>, vector<1x16xf32>,
        %get3A_329 = vector.shape_cast %get3A_328 : vector<1x16xf32> to vector<16xf32>
        %max3A_330 = arith.maximumf %max3A_302, %get3A_329 : vector<16xf32>
        %add3A_331 = arith.constant 3 : i32
        %add3A_332 = arith.addi %mul3A_233, %add3A_331 : i32
        %get3A_333 = arith.index_cast %add3A_332 : i32 to index
        %get3A_334 = arith.constant 32 : index
        %get3A_335 = tpu.vector_load %arg6[%get3A_333, %get3A_334] {strides = array<i32>} : memref<100x64xf32, #tpu.memory_space<vmem>>, vector<1x16xf32>,
        %get3A_336 = vector.shape_cast %get3A_335 : vector<1x16xf32> to vector<16xf32>
        %max3A_337 = arith.maximumf %max3A_309, %get3A_336 : vector<16xf32>
        %add3A_338 = arith.constant 3 : i32
        %add3A_339 = arith.addi %mul3A_233, %add3A_338 : i32
        %get3A_340 = arith.index_cast %add3A_339 : i32 to index
        %get3A_341 = arith.constant 48 : index
        %get3A_342 = tpu.vector_load %arg6[%get3A_340, %get3A_341] {strides = array<i32>} : memref<100x64xf32, #tpu.memory_space<vmem>>, vector<1x16xf32>,
        %get3A_343 = vector.shape_cast %get3A_342 : vector<1x16xf32> to vector<16xf32>
        %max3A_344 = arith.maximumf %max3A_316, %get3A_343 : vector<16xf32>
        %add3A_345 = arith.constant 4 : i32
        %add3A_346 = arith.addi %mul3A_233, %add3A_345 : i32
        %get3A_347 = arith.index_cast %add3A_346 : i32 to index
        %get3A_348 = arith.constant 0 : index
        %get3A_349 = tpu.vector_load %arg6[%get3A_347, %get3A_348] {strides = array<i32>} : memref<100x64xf32, #tpu.memory_space<vmem>>, vector<1x16xf32>,
        %get3A_350 = vector.shape_cast %get3A_349 : vector<1x16xf32> to vector<16xf32>
        %max3A_351 = arith.maximumf %max3A_323, %get3A_350 : vector<16xf32>
        %add3A_352 = arith.constant 4 : i32
        %add3A_353 = arith.addi %mul3A_233, %add3A_352 : i32
        %get3A_354 = arith.index_cast %add3A_353 : i32 to index
        %get3A_355 = arith.constant 16 : index
        %get3A_356 = tpu.vector_load %arg6[%get3A_354, %get3A_355] {strides = array<i32>} : memref<100x64xf32, #tpu.memory_space<vmem>>, vector<1x16xf32>,
        %get3A_357 = vector.shape_cast %get3A_356 : vector<1x16xf32> to vector<16xf32>
        %max3A_358 = arith.maximumf %max3A_330, %get3A_357 : vector<16xf32>
        %add3A_359 = arith.constant 4 : i32
        %add3A_360 = arith.addi %mul3A_233, %add3A_359 : i32
        %get3A_361 = arith.index_cast %add3A_360 : i32 to index
        %get3A_362 = arith.constant 32 : index
        %get3A_363 = tpu.vector_load %arg6[%get3A_361, %get3A_362] {strides = array<i32>} : memref<100x64xf32, #tpu.memory_space<vmem>>, vector<1x16xf32>,
        %get3A_364 = vector.shape_cast %get3A_363 : vector<1x16xf32> to vector<16xf32>
        %max3A_365 = arith.maximumf %max3A_337, %get3A_364 : vector<16xf32>
        %add3A_366 = arith.constant 4 : i32
        %add3A_367 = arith.addi %mul3A_233, %add3A_366 : i32
        %get3A_368 = arith.index_cast %add3A_367 : i32 to index
        %get3A_369 = arith.constant 48 : index
        %get3A_370 = tpu.vector_load %arg6[%get3A_368, %get3A_369] {strides = array<i32>} : memref<100x64xf32, #tpu.memory_space<vmem>>, vector<1x16xf32>,
        %get3A_371 = vector.shape_cast %get3A_370 : vector<1x16xf32> to vector<16xf32>
        %max3A_372 = arith.maximumf %max3A_344, %get3A_371 : vector<16xf32>
        %add3A_373 = arith.constant 5 : i32
        %add3A_374 = arith.addi %mul3A_233, %add3A_373 : i32
        %get3A_375 = arith.index_cast %add3A_374 : i32 to index
        %get3A_376 = arith.constant 0 : index
        %get3A_377 = tpu.vector_load %arg6[%get3A_375, %get3A_376] {strides = array<i32>} : memref<100x64xf32, #tpu.memory_space<vmem>>, vector<1x16xf32>,
        %get3A_378 = vector.shape_cast %get3A_377 : vector<1x16xf32> to vector<16xf32>
        %max3A_379 = arith.maximumf %max3A_351, %get3A_378 : vector<16xf32>
        %add3A_380 = arith.constant 5 : i32
        %add3A_381 = arith.addi %mul3A_233, %add3A_380 : i32
        %get3A_382 = arith.index_cast %add3A_381 : i32 to index
        %get3A_383 = arith.constant 16 : index
        %get3A_384 = tpu.vector_load %arg6[%get3A_382, %get3A_383] {strides = array<i32>} : memref<100x64xf32, #tpu.memory_space<vmem>>, vector<1x16xf32>,
        %get3A_385 = vector.shape_cast %get3A_384 : vector<1x16xf32> to vector<16xf32>
        %max3A_386 = arith.maximumf %max3A_358, %get3A_385 : vector<16xf32>
        %add3A_387 = arith.constant 5 : i32
        %add3A_388 = arith.addi %mul3A_233, %add3A_387 : i32
        %get3A_389 = arith.index_cast %add3A_388 : i32 to index
        %get3A_390 = arith.constant 32 : index
        %get3A_391 = tpu.vector_load %arg6[%get3A_389, %get3A_390] {strides = array<i32>} : memref<100x64xf32, #tpu.memory_space<vmem>>, vector<1x16xf32>,
        %get3A_392 = vector.shape_cast %get3A_391 : vector<1x16xf32> to vector<16xf32>
        %max3A_393 = arith.maximumf %max3A_365, %get3A_392 : vector<16xf32>
        %add3A_394 = arith.constant 5 : i32
        %add3A_395 = arith.addi %mul3A_233, %add3A_394 : i32
        %get3A_396 = arith.index_cast %add3A_395 : i32 to index
        %get3A_397 = arith.constant 48 : index
        %get3A_398 = tpu.vector_load %arg6[%get3A_396, %get3A_397] {strides = array<i32>} : memref<100x64xf32, #tpu.memory_space<vmem>>, vector<1x16xf32>,
        %get3A_399 = vector.shape_cast %get3A_398 : vector<1x16xf32> to vector<16xf32>
        %max3A_400 = arith.maximumf %max3A_372, %get3A_399 : vector<16xf32>
        %add3A_401 = arith.constant 6 : i32
        %add3A_402 = arith.addi %mul3A_233, %add3A_401 : i32
        %get3A_403 = arith.index_cast %add3A_402 : i32 to index
        %get3A_404 = arith.constant 0 : index
        %get3A_405 = tpu.vector_load %arg6[%get3A_403, %get3A_404] {strides = array<i32>} : memref<100x64xf32, #tpu.memory_space<vmem>>, vector<1x16xf32>,
        %get3A_406 = vector.shape_cast %get3A_405 : vector<1x16xf32> to vector<16xf32>
        %max3A_407 = arith.maximumf %max3A_379, %get3A_406 : vector<16xf32>
        %add3A_408 = arith.constant 6 : i32
        %add3A_409 = arith.addi %mul3A_233, %add3A_408 : i32
        %get3A_410 = arith.index_cast %add3A_409 : i32 to index
        %get3A_411 = arith.constant 16 : index
        %get3A_412 = tpu.vector_load %arg6[%get3A_410, %get3A_411] {strides = array<i32>} : memref<100x64xf32, #tpu.memory_space<vmem>>, vector<1x16xf32>,
        %get3A_413 = vector.shape_cast %get3A_412 : vector<1x16xf32> to vector<16xf32>
        %max3A_414 = arith.maximumf %max3A_386, %get3A_413 : vector<16xf32>
        %add3A_415 = arith.constant 6 : i32
        %add3A_416 = arith.addi %mul3A_233, %add3A_415 : i32
        %get3A_417 = arith.index_cast %add3A_416 : i32 to index
        %get3A_418 = arith.constant 32 : index
        %get3A_419 = tpu.vector_load %arg6[%get3A_417, %get3A_418] {strides = array<i32>} : memref<100x64xf32, #tpu.memory_space<vmem>>, vector<1x16xf32>,
        %get3A_420 = vector.shape_cast %get3A_419 : vector<1x16xf32> to vector<16xf32>
        %max3A_421 = arith.maximumf %max3A_393, %get3A_420 : vector<16xf32>
        %add3A_422 = arith.constant 6 : i32
        %add3A_423 = arith.addi %mul3A_233, %add3A_422 : i32
        %get3A_424 = arith.index_cast %add3A_423 : i32 to index
        %get3A_425 = arith.constant 48 : index
        %get3A_426 = tpu.vector_load %arg6[%get3A_424, %get3A_425] {strides = array<i32>} : memref<100x64xf32, #tpu.memory_space<vmem>>, vector<1x16xf32>,
        %get3A_427 = vector.shape_cast %get3A_426 : vector<1x16xf32> to vector<16xf32>
        %max3A_428 = arith.maximumf %max3A_400, %get3A_427 : vector<16xf32>
        %add3A_429 = arith.constant 7 : i32
        %add3A_430 = arith.addi %mul3A_233, %add3A_429 : i32
        %get3A_431 = arith.index_cast %add3A_430 : i32 to index
        %get3A_432 = arith.constant 0 : index
        %get3A_433 = tpu.vector_load %arg6[%get3A_431, %get3A_432] {strides = array<i32>} : memref<100x64xf32, #tpu.memory_space<vmem>>, vector<1x16xf32>,
        %get3A_434 = vector.shape_cast %get3A_433 : vector<1x16xf32> to vector<16xf32>
        %max3A_435 = arith.maximumf %max3A_407, %get3A_434 : vector<16xf32>
        %add3A_436 = arith.constant 7 : i32
        %add3A_437 = arith.addi %mul3A_233, %add3A_436 : i32
        %get3A_438 = arith.index_cast %add3A_437 : i32 to index
        %get3A_439 = arith.constant 16 : index
        %get3A_440 = tpu.vector_load %arg6[%get3A_438, %get3A_439] {strides = array<i32>} : memref<100x64xf32, #tpu.memory_space<vmem>>, vector<1x16xf32>,
        %get3A_441 = vector.shape_cast %get3A_440 : vector<1x16xf32> to vector<16xf32>
        %max3A_442 = arith.maximumf %max3A_414, %get3A_441 : vector<16xf32>
        %add3A_443 = arith.constant 7 : i32
        %add3A_444 = arith.addi %mul3A_233, %add3A_443 : i32
        %get3A_445 = arith.index_cast %add3A_444 : i32 to index
        %get3A_446 = arith.constant 32 : index
        %get3A_447 = tpu.vector_load %arg6[%get3A_445, %get3A_446] {strides = array<i32>} : memref<100x64xf32, #tpu.memory_space<vmem>>, vector<1x16xf32>,
        %get3A_448 = vector.shape_cast %get3A_447 : vector<1x16xf32> to vector<16xf32>
        %max3A_449 = arith.maximumf %max3A_421, %get3A_448 : vector<16xf32>
        %add3A_450 = arith.constant 7 : i32
        %add3A_451 = arith.addi %mul3A_233, %add3A_450 : i32
        %get3A_452 = arith.index_cast %add3A_451 : i32 to index
        %get3A_453 = arith.constant 48 : index
        %get3A_454 = tpu.vector_load %arg6[%get3A_452, %get3A_453] {strides = array<i32>} : memref<100x64xf32, #tpu.memory_space<vmem>>, vector<1x16xf32>,
        %get3A_455 = vector.shape_cast %get3A_454 : vector<1x16xf32> to vector<16xf32>
        %max3A_456 = arith.maximumf %max3A_428, %get3A_455 : vector<16xf32>
        %add3A_457 = arith.constant 8 : i32
        %add3A_458 = arith.addi %mul3A_233, %add3A_457 : i32
        %get3A_459 = arith.index_cast %add3A_458 : i32 to index
        %get3A_460 = arith.constant 0 : index
        %get3A_461 = tpu.vector_load %arg6[%get3A_459, %get3A_460] {strides = array<i32>} : memref<100x64xf32, #tpu.memory_space<vmem>>, vector<1x16xf32>,
        %get3A_462 = vector.shape_cast %get3A_461 : vector<1x16xf32> to vector<16xf32>
        %max3A_463 = arith.maximumf %max3A_435, %get3A_462 : vector<16xf32>
        %add3A_464 = arith.constant 8 : i32
        %add3A_465 = arith.addi %mul3A_233, %add3A_464 : i32
        %get3A_466 = arith.index_cast %add3A_465 : i32 to index
        %get3A_467 = arith.constant 16 : index
        %get3A_468 = tpu.vector_load %arg6[%get3A_466, %get3A_467] {strides = array<i32>} : memref<100x64xf32, #tpu.memory_space<vmem>>, vector<1x16xf32>,
        %get3A_469 = vector.shape_cast %get3A_468 : vector<1x16xf32> to vector<16xf32>
        %max3A_470 = arith.maximumf %max3A_442, %get3A_469 : vector<16xf32>
        %add3A_471 = arith.constant 8 : i32
        %add3A_472 = arith.addi %mul3A_233, %add3A_471 : i32
        %get3A_473 = arith.index_cast %add3A_472 : i32 to index
        %get3A_474 = arith.constant 32 : index
        %get3A_475 = tpu.vector_load %arg6[%get3A_473, %get3A_474] {strides = array<i32>} : memref<100x64xf32, #tpu.memory_space<vmem>>, vector<1x16xf32>,
        %get3A_476 = vector.shape_cast %get3A_475 : vector<1x16xf32> to vector<16xf32>
        %max3A_477 = arith.maximumf %max3A_449, %get3A_476 : vector<16xf32>
        %add3A_478 = arith.constant 8 : i32
        %add3A_479 = arith.addi %mul3A_233, %add3A_478 : i32
        %get3A_480 = arith.index_cast %add3A_479 : i32 to index
        %get3A_481 = arith.constant 48 : index
        %get3A_482 = tpu.vector_load %arg6[%get3A_480, %get3A_481] {strides = array<i32>} : memref<100x64xf32, #tpu.memory_space<vmem>>, vector<1x16xf32>,
        %get3A_483 = vector.shape_cast %get3A_482 : vector<1x16xf32> to vector<16xf32>
        %max3A_484 = arith.maximumf %max3A_456, %get3A_483 : vector<16xf32>
        %add3A_485 = arith.constant 9 : i32
        %add3A_486 = arith.addi %mul3A_233, %add3A_485 : i32
        %get3A_487 = arith.index_cast %add3A_486 : i32 to index
        %get3A_488 = arith.constant 0 : index
        %get3A_489 = tpu.vector_load %arg6[%get3A_487, %get3A_488] {strides = array<i32>} : memref<100x64xf32, #tpu.memory_space<vmem>>, vector<1x16xf32>,
        %get3A_490 = vector.shape_cast %get3A_489 : vector<1x16xf32> to vector<16xf32>
        %max3A_491 = arith.maximumf %max3A_463, %get3A_490 : vector<16xf32>
        %add3A_492 = arith.constant 9 : i32
        %add3A_493 = arith.addi %mul3A_233, %add3A_492 : i32
        %get3A_494 = arith.index_cast %add3A_493 : i32 to index
        %get3A_495 = arith.constant 16 : index
        %get3A_496 = tpu.vector_load %arg6[%get3A_494, %get3A_495] {strides = array<i32>} : memref<100x64xf32, #tpu.memory_space<vmem>>, vector<1x16xf32>,
        %get3A_497 = vector.shape_cast %get3A_496 : vector<1x16xf32> to vector<16xf32>
        %max3A_498 = arith.maximumf %max3A_470, %get3A_497 : vector<16xf32>
        %add3A_499 = arith.constant 9 : i32
        %add3A_500 = arith.addi %mul3A_233, %add3A_499 : i32
        %get3A_501 = arith.index_cast %add3A_500 : i32 to index
        %get3A_502 = arith.constant 32 : index
        %get3A_503 = tpu.vector_load %arg6[%get3A_501, %get3A_502] {strides = array<i32>} : memref<100x64xf32, #tpu.memory_space<vmem>>, vector<1x16xf32>,
        %get3A_504 = vector.shape_cast %get3A_503 : vector<1x16xf32> to vector<16xf32>
        %max3A_505 = arith.maximumf %max3A_477, %get3A_504 : vector<16xf32>
        %add3A_506 = arith.constant 9 : i32
        %add3A_507 = arith.addi %mul3A_233, %add3A_506 : i32
        %get3A_508 = arith.index_cast %add3A_507 : i32 to index
        %get3A_509 = arith.constant 48 : index
        %get3A_510 = tpu.vector_load %arg6[%get3A_508, %get3A_509] {strides = array<i32>} : memref<100x64xf32, #tpu.memory_space<vmem>>, vector<1x16xf32>,
        %get3A_511 = vector.shape_cast %get3A_510 : vector<1x16xf32> to vector<16xf32>
        %max3A_512 = arith.maximumf %max3A_484, %get3A_511 : vector<16xf32>
        %add3A_513 = arith.constant 10 : i32
        %add3A_514 = arith.addi %mul3A_233, %add3A_513 : i32
        %get3A_515 = arith.index_cast %add3A_514 : i32 to index
        %get3A_516 = arith.constant 0 : index
        %get3A_517 = tpu.vector_load %arg6[%get3A_515, %get3A_516] {strides = array<i32>} : memref<100x64xf32, #tpu.memory_space<vmem>>, vector<1x16xf32>,
        %get3A_518 = vector.shape_cast %get3A_517 : vector<1x16xf32> to vector<16xf32>
        %max3A_519 = arith.maximumf %max3A_491, %get3A_518 : vector<16xf32>
        %add3A_520 = arith.constant 10 : i32
        %add3A_521 = arith.addi %mul3A_233, %add3A_520 : i32
        %get3A_522 = arith.index_cast %add3A_521 : i32 to index
        %get3A_523 = arith.constant 16 : index
        %get3A_524 = tpu.vector_load %arg6[%get3A_522, %get3A_523] {strides = array<i32>} : memref<100x64xf32, #tpu.memory_space<vmem>>, vector<1x16xf32>,
        %get3A_525 = vector.shape_cast %get3A_524 : vector<1x16xf32> to vector<16xf32>
        %max3A_526 = arith.maximumf %max3A_498, %get3A_525 : vector<16xf32>
        %add3A_527 = arith.constant 10 : i32
        %add3A_528 = arith.addi %mul3A_233, %add3A_527 : i32
        %get3A_529 = arith.index_cast %add3A_528 : i32 to index
        %get3A_530 = arith.constant 32 : index
        %get3A_531 = tpu.vector_load %arg6[%get3A_529, %get3A_530] {strides = array<i32>} : memref<100x64xf32, #tpu.memory_space<vmem>>, vector<1x16xf32>,
        %get3A_532 = vector.shape_cast %get3A_531 : vector<1x16xf32> to vector<16xf32>
        %max3A_533 = arith.maximumf %max3A_505, %get3A_532 : vector<16xf32>
        %add3A_534 = arith.constant 10 : i32
        %add3A_535 = arith.addi %mul3A_233, %add3A_534 : i32
        %get3A_536 = arith.index_cast %add3A_535 : i32 to index
        %get3A_537 = arith.constant 48 : index
        %get3A_538 = tpu.vector_load %arg6[%get3A_536, %get3A_537] {strides = array<i32>} : memref<100x64xf32, #tpu.memory_space<vmem>>, vector<1x16xf32>,
        %get3A_539 = vector.shape_cast %get3A_538 : vector<1x16xf32> to vector<16xf32>
        %max3A_540 = arith.maximumf %max3A_512, %get3A_539 : vector<16xf32>
        %add3A_541 = arith.constant 11 : i32
        %add3A_542 = arith.addi %mul3A_233, %add3A_541 : i32
        %get3A_543 = arith.index_cast %add3A_542 : i32 to index
        %get3A_544 = arith.constant 0 : index
        %get3A_545 = tpu.vector_load %arg6[%get3A_543, %get3A_544] {strides = array<i32>} : memref<100x64xf32, #tpu.memory_space<vmem>>, vector<1x16xf32>,
        %get3A_546 = vector.shape_cast %get3A_545 : vector<1x16xf32> to vector<16xf32>
        %max3A_547 = arith.maximumf %max3A_519, %get3A_546 : vector<16xf32>
        %add3A_548 = arith.constant 11 : i32
        %add3A_549 = arith.addi %mul3A_233, %add3A_548 : i32
        %get3A_550 = arith.index_cast %add3A_549 : i32 to index
        %get3A_551 = arith.constant 16 : index
        %get3A_552 = tpu.vector_load %arg6[%get3A_550, %get3A_551] {strides = array<i32>} : memref<100x64xf32, #tpu.memory_space<vmem>>, vector<1x16xf32>,
        %get3A_553 = vector.shape_cast %get3A_552 : vector<1x16xf32> to vector<16xf32>
        %max3A_554 = arith.maximumf %max3A_526, %get3A_553 : vector<16xf32>
        %add3A_555 = arith.constant 11 : i32
        %add3A_556 = arith.addi %mul3A_233, %add3A_555 : i32
        %get3A_557 = arith.index_cast %add3A_556 : i32 to index
        %get3A_558 = arith.constant 32 : index
        %get3A_559 = tpu.vector_load %arg6[%get3A_557, %get3A_558] {strides = array<i32>} : memref<100x64xf32, #tpu.memory_space<vmem>>, vector<1x16xf32>,
        %get3A_560 = vector.shape_cast %get3A_559 : vector<1x16xf32> to vector<16xf32>
        %max3A_561 = arith.maximumf %max3A_533, %get3A_560 : vector<16xf32>
        %add3A_562 = arith.constant 11 : i32
        %add3A_563 = arith.addi %mul3A_233, %add3A_562 : i32
        %get3A_564 = arith.index_cast %add3A_563 : i32 to index
        %get3A_565 = arith.constant 48 : index
        %get3A_566 = tpu.vector_load %arg6[%get3A_564, %get3A_565] {strides = array<i32>} : memref<100x64xf32, #tpu.memory_space<vmem>>, vector<1x16xf32>,
        %get3A_567 = vector.shape_cast %get3A_566 : vector<1x16xf32> to vector<16xf32>
        %max3A_568 = arith.maximumf %max3A_540, %get3A_567 : vector<16xf32>
        %add3A_569 = arith.constant 12 : i32
        %add3A_570 = arith.addi %mul3A_233, %add3A_569 : i32
        %get3A_571 = arith.index_cast %add3A_570 : i32 to index
        %get3A_572 = arith.constant 0 : index
        %get3A_573 = tpu.vector_load %arg6[%get3A_571, %get3A_572] {strides = array<i32>} : memref<100x64xf32, #tpu.memory_space<vmem>>, vector<1x16xf32>,
        %get3A_574 = vector.shape_cast %get3A_573 : vector<1x16xf32> to vector<16xf32>
        %max3A_575 = arith.maximumf %max3A_547, %get3A_574 : vector<16xf32>
        %add3A_576 = arith.constant 12 : i32
        %add3A_577 = arith.addi %mul3A_233, %add3A_576 : i32
        %get3A_578 = arith.index_cast %add3A_577 : i32 to index
        %get3A_579 = arith.constant 16 : index
        %get3A_580 = tpu.vector_load %arg6[%get3A_578, %get3A_579] {strides = array<i32>} : memref<100x64xf32, #tpu.memory_space<vmem>>, vector<1x16xf32>,
        %get3A_581 = vector.shape_cast %get3A_580 : vector<1x16xf32> to vector<16xf32>
        %max3A_582 = arith.maximumf %max3A_554, %get3A_581 : vector<16xf32>
        %add3A_583 = arith.constant 12 : i32
        %add3A_584 = arith.addi %mul3A_233, %add3A_583 : i32
        %get3A_585 = arith.index_cast %add3A_584 : i32 to index
        %get3A_586 = arith.constant 32 : index
        %get3A_587 = tpu.vector_load %arg6[%get3A_585, %get3A_586] {strides = array<i32>} : memref<100x64xf32, #tpu.memory_space<vmem>>, vector<1x16xf32>,
        %get3A_588 = vector.shape_cast %get3A_587 : vector<1x16xf32> to vector<16xf32>
        %max3A_589 = arith.maximumf %max3A_561, %get3A_588 : vector<16xf32>
        %add3A_590 = arith.constant 12 : i32
        %add3A_591 = arith.addi %mul3A_233, %add3A_590 : i32
        %get3A_592 = arith.index_cast %add3A_591 : i32 to index
        %get3A_593 = arith.constant 48 : index
        %get3A_594 = tpu.vector_load %arg6[%get3A_592, %get3A_593] {strides = array<i32>} : memref<100x64xf32, #tpu.memory_space<vmem>>, vector<1x16xf32>,
        %get3A_595 = vector.shape_cast %get3A_594 : vector<1x16xf32> to vector<16xf32>
        %max3A_596 = arith.maximumf %max3A_568, %get3A_595 : vector<16xf32>
        %add3A_597 = arith.constant 13 : i32
        %add3A_598 = arith.addi %mul3A_233, %add3A_597 : i32
        %get3A_599 = arith.index_cast %add3A_598 : i32 to index
        %get3A_600 = arith.constant 0 : index
        %get3A_601 = tpu.vector_load %arg6[%get3A_599, %get3A_600] {strides = array<i32>} : memref<100x64xf32, #tpu.memory_space<vmem>>, vector<1x16xf32>,
        %get3A_602 = vector.shape_cast %get3A_601 : vector<1x16xf32> to vector<16xf32>
        %max3A_603 = arith.maximumf %max3A_575, %get3A_602 : vector<16xf32>
        %add3A_604 = arith.constant 13 : i32
        %add3A_605 = arith.addi %mul3A_233, %add3A_604 : i32
        %get3A_606 = arith.index_cast %add3A_605 : i32 to index
        %get3A_607 = arith.constant 16 : index
        %get3A_608 = tpu.vector_load %arg6[%get3A_606, %get3A_607] {strides = array<i32>} : memref<100x64xf32, #tpu.memory_space<vmem>>, vector<1x16xf32>,
        %get3A_609 = vector.shape_cast %get3A_608 : vector<1x16xf32> to vector<16xf32>
        %max3A_610 = arith.maximumf %max3A_582, %get3A_609 : vector<16xf32>
        %add3A_611 = arith.constant 13 : i32
        %add3A_612 = arith.addi %mul3A_233, %add3A_611 : i32
        %get3A_613 = arith.index_cast %add3A_612 : i32 to index
        %get3A_614 = arith.constant 32 : index
        %get3A_615 = tpu.vector_load %arg6[%get3A_613, %get3A_614] {strides = array<i32>} : memref<100x64xf32, #tpu.memory_space<vmem>>, vector<1x16xf32>,
        %get3A_616 = vector.shape_cast %get3A_615 : vector<1x16xf32> to vector<16xf32>
        %max3A_617 = arith.maximumf %max3A_589, %get3A_616 : vector<16xf32>
        %add3A_618 = arith.constant 13 : i32
        %add3A_619 = arith.addi %mul3A_233, %add3A_618 : i32
        %get3A_620 = arith.index_cast %add3A_619 : i32 to index
        %get3A_621 = arith.constant 48 : index
        %get3A_622 = tpu.vector_load %arg6[%get3A_620, %get3A_621] {strides = array<i32>} : memref<100x64xf32, #tpu.memory_space<vmem>>, vector<1x16xf32>,
        %get3A_623 = vector.shape_cast %get3A_622 : vector<1x16xf32> to vector<16xf32>
        %max3A_624 = arith.maximumf %max3A_596, %get3A_623 : vector<16xf32>
        %add3A_625 = arith.constant 14 : i32
        %add3A_626 = arith.addi %mul3A_233, %add3A_625 : i32
        %get3A_627 = arith.index_cast %add3A_626 : i32 to index
        %get3A_628 = arith.constant 0 : index
        %get3A_629 = tpu.vector_load %arg6[%get3A_627, %get3A_628] {strides = array<i32>} : memref<100x64xf32, #tpu.memory_space<vmem>>, vector<1x16xf32>,
        %get3A_630 = vector.shape_cast %get3A_629 : vector<1x16xf32> to vector<16xf32>
        %max3A_631 = arith.maximumf %max3A_603, %get3A_630 : vector<16xf32>
        %add3A_632 = arith.constant 14 : i32
        %add3A_633 = arith.addi %mul3A_233, %add3A_632 : i32
        %get3A_634 = arith.index_cast %add3A_633 : i32 to index
        %get3A_635 = arith.constant 16 : index
        %get3A_636 = tpu.vector_load %arg6[%get3A_634, %get3A_635] {strides = array<i32>} : memref<100x64xf32, #tpu.memory_space<vmem>>, vector<1x16xf32>,
        %get3A_637 = vector.shape_cast %get3A_636 : vector<1x16xf32> to vector<16xf32>
        %max3A_638 = arith.maximumf %max3A_610, %get3A_637 : vector<16xf32>
        %add3A_639 = arith.constant 14 : i32
        %add3A_640 = arith.addi %mul3A_233, %add3A_639 : i32
        %get3A_641 = arith.index_cast %add3A_640 : i32 to index
        %get3A_642 = arith.constant 32 : index
        %get3A_643 = tpu.vector_load %arg6[%get3A_641, %get3A_642] {strides = array<i32>} : memref<100x64xf32, #tpu.memory_space<vmem>>, vector<1x16xf32>,
        %get3A_644 = vector.shape_cast %get3A_643 : vector<1x16xf32> to vector<16xf32>
        %max3A_645 = arith.maximumf %max3A_617, %get3A_644 : vector<16xf32>
        %add3A_646 = arith.constant 14 : i32
        %add3A_647 = arith.addi %mul3A_233, %add3A_646 : i32
        %get3A_648 = arith.index_cast %add3A_647 : i32 to index
        %get3A_649 = arith.constant 48 : index
        %get3A_650 = tpu.vector_load %arg6[%get3A_648, %get3A_649] {strides = array<i32>} : memref<100x64xf32, #tpu.memory_space<vmem>>, vector<1x16xf32>,
        %get3A_651 = vector.shape_cast %get3A_650 : vector<1x16xf32> to vector<16xf32>
        %max3A_652 = arith.maximumf %max3A_624, %get3A_651 : vector<16xf32>
        %add3A_653 = arith.constant 15 : i32
        %add3A_654 = arith.addi %mul3A_233, %add3A_653 : i32
        %get3A_655 = arith.index_cast %add3A_654 : i32 to index
        %get3A_656 = arith.constant 0 : index
        %get3A_657 = tpu.vector_load %arg6[%get3A_655, %get3A_656] {strides = array<i32>} : memref<100x64xf32, #tpu.memory_space<vmem>>, vector<1x16xf32>,
        %get3A_658 = vector.shape_cast %get3A_657 : vector<1x16xf32> to vector<16xf32>
        %max3A_659 = arith.maximumf %max3A_631, %get3A_658 : vector<16xf32>
        %add3A_660 = arith.constant 15 : i32
        %add3A_661 = arith.addi %mul3A_233, %add3A_660 : i32
        %get3A_662 = arith.index_cast %add3A_661 : i32 to index
        %get3A_663 = arith.constant 16 : index
        %get3A_664 = tpu.vector_load %arg6[%get3A_662, %get3A_663] {strides = array<i32>} : memref<100x64xf32, #tpu.memory_space<vmem>>, vector<1x16xf32>,
        %get3A_665 = vector.shape_cast %get3A_664 : vector<1x16xf32> to vector<16xf32>
        %max3A_666 = arith.maximumf %max3A_638, %get3A_665 : vector<16xf32>
        %add3A_667 = arith.constant 15 : i32
        %add3A_668 = arith.addi %mul3A_233, %add3A_667 : i32
        %get3A_669 = arith.index_cast %add3A_668 : i32 to index
        %get3A_670 = arith.constant 32 : index
        %get3A_671 = tpu.vector_load %arg6[%get3A_669, %get3A_670] {strides = array<i32>} : memref<100x64xf32, #tpu.memory_space<vmem>>, vector<1x16xf32>,
        %get3A_672 = vector.shape_cast %get3A_671 : vector<1x16xf32> to vector<16xf32>
        %max3A_673 = arith.maximumf %max3A_645, %get3A_672 : vector<16xf32>
        %add3A_674 = arith.constant 15 : i32
        %add3A_675 = arith.addi %mul3A_233, %add3A_674 : i32
        %get3A_676 = arith.index_cast %add3A_675 : i32 to index
        %get3A_677 = arith.constant 48 : index
        %get3A_678 = tpu.vector_load %arg6[%get3A_676, %get3A_677] {strides = array<i32>} : memref<100x64xf32, #tpu.memory_space<vmem>>, vector<1x16xf32>,
        %get3A_679 = vector.shape_cast %get3A_678 : vector<1x16xf32> to vector<16xf32>
        %max3A_680 = arith.maximumf %max3A_652, %get3A_679 : vector<16xf32>
        %add3A_681 = arith.constant 16 : i32
        %add3A_682 = arith.addi %mul3A_233, %add3A_681 : i32
        %get3A_683 = arith.index_cast %add3A_682 : i32 to index
        %get3A_684 = arith.constant 0 : index
        %get3A_685 = tpu.vector_load %arg6[%get3A_683, %get3A_684] {strides = array<i32>} : memref<100x64xf32, #tpu.memory_space<vmem>>, vector<1x16xf32>,
        %get3A_686 = vector.shape_cast %get3A_685 : vector<1x16xf32> to vector<16xf32>
        %max3A_687 = arith.maximumf %max3A_659, %get3A_686 : vector<16xf32>
        %add3A_688 = arith.constant 16 : i32
        %add3A_689 = arith.addi %mul3A_233, %add3A_688 : i32
        %get3A_690 = arith.index_cast %add3A_689 : i32 to index
        %get3A_691 = arith.constant 16 : index
        %get3A_692 = tpu.vector_load %arg6[%get3A_690, %get3A_691] {strides = array<i32>} : memref<100x64xf32, #tpu.memory_space<vmem>>, vector<1x16xf32>,
        %get3A_693 = vector.shape_cast %get3A_692 : vector<1x16xf32> to vector<16xf32>
        %max3A_694 = arith.maximumf %max3A_666, %get3A_693 : vector<16xf32>
        %add3A_695 = arith.constant 16 : i32
        %add3A_696 = arith.addi %mul3A_233, %add3A_695 : i32
        %get3A_697 = arith.index_cast %add3A_696 : i32 to index
        %get3A_698 = arith.constant 32 : index
        %get3A_699 = tpu.vector_load %arg6[%get3A_697, %get3A_698] {strides = array<i32>} : memref<100x64xf32, #tpu.memory_space<vmem>>, vector<1x16xf32>,
        %get3A_700 = vector.shape_cast %get3A_699 : vector<1x16xf32> to vector<16xf32>
        %max3A_701 = arith.maximumf %max3A_673, %get3A_700 : vector<16xf32>
        %add3A_702 = arith.constant 16 : i32
        %add3A_703 = arith.addi %mul3A_233, %add3A_702 : i32
        %get3A_704 = arith.index_cast %add3A_703 : i32 to index
        %get3A_705 = arith.constant 48 : index
        %get3A_706 = tpu.vector_load %arg6[%get3A_704, %get3A_705] {strides = array<i32>} : memref<100x64xf32, #tpu.memory_space<vmem>>, vector<1x16xf32>,
        %get3A_707 = vector.shape_cast %get3A_706 : vector<1x16xf32> to vector<16xf32>
        %max3A_708 = arith.maximumf %max3A_680, %get3A_707 : vector<16xf32>
        %add3A_709 = arith.constant 17 : i32
        %add3A_710 = arith.addi %mul3A_233, %add3A_709 : i32
        %get3A_711 = arith.index_cast %add3A_710 : i32 to index
        %get3A_712 = arith.constant 0 : index
        %get3A_713 = tpu.vector_load %arg6[%get3A_711, %get3A_712] {strides = array<i32>} : memref<100x64xf32, #tpu.memory_space<vmem>>, vector<1x16xf32>,
        %get3A_714 = vector.shape_cast %get3A_713 : vector<1x16xf32> to vector<16xf32>
        %max3A_715 = arith.maximumf %max3A_687, %get3A_714 : vector<16xf32>
        %add3A_716 = arith.constant 17 : i32
        %add3A_717 = arith.addi %mul3A_233, %add3A_716 : i32
        %get3A_718 = arith.index_cast %add3A_717 : i32 to index
        %get3A_719 = arith.constant 16 : index
        %get3A_720 = tpu.vector_load %arg6[%get3A_718, %get3A_719] {strides = array<i32>} : memref<100x64xf32, #tpu.memory_space<vmem>>, vector<1x16xf32>,
        %get3A_721 = vector.shape_cast %get3A_720 : vector<1x16xf32> to vector<16xf32>
        %max3A_722 = arith.maximumf %max3A_694, %get3A_721 : vector<16xf32>
        %add3A_723 = arith.constant 17 : i32
        %add3A_724 = arith.addi %mul3A_233, %add3A_723 : i32
        %get3A_725 = arith.index_cast %add3A_724 : i32 to index
        %get3A_726 = arith.constant 32 : index
        %get3A_727 = tpu.vector_load %arg6[%get3A_725, %get3A_726] {strides = array<i32>} : memref<100x64xf32, #tpu.memory_space<vmem>>, vector<1x16xf32>,
        %get3A_728 = vector.shape_cast %get3A_727 : vector<1x16xf32> to vector<16xf32>
        %max3A_729 = arith.maximumf %max3A_701, %get3A_728 : vector<16xf32>
        %add3A_730 = arith.constant 17 : i32
        %add3A_731 = arith.addi %mul3A_233, %add3A_730 : i32
        %get3A_732 = arith.index_cast %add3A_731 : i32 to index
        %get3A_733 = arith.constant 48 : index
        %get3A_734 = tpu.vector_load %arg6[%get3A_732, %get3A_733] {strides = array<i32>} : memref<100x64xf32, #tpu.memory_space<vmem>>, vector<1x16xf32>,
        %get3A_735 = vector.shape_cast %get3A_734 : vector<1x16xf32> to vector<16xf32>
        %max3A_736 = arith.maximumf %max3A_708, %get3A_735 : vector<16xf32>
        %add3A_737 = arith.constant 18 : i32
        %add3A_738 = arith.addi %mul3A_233, %add3A_737 : i32
        %get3A_739 = arith.index_cast %add3A_738 : i32 to index
        %get3A_740 = arith.constant 0 : index
        %get3A_741 = tpu.vector_load %arg6[%get3A_739, %get3A_740] {strides = array<i32>} : memref<100x64xf32, #tpu.memory_space<vmem>>, vector<1x16xf32>,
        %get3A_742 = vector.shape_cast %get3A_741 : vector<1x16xf32> to vector<16xf32>
        %max3A_743 = arith.maximumf %max3A_715, %get3A_742 : vector<16xf32>
        %add3A_744 = arith.constant 18 : i32
        %add3A_745 = arith.addi %mul3A_233, %add3A_744 : i32
        %get3A_746 = arith.index_cast %add3A_745 : i32 to index
        %get3A_747 = arith.constant 16 : index
        %get3A_748 = tpu.vector_load %arg6[%get3A_746, %get3A_747] {strides = array<i32>} : memref<100x64xf32, #tpu.memory_space<vmem>>, vector<1x16xf32>,
        %get3A_749 = vector.shape_cast %get3A_748 : vector<1x16xf32> to vector<16xf32>
        %max3A_750 = arith.maximumf %max3A_722, %get3A_749 : vector<16xf32>
        %add3A_751 = arith.constant 18 : i32
        %add3A_752 = arith.addi %mul3A_233, %add3A_751 : i32
        %get3A_753 = arith.index_cast %add3A_752 : i32 to index
        %get3A_754 = arith.constant 32 : index
        %get3A_755 = tpu.vector_load %arg6[%get3A_753, %get3A_754] {strides = array<i32>} : memref<100x64xf32, #tpu.memory_space<vmem>>, vector<1x16xf32>,
        %get3A_756 = vector.shape_cast %get3A_755 : vector<1x16xf32> to vector<16xf32>
        %max3A_757 = arith.maximumf %max3A_729, %get3A_756 : vector<16xf32>
        %add3A_758 = arith.constant 18 : i32
        %add3A_759 = arith.addi %mul3A_233, %add3A_758 : i32
        %get3A_760 = arith.index_cast %add3A_759 : i32 to index
        %get3A_761 = arith.constant 48 : index
        %get3A_762 = tpu.vector_load %arg6[%get3A_760, %get3A_761] {strides = array<i32>} : memref<100x64xf32, #tpu.memory_space<vmem>>, vector<1x16xf32>,
        %get3A_763 = vector.shape_cast %get3A_762 : vector<1x16xf32> to vector<16xf32>
        %max3A_764 = arith.maximumf %max3A_736, %get3A_763 : vector<16xf32>
        %add3A_765 = arith.constant 19 : i32
        %add3A_766 = arith.addi %mul3A_233, %add3A_765 : i32
        %get3A_767 = arith.index_cast %add3A_766 : i32 to index
        %get3A_768 = arith.constant 0 : index
        %get3A_769 = tpu.vector_load %arg6[%get3A_767, %get3A_768] {strides = array<i32>} : memref<100x64xf32, #tpu.memory_space<vmem>>, vector<1x16xf32>,
        %get3A_770 = vector.shape_cast %get3A_769 : vector<1x16xf32> to vector<16xf32>
        %max3A_771 = arith.maximumf %max3A_743, %get3A_770 : vector<16xf32>
        %add3A_772 = arith.constant 19 : i32
        %add3A_773 = arith.addi %mul3A_233, %add3A_772 : i32
        %get3A_774 = arith.index_cast %add3A_773 : i32 to index
        %get3A_775 = arith.constant 16 : index
        %get3A_776 = tpu.vector_load %arg6[%get3A_774, %get3A_775] {strides = array<i32>} : memref<100x64xf32, #tpu.memory_space<vmem>>, vector<1x16xf32>,
        %get3A_777 = vector.shape_cast %get3A_776 : vector<1x16xf32> to vector<16xf32>
        %max3A_778 = arith.maximumf %max3A_750, %get3A_777 : vector<16xf32>
        %add3A_779 = arith.constant 19 : i32
        %add3A_780 = arith.addi %mul3A_233, %add3A_779 : i32
        %get3A_781 = arith.index_cast %add3A_780 : i32 to index
        %get3A_782 = arith.constant 32 : index
        %get3A_783 = tpu.vector_load %arg6[%get3A_781, %get3A_782] {strides = array<i32>} : memref<100x64xf32, #tpu.memory_space<vmem>>, vector<1x16xf32>,
        %get3A_784 = vector.shape_cast %get3A_783 : vector<1x16xf32> to vector<16xf32>
        %max3A_785 = arith.maximumf %max3A_757, %get3A_784 : vector<16xf32>
        %add3A_786 = arith.constant 19 : i32
        %add3A_787 = arith.addi %mul3A_233, %add3A_786 : i32
        %get3A_788 = arith.index_cast %add3A_787 : i32 to index
        %get3A_789 = arith.constant 48 : index
        %get3A_790 = tpu.vector_load %arg6[%get3A_788, %get3A_789] {strides = array<i32>} : memref<100x64xf32, #tpu.memory_space<vmem>>, vector<1x16xf32>,
        %get3A_791 = vector.shape_cast %get3A_790 : vector<1x16xf32> to vector<16xf32>
        %max3A_792 = arith.maximumf %max3A_764, %get3A_791 : vector<16xf32>
        scf.yield %max3A_771, %max3A_778, %max3A_785, %max3A_792 : vector<16xf32>, vector<16xf32>, vector<16xf32>, vector<16xf32>
      }
      %scan3A_59 = arith.constant 5 : i32
      %lt3A = arith.constant 63 : i32
      %lt3A_60 = arith.cmpi slt, %scan3A_37, %lt3A : i32
      %convert_element_type3A = arith.extui %lt3A_60 : i1 to i32
      %cond3A = arith.constant 0 : i32
      %cond3A_61 = arith.cmpi ne, %convert_element_type3A, %cond3A : i32
      scf.if %cond3A_61 {
        %add3A_227 = arith.constant 4 : i32
        %add3A_228 = arith.addi %add3A_41, %add3A_227 : i32
        %dma_start3A_229 = arith.constant 0 : i32
        %dma_start3A_230 = tpu.memref_slice %arg5[%add3A_228, %dma_start3A_229] : memref<256x100xi32, #tpu.memory_space<vmem>> -> memref<1x100xi32, #tpu.memory_space<vmem>>
        %dma_start3A_231 = tpu.memref_squeeze %dma_start3A_230 : memref<1x100xi32, #tpu.memory_space<vmem>> -> memref<100xi32, #tpu.memory_space<vmem>>
        %dma_start3A_232 = arith.constant 0 : i32
        %dma_start3A_233 = arith.constant 0 : i32
        %dma_start3A_234 = tpu.memref_slice %arg3[%dma_start3A_232, %dma_start3A_233] : memref<1000000x64xf32, #tpu.memory_space<hbm>> -> memref<1000000x64xf32, #tpu.memory_space<hbm>>
        tpu.enqueue_indirect_dma source(%dma_start3A_234 : memref<1000000x64xf32, #tpu.memory_space<hbm>>) target(%arg6 : memref<100x64xf32, #tpu.memory_space<vmem>>) offsets(%dma_start3A_231 : memref<100xi32, #tpu.memory_space<vmem>>) semaphore(%arg11 : memref<!tpu.dma_semaphore, #tpu.memory_space<semaphore_mem>>)
      } else {
      }
      %mul3A_62 = arith.constant 4 : i32
      %mul3A_63 = arith.muli %mul3A_62, %scan3A_37 : i32
      %add3A_64 = arith.constant 1 : i32
      %add3A_65 = arith.addi %mul3A_63, %add3A_64 : i32
      %dma_wait3A_66 = arith.constant 0 : i32
      %dma_wait3A_67 = tpu.memref_slice %arg5[%add3A_65, %dma_wait3A_66] : memref<256x100xi32, #tpu.memory_space<vmem>> -> memref<1x100xi32, #tpu.memory_space<vmem>>
      %dma_wait3A_68 = tpu.memref_squeeze %dma_wait3A_67 : memref<1x100xi32, #tpu.memory_space<vmem>> -> memref<100xi32, #tpu.memory_space<vmem>>
      %dma_wait3A_69 = arith.constant 0 : i32
      %dma_wait3A_70 = arith.constant 0 : i32
      %dma_wait3A_71 = tpu.memref_slice %arg3[%dma_wait3A_69, %dma_wait3A_70] : memref<1000000x64xf32, #tpu.memory_space<hbm>> -> memref<1000000x64xf32, #tpu.memory_space<hbm>>
      tpu.wait_indirect_dma semaphore(%arg12 : memref<!tpu.dma_semaphore, #tpu.memory_space<semaphore_mem>>) src(%dma_wait3A_71 : memref<1000000x64xf32, #tpu.memory_space<hbm>>) dst(%arg7 : memref<100x64xf32, #tpu.memory_space<vmem>>)
      %broadcast_in_dim3A_72 = arith.constant -3.40282347E+38 : f32
      %broadcast_in_dim3A_73 = vector.broadcast %broadcast_in_dim3A_72 : f32 to vector<16xf32>
      %broadcast_in_dim3A_74 = arith.constant -3.40282347E+38 : f32
      %broadcast_in_dim3A_75 = vector.broadcast %broadcast_in_dim3A_74 : f32 to vector<16xf32>
      %broadcast_in_dim3A_76 = arith.constant -3.40282347E+38 : f32
      %broadcast_in_dim3A_77 = vector.broadcast %broadcast_in_dim3A_76 : f32 to vector<16xf32>
      %broadcast_in_dim3A_78 = arith.constant -3.40282347E+38 : f32
      %broadcast_in_dim3A_79 = vector.broadcast %broadcast_in_dim3A_78 : f32 to vector<16xf32>
      %scan3A_80 = arith.constant 0 : i32
      %scan3A_81 = arith.constant 5 : i32
      %scan3A_82 = arith.addi %scan3A_80, %scan3A_81 : i32
      %scan3A_83 = arith.constant 1 : i32
      %scan3A_84:4 = scf.for %scan3A_227 = %scan3A_80 to %scan3A_82 step %scan3A_83 iter_args(%scan3A_228 = %broadcast_in_dim3A_73, %scan3A_229 = %broadcast_in_dim3A_75, %scan3A_230 = %broadcast_in_dim3A_77, %scan3A_231 = %broadcast_in_dim3A_79) -> (vector<16xf32>, vector<16xf32>, vector<16xf32>, vector<16xf32>)  : i32 {
        %mul3A_232 = arith.constant 20 : i32
        %mul3A_233 = arith.muli %scan3A_227, %mul3A_232 : i32
        %add3A_234 = arith.constant 0 : i32
        %add3A_235 = arith.addi %mul3A_233, %add3A_234 : i32
        %get3A = arith.index_cast %add3A_235 : i32 to index
        %get3A_236 = arith.constant 0 : index
        %get3A_237 = tpu.vector_load %arg7[%get3A, %get3A_236] {strides = array<i32>} : memref<100x64xf32, #tpu.memory_space<vmem>>, vector<1x16xf32>,
        %get3A_238 = vector.shape_cast %get3A_237 : vector<1x16xf32> to vector<16xf32>
        %max3A_239 = arith.maximumf %scan3A_228, %get3A_238 : vector<16xf32>
        %add3A_240 = arith.constant 0 : i32
        %add3A_241 = arith.addi %mul3A_233, %add3A_240 : i32
        %get3A_242 = arith.index_cast %add3A_241 : i32 to index
        %get3A_243 = arith.constant 16 : index
        %get3A_244 = tpu.vector_load %arg7[%get3A_242, %get3A_243] {strides = array<i32>} : memref<100x64xf32, #tpu.memory_space<vmem>>, vector<1x16xf32>,
        %get3A_245 = vector.shape_cast %get3A_244 : vector<1x16xf32> to vector<16xf32>
        %max3A_246 = arith.maximumf %scan3A_229, %get3A_245 : vector<16xf32>
        %add3A_247 = arith.constant 0 : i32
        %add3A_248 = arith.addi %mul3A_233, %add3A_247 : i32
        %get3A_249 = arith.index_cast %add3A_248 : i32 to index
        %get3A_250 = arith.constant 32 : index
        %get3A_251 = tpu.vector_load %arg7[%get3A_249, %get3A_250] {strides = array<i32>} : memref<100x64xf32, #tpu.memory_space<vmem>>, vector<1x16xf32>,
        %get3A_252 = vector.shape_cast %get3A_251 : vector<1x16xf32> to vector<16xf32>
        %max3A_253 = arith.maximumf %scan3A_230, %get3A_252 : vector<16xf32>
        %add3A_254 = arith.constant 0 : i32
        %add3A_255 = arith.addi %mul3A_233, %add3A_254 : i32
        %get3A_256 = arith.index_cast %add3A_255 : i32 to index
        %get3A_257 = arith.constant 48 : index
        %get3A_258 = tpu.vector_load %arg7[%get3A_256, %get3A_257] {strides = array<i32>} : memref<100x64xf32, #tpu.memory_space<vmem>>, vector<1x16xf32>,
        %get3A_259 = vector.shape_cast %get3A_258 : vector<1x16xf32> to vector<16xf32>
        %max3A_260 = arith.maximumf %scan3A_231, %get3A_259 : vector<16xf32>
        %add3A_261 = arith.constant 1 : i32
        %add3A_262 = arith.addi %mul3A_233, %add3A_261 : i32
        %get3A_263 = arith.index_cast %add3A_262 : i32 to index
        %get3A_264 = arith.constant 0 : index
        %get3A_265 = tpu.vector_load %arg7[%get3A_263, %get3A_264] {strides = array<i32>} : memref<100x64xf32, #tpu.memory_space<vmem>>, vector<1x16xf32>,
        %get3A_266 = vector.shape_cast %get3A_265 : vector<1x16xf32> to vector<16xf32>
        %max3A_267 = arith.maximumf %max3A_239, %get3A_266 : vector<16xf32>
        %add3A_268 = arith.constant 1 : i32
        %add3A_269 = arith.addi %mul3A_233, %add3A_268 : i32
        %get3A_270 = arith.index_cast %add3A_269 : i32 to index
        %get3A_271 = arith.constant 16 : index
        %get3A_272 = tpu.vector_load %arg7[%get3A_270, %get3A_271] {strides = array<i32>} : memref<100x64xf32, #tpu.memory_space<vmem>>, vector<1x16xf32>,
        %get3A_273 = vector.shape_cast %get3A_272 : vector<1x16xf32> to vector<16xf32>
        %max3A_274 = arith.maximumf %max3A_246, %get3A_273 : vector<16xf32>
        %add3A_275 = arith.constant 1 : i32
        %add3A_276 = arith.addi %mul3A_233, %add3A_275 : i32
        %get3A_277 = arith.index_cast %add3A_276 : i32 to index
        %get3A_278 = arith.constant 32 : index
        %get3A_279 = tpu.vector_load %arg7[%get3A_277, %get3A_278] {strides = array<i32>} : memref<100x64xf32, #tpu.memory_space<vmem>>, vector<1x16xf32>,
        %get3A_280 = vector.shape_cast %get3A_279 : vector<1x16xf32> to vector<16xf32>
        %max3A_281 = arith.maximumf %max3A_253, %get3A_280 : vector<16xf32>
        %add3A_282 = arith.constant 1 : i32
        %add3A_283 = arith.addi %mul3A_233, %add3A_282 : i32
        %get3A_284 = arith.index_cast %add3A_283 : i32 to index
        %get3A_285 = arith.constant 48 : index
        %get3A_286 = tpu.vector_load %arg7[%get3A_284, %get3A_285] {strides = array<i32>} : memref<100x64xf32, #tpu.memory_space<vmem>>, vector<1x16xf32>,
        %get3A_287 = vector.shape_cast %get3A_286 : vector<1x16xf32> to vector<16xf32>
        %max3A_288 = arith.maximumf %max3A_260, %get3A_287 : vector<16xf32>
        %add3A_289 = arith.constant 2 : i32
        %add3A_290 = arith.addi %mul3A_233, %add3A_289 : i32
        %get3A_291 = arith.index_cast %add3A_290 : i32 to index
        %get3A_292 = arith.constant 0 : index
        %get3A_293 = tpu.vector_load %arg7[%get3A_291, %get3A_292] {strides = array<i32>} : memref<100x64xf32, #tpu.memory_space<vmem>>, vector<1x16xf32>,
        %get3A_294 = vector.shape_cast %get3A_293 : vector<1x16xf32> to vector<16xf32>
        %max3A_295 = arith.maximumf %max3A_267, %get3A_294 : vector<16xf32>
        %add3A_296 = arith.constant 2 : i32
        %add3A_297 = arith.addi %mul3A_233, %add3A_296 : i32
        %get3A_298 = arith.index_cast %add3A_297 : i32 to index
        %get3A_299 = arith.constant 16 : index
        %get3A_300 = tpu.vector_load %arg7[%get3A_298, %get3A_299] {strides = array<i32>} : memref<100x64xf32, #tpu.memory_space<vmem>>, vector<1x16xf32>,
        %get3A_301 = vector.shape_cast %get3A_300 : vector<1x16xf32> to vector<16xf32>
        %max3A_302 = arith.maximumf %max3A_274, %get3A_301 : vector<16xf32>
        %add3A_303 = arith.constant 2 : i32
        %add3A_304 = arith.addi %mul3A_233, %add3A_303 : i32
        %get3A_305 = arith.index_cast %add3A_304 : i32 to index
        %get3A_306 = arith.constant 32 : index
        %get3A_307 = tpu.vector_load %arg7[%get3A_305, %get3A_306] {strides = array<i32>} : memref<100x64xf32, #tpu.memory_space<vmem>>, vector<1x16xf32>,
        %get3A_308 = vector.shape_cast %get3A_307 : vector<1x16xf32> to vector<16xf32>
        %max3A_309 = arith.maximumf %max3A_281, %get3A_308 : vector<16xf32>
        %add3A_310 = arith.constant 2 : i32
        %add3A_311 = arith.addi %mul3A_233, %add3A_310 : i32
        %get3A_312 = arith.index_cast %add3A_311 : i32 to index
        %get3A_313 = arith.constant 48 : index
        %get3A_314 = tpu.vector_load %arg7[%get3A_312, %get3A_313] {strides = array<i32>} : memref<100x64xf32, #tpu.memory_space<vmem>>, vector<1x16xf32>,
        %get3A_315 = vector.shape_cast %get3A_314 : vector<1x16xf32> to vector<16xf32>
        %max3A_316 = arith.maximumf %max3A_288, %get3A_315 : vector<16xf32>
        %add3A_317 = arith.constant 3 : i32
        %add3A_318 = arith.addi %mul3A_233, %add3A_317 : i32
        %get3A_319 = arith.index_cast %add3A_318 : i32 to index
        %get3A_320 = arith.constant 0 : index
        %get3A_321 = tpu.vector_load %arg7[%get3A_319, %get3A_320] {strides = array<i32>} : memref<100x64xf32, #tpu.memory_space<vmem>>, vector<1x16xf32>,
        %get3A_322 = vector.shape_cast %get3A_321 : vector<1x16xf32> to vector<16xf32>
        %max3A_323 = arith.maximumf %max3A_295, %get3A_322 : vector<16xf32>
        %add3A_324 = arith.constant 3 : i32
        %add3A_325 = arith.addi %mul3A_233, %add3A_324 : i32
        %get3A_326 = arith.index_cast %add3A_325 : i32 to index
        %get3A_327 = arith.constant 16 : index
        %get3A_328 = tpu.vector_load %arg7[%get3A_326, %get3A_327] {strides = array<i32>} : memref<100x64xf32, #tpu.memory_space<vmem>>, vector<1x16xf32>,
        %get3A_329 = vector.shape_cast %get3A_328 : vector<1x16xf32> to vector<16xf32>
        %max3A_330 = arith.maximumf %max3A_302, %get3A_329 : vector<16xf32>
        %add3A_331 = arith.constant 3 : i32
        %add3A_332 = arith.addi %mul3A_233, %add3A_331 : i32
        %get3A_333 = arith.index_cast %add3A_332 : i32 to index
        %get3A_334 = arith.constant 32 : index
        %get3A_335 = tpu.vector_load %arg7[%get3A_333, %get3A_334] {strides = array<i32>} : memref<100x64xf32, #tpu.memory_space<vmem>>, vector<1x16xf32>,
        %get3A_336 = vector.shape_cast %get3A_335 : vector<1x16xf32> to vector<16xf32>
        %max3A_337 = arith.maximumf %max3A_309, %get3A_336 : vector<16xf32>
        %add3A_338 = arith.constant 3 : i32
        %add3A_339 = arith.addi %mul3A_233, %add3A_338 : i32
        %get3A_340 = arith.index_cast %add3A_339 : i32 to index
        %get3A_341 = arith.constant 48 : index
        %get3A_342 = tpu.vector_load %arg7[%get3A_340, %get3A_341] {strides = array<i32>} : memref<100x64xf32, #tpu.memory_space<vmem>>, vector<1x16xf32>,
        %get3A_343 = vector.shape_cast %get3A_342 : vector<1x16xf32> to vector<16xf32>
        %max3A_344 = arith.maximumf %max3A_316, %get3A_343 : vector<16xf32>
        %add3A_345 = arith.constant 4 : i32
        %add3A_346 = arith.addi %mul3A_233, %add3A_345 : i32
        %get3A_347 = arith.index_cast %add3A_346 : i32 to index
        %get3A_348 = arith.constant 0 : index
        %get3A_349 = tpu.vector_load %arg7[%get3A_347, %get3A_348] {strides = array<i32>} : memref<100x64xf32, #tpu.memory_space<vmem>>, vector<1x16xf32>,
        %get3A_350 = vector.shape_cast %get3A_349 : vector<1x16xf32> to vector<16xf32>
        %max3A_351 = arith.maximumf %max3A_323, %get3A_350 : vector<16xf32>
        %add3A_352 = arith.constant 4 : i32
        %add3A_353 = arith.addi %mul3A_233, %add3A_352 : i32
        %get3A_354 = arith.index_cast %add3A_353 : i32 to index
        %get3A_355 = arith.constant 16 : index
        %get3A_356 = tpu.vector_load %arg7[%get3A_354, %get3A_355] {strides = array<i32>} : memref<100x64xf32, #tpu.memory_space<vmem>>, vector<1x16xf32>,
        %get3A_357 = vector.shape_cast %get3A_356 : vector<1x16xf32> to vector<16xf32>
        %max3A_358 = arith.maximumf %max3A_330, %get3A_357 : vector<16xf32>
        %add3A_359 = arith.constant 4 : i32
        %add3A_360 = arith.addi %mul3A_233, %add3A_359 : i32
        %get3A_361 = arith.index_cast %add3A_360 : i32 to index
        %get3A_362 = arith.constant 32 : index
        %get3A_363 = tpu.vector_load %arg7[%get3A_361, %get3A_362] {strides = array<i32>} : memref<100x64xf32, #tpu.memory_space<vmem>>, vector<1x16xf32>,
        %get3A_364 = vector.shape_cast %get3A_363 : vector<1x16xf32> to vector<16xf32>
        %max3A_365 = arith.maximumf %max3A_337, %get3A_364 : vector<16xf32>
        %add3A_366 = arith.constant 4 : i32
        %add3A_367 = arith.addi %mul3A_233, %add3A_366 : i32
        %get3A_368 = arith.index_cast %add3A_367 : i32 to index
        %get3A_369 = arith.constant 48 : index
        %get3A_370 = tpu.vector_load %arg7[%get3A_368, %get3A_369] {strides = array<i32>} : memref<100x64xf32, #tpu.memory_space<vmem>>, vector<1x16xf32>,
        %get3A_371 = vector.shape_cast %get3A_370 : vector<1x16xf32> to vector<16xf32>
        %max3A_372 = arith.maximumf %max3A_344, %get3A_371 : vector<16xf32>
        %add3A_373 = arith.constant 5 : i32
        %add3A_374 = arith.addi %mul3A_233, %add3A_373 : i32
        %get3A_375 = arith.index_cast %add3A_374 : i32 to index
        %get3A_376 = arith.constant 0 : index
        %get3A_377 = tpu.vector_load %arg7[%get3A_375, %get3A_376] {strides = array<i32>} : memref<100x64xf32, #tpu.memory_space<vmem>>, vector<1x16xf32>,
        %get3A_378 = vector.shape_cast %get3A_377 : vector<1x16xf32> to vector<16xf32>
        %max3A_379 = arith.maximumf %max3A_351, %get3A_378 : vector<16xf32>
        %add3A_380 = arith.constant 5 : i32
        %add3A_381 = arith.addi %mul3A_233, %add3A_380 : i32
        %get3A_382 = arith.index_cast %add3A_381 : i32 to index
        %get3A_383 = arith.constant 16 : index
        %get3A_384 = tpu.vector_load %arg7[%get3A_382, %get3A_383] {strides = array<i32>} : memref<100x64xf32, #tpu.memory_space<vmem>>, vector<1x16xf32>,
        %get3A_385 = vector.shape_cast %get3A_384 : vector<1x16xf32> to vector<16xf32>
        %max3A_386 = arith.maximumf %max3A_358, %get3A_385 : vector<16xf32>
        %add3A_387 = arith.constant 5 : i32
        %add3A_388 = arith.addi %mul3A_233, %add3A_387 : i32
        %get3A_389 = arith.index_cast %add3A_388 : i32 to index
        %get3A_390 = arith.constant 32 : index
        %get3A_391 = tpu.vector_load %arg7[%get3A_389, %get3A_390] {strides = array<i32>} : memref<100x64xf32, #tpu.memory_space<vmem>>, vector<1x16xf32>,
        %get3A_392 = vector.shape_cast %get3A_391 : vector<1x16xf32> to vector<16xf32>
        %max3A_393 = arith.maximumf %max3A_365, %get3A_392 : vector<16xf32>
        %add3A_394 = arith.constant 5 : i32
        %add3A_395 = arith.addi %mul3A_233, %add3A_394 : i32
        %get3A_396 = arith.index_cast %add3A_395 : i32 to index
        %get3A_397 = arith.constant 48 : index
        %get3A_398 = tpu.vector_load %arg7[%get3A_396, %get3A_397] {strides = array<i32>} : memref<100x64xf32, #tpu.memory_space<vmem>>, vector<1x16xf32>,
        %get3A_399 = vector.shape_cast %get3A_398 : vector<1x16xf32> to vector<16xf32>
        %max3A_400 = arith.maximumf %max3A_372, %get3A_399 : vector<16xf32>
        %add3A_401 = arith.constant 6 : i32
        %add3A_402 = arith.addi %mul3A_233, %add3A_401 : i32
        %get3A_403 = arith.index_cast %add3A_402 : i32 to index
        %get3A_404 = arith.constant 0 : index
        %get3A_405 = tpu.vector_load %arg7[%get3A_403, %get3A_404] {strides = array<i32>} : memref<100x64xf32, #tpu.memory_space<vmem>>, vector<1x16xf32>,
        %get3A_406 = vector.shape_cast %get3A_405 : vector<1x16xf32> to vector<16xf32>
        %max3A_407 = arith.maximumf %max3A_379, %get3A_406 : vector<16xf32>
        %add3A_408 = arith.constant 6 : i32
        %add3A_409 = arith.addi %mul3A_233, %add3A_408 : i32
        %get3A_410 = arith.index_cast %add3A_409 : i32 to index
        %get3A_411 = arith.constant 16 : index
        %get3A_412 = tpu.vector_load %arg7[%get3A_410, %get3A_411] {strides = array<i32>} : memref<100x64xf32, #tpu.memory_space<vmem>>, vector<1x16xf32>,
        %get3A_413 = vector.shape_cast %get3A_412 : vector<1x16xf32> to vector<16xf32>
        %max3A_414 = arith.maximumf %max3A_386, %get3A_413 : vector<16xf32>
        %add3A_415 = arith.constant 6 : i32
        %add3A_416 = arith.addi %mul3A_233, %add3A_415 : i32
        %get3A_417 = arith.index_cast %add3A_416 : i32 to index
        %get3A_418 = arith.constant 32 : index
        %get3A_419 = tpu.vector_load %arg7[%get3A_417, %get3A_418] {strides = array<i32>} : memref<100x64xf32, #tpu.memory_space<vmem>>, vector<1x16xf32>,
        %get3A_420 = vector.shape_cast %get3A_419 : vector<1x16xf32> to vector<16xf32>
        %max3A_421 = arith.maximumf %max3A_393, %get3A_420 : vector<16xf32>
        %add3A_422 = arith.constant 6 : i32
        %add3A_423 = arith.addi %mul3A_233, %add3A_422 : i32
        %get3A_424 = arith.index_cast %add3A_423 : i32 to index
        %get3A_425 = arith.constant 48 : index
        %get3A_426 = tpu.vector_load %arg7[%get3A_424, %get3A_425] {strides = array<i32>} : memref<100x64xf32, #tpu.memory_space<vmem>>, vector<1x16xf32>,
        %get3A_427 = vector.shape_cast %get3A_426 : vector<1x16xf32> to vector<16xf32>
        %max3A_428 = arith.maximumf %max3A_400, %get3A_427 : vector<16xf32>
        %add3A_429 = arith.constant 7 : i32
        %add3A_430 = arith.addi %mul3A_233, %add3A_429 : i32
        %get3A_431 = arith.index_cast %add3A_430 : i32 to index
        %get3A_432 = arith.constant 0 : index
        %get3A_433 = tpu.vector_load %arg7[%get3A_431, %get3A_432] {strides = array<i32>} : memref<100x64xf32, #tpu.memory_space<vmem>>, vector<1x16xf32>,
        %get3A_434 = vector.shape_cast %get3A_433 : vector<1x16xf32> to vector<16xf32>
        %max3A_435 = arith.maximumf %max3A_407, %get3A_434 : vector<16xf32>
        %add3A_436 = arith.constant 7 : i32
        %add3A_437 = arith.addi %mul3A_233, %add3A_436 : i32
        %get3A_438 = arith.index_cast %add3A_437 : i32 to index
        %get3A_439 = arith.constant 16 : index
        %get3A_440 = tpu.vector_load %arg7[%get3A_438, %get3A_439] {strides = array<i32>} : memref<100x64xf32, #tpu.memory_space<vmem>>, vector<1x16xf32>,
        %get3A_441 = vector.shape_cast %get3A_440 : vector<1x16xf32> to vector<16xf32>
        %max3A_442 = arith.maximumf %max3A_414, %get3A_441 : vector<16xf32>
        %add3A_443 = arith.constant 7 : i32
        %add3A_444 = arith.addi %mul3A_233, %add3A_443 : i32
        %get3A_445 = arith.index_cast %add3A_444 : i32 to index
        %get3A_446 = arith.constant 32 : index
        %get3A_447 = tpu.vector_load %arg7[%get3A_445, %get3A_446] {strides = array<i32>} : memref<100x64xf32, #tpu.memory_space<vmem>>, vector<1x16xf32>,
        %get3A_448 = vector.shape_cast %get3A_447 : vector<1x16xf32> to vector<16xf32>
        %max3A_449 = arith.maximumf %max3A_421, %get3A_448 : vector<16xf32>
        %add3A_450 = arith.constant 7 : i32
        %add3A_451 = arith.addi %mul3A_233, %add3A_450 : i32
        %get3A_452 = arith.index_cast %add3A_451 : i32 to index
        %get3A_453 = arith.constant 48 : index
        %get3A_454 = tpu.vector_load %arg7[%get3A_452, %get3A_453] {strides = array<i32>} : memref<100x64xf32, #tpu.memory_space<vmem>>, vector<1x16xf32>,
        %get3A_455 = vector.shape_cast %get3A_454 : vector<1x16xf32> to vector<16xf32>
        %max3A_456 = arith.maximumf %max3A_428, %get3A_455 : vector<16xf32>
        %add3A_457 = arith.constant 8 : i32
        %add3A_458 = arith.addi %mul3A_233, %add3A_457 : i32
        %get3A_459 = arith.index_cast %add3A_458 : i32 to index
        %get3A_460 = arith.constant 0 : index
        %get3A_461 = tpu.vector_load %arg7[%get3A_459, %get3A_460] {strides = array<i32>} : memref<100x64xf32, #tpu.memory_space<vmem>>, vector<1x16xf32>,
        %get3A_462 = vector.shape_cast %get3A_461 : vector<1x16xf32> to vector<16xf32>
        %max3A_463 = arith.maximumf %max3A_435, %get3A_462 : vector<16xf32>
        %add3A_464 = arith.constant 8 : i32
        %add3A_465 = arith.addi %mul3A_233, %add3A_464 : i32
        %get3A_466 = arith.index_cast %add3A_465 : i32 to index
        %get3A_467 = arith.constant 16 : index
        %get3A_468 = tpu.vector_load %arg7[%get3A_466, %get3A_467] {strides = array<i32>} : memref<100x64xf32, #tpu.memory_space<vmem>>, vector<1x16xf32>,
        %get3A_469 = vector.shape_cast %get3A_468 : vector<1x16xf32> to vector<16xf32>
        %max3A_470 = arith.maximumf %max3A_442, %get3A_469 : vector<16xf32>
        %add3A_471 = arith.constant 8 : i32
        %add3A_472 = arith.addi %mul3A_233, %add3A_471 : i32
        %get3A_473 = arith.index_cast %add3A_472 : i32 to index
        %get3A_474 = arith.constant 32 : index
        %get3A_475 = tpu.vector_load %arg7[%get3A_473, %get3A_474] {strides = array<i32>} : memref<100x64xf32, #tpu.memory_space<vmem>>, vector<1x16xf32>,
        %get3A_476 = vector.shape_cast %get3A_475 : vector<1x16xf32> to vector<16xf32>
        %max3A_477 = arith.maximumf %max3A_449, %get3A_476 : vector<16xf32>
        %add3A_478 = arith.constant 8 : i32
        %add3A_479 = arith.addi %mul3A_233, %add3A_478 : i32
        %get3A_480 = arith.index_cast %add3A_479 : i32 to index
        %get3A_481 = arith.constant 48 : index
        %get3A_482 = tpu.vector_load %arg7[%get3A_480, %get3A_481] {strides = array<i32>} : memref<100x64xf32, #tpu.memory_space<vmem>>, vector<1x16xf32>,
        %get3A_483 = vector.shape_cast %get3A_482 : vector<1x16xf32> to vector<16xf32>
        %max3A_484 = arith.maximumf %max3A_456, %get3A_483 : vector<16xf32>
        %add3A_485 = arith.constant 9 : i32
        %add3A_486 = arith.addi %mul3A_233, %add3A_485 : i32
        %get3A_487 = arith.index_cast %add3A_486 : i32 to index
        %get3A_488 = arith.constant 0 : index
        %get3A_489 = tpu.vector_load %arg7[%get3A_487, %get3A_488] {strides = array<i32>} : memref<100x64xf32, #tpu.memory_space<vmem>>, vector<1x16xf32>,
        %get3A_490 = vector.shape_cast %get3A_489 : vector<1x16xf32> to vector<16xf32>
        %max3A_491 = arith.maximumf %max3A_463, %get3A_490 : vector<16xf32>
        %add3A_492 = arith.constant 9 : i32
        %add3A_493 = arith.addi %mul3A_233, %add3A_492 : i32
        %get3A_494 = arith.index_cast %add3A_493 : i32 to index
        %get3A_495 = arith.constant 16 : index
        %get3A_496 = tpu.vector_load %arg7[%get3A_494, %get3A_495] {strides = array<i32>} : memref<100x64xf32, #tpu.memory_space<vmem>>, vector<1x16xf32>,
        %get3A_497 = vector.shape_cast %get3A_496 : vector<1x16xf32> to vector<16xf32>
        %max3A_498 = arith.maximumf %max3A_470, %get3A_497 : vector<16xf32>
        %add3A_499 = arith.constant 9 : i32
        %add3A_500 = arith.addi %mul3A_233, %add3A_499 : i32
        %get3A_501 = arith.index_cast %add3A_500 : i32 to index
        %get3A_502 = arith.constant 32 : index
        %get3A_503 = tpu.vector_load %arg7[%get3A_501, %get3A_502] {strides = array<i32>} : memref<100x64xf32, #tpu.memory_space<vmem>>, vector<1x16xf32>,
        %get3A_504 = vector.shape_cast %get3A_503 : vector<1x16xf32> to vector<16xf32>
        %max3A_505 = arith.maximumf %max3A_477, %get3A_504 : vector<16xf32>
        %add3A_506 = arith.constant 9 : i32
        %add3A_507 = arith.addi %mul3A_233, %add3A_506 : i32
        %get3A_508 = arith.index_cast %add3A_507 : i32 to index
        %get3A_509 = arith.constant 48 : index
        %get3A_510 = tpu.vector_load %arg7[%get3A_508, %get3A_509] {strides = array<i32>} : memref<100x64xf32, #tpu.memory_space<vmem>>, vector<1x16xf32>,
        %get3A_511 = vector.shape_cast %get3A_510 : vector<1x16xf32> to vector<16xf32>
        %max3A_512 = arith.maximumf %max3A_484, %get3A_511 : vector<16xf32>
        %add3A_513 = arith.constant 10 : i32
        %add3A_514 = arith.addi %mul3A_233, %add3A_513 : i32
        %get3A_515 = arith.index_cast %add3A_514 : i32 to index
        %get3A_516 = arith.constant 0 : index
        %get3A_517 = tpu.vector_load %arg7[%get3A_515, %get3A_516] {strides = array<i32>} : memref<100x64xf32, #tpu.memory_space<vmem>>, vector<1x16xf32>,
        %get3A_518 = vector.shape_cast %get3A_517 : vector<1x16xf32> to vector<16xf32>
        %max3A_519 = arith.maximumf %max3A_491, %get3A_518 : vector<16xf32>
        %add3A_520 = arith.constant 10 : i32
        %add3A_521 = arith.addi %mul3A_233, %add3A_520 : i32
        %get3A_522 = arith.index_cast %add3A_521 : i32 to index
        %get3A_523 = arith.constant 16 : index
        %get3A_524 = tpu.vector_load %arg7[%get3A_522, %get3A_523] {strides = array<i32>} : memref<100x64xf32, #tpu.memory_space<vmem>>, vector<1x16xf32>,
        %get3A_525 = vector.shape_cast %get3A_524 : vector<1x16xf32> to vector<16xf32>
        %max3A_526 = arith.maximumf %max3A_498, %get3A_525 : vector<16xf32>
        %add3A_527 = arith.constant 10 : i32
        %add3A_528 = arith.addi %mul3A_233, %add3A_527 : i32
        %get3A_529 = arith.index_cast %add3A_528 : i32 to index
        %get3A_530 = arith.constant 32 : index
        %get3A_531 = tpu.vector_load %arg7[%get3A_529, %get3A_530] {strides = array<i32>} : memref<100x64xf32, #tpu.memory_space<vmem>>, vector<1x16xf32>,
        %get3A_532 = vector.shape_cast %get3A_531 : vector<1x16xf32> to vector<16xf32>
        %max3A_533 = arith.maximumf %max3A_505, %get3A_532 : vector<16xf32>
        %add3A_534 = arith.constant 10 : i32
        %add3A_535 = arith.addi %mul3A_233, %add3A_534 : i32
        %get3A_536 = arith.index_cast %add3A_535 : i32 to index
        %get3A_537 = arith.constant 48 : index
        %get3A_538 = tpu.vector_load %arg7[%get3A_536, %get3A_537] {strides = array<i32>} : memref<100x64xf32, #tpu.memory_space<vmem>>, vector<1x16xf32>,
        %get3A_539 = vector.shape_cast %get3A_538 : vector<1x16xf32> to vector<16xf32>
        %max3A_540 = arith.maximumf %max3A_512, %get3A_539 : vector<16xf32>
        %add3A_541 = arith.constant 11 : i32
        %add3A_542 = arith.addi %mul3A_233, %add3A_541 : i32
        %get3A_543 = arith.index_cast %add3A_542 : i32 to index
        %get3A_544 = arith.constant 0 : index
        %get3A_545 = tpu.vector_load %arg7[%get3A_543, %get3A_544] {strides = array<i32>} : memref<100x64xf32, #tpu.memory_space<vmem>>, vector<1x16xf32>,
        %get3A_546 = vector.shape_cast %get3A_545 : vector<1x16xf32> to vector<16xf32>
        %max3A_547 = arith.maximumf %max3A_519, %get3A_546 : vector<16xf32>
        %add3A_548 = arith.constant 11 : i32
        %add3A_549 = arith.addi %mul3A_233, %add3A_548 : i32
        %get3A_550 = arith.index_cast %add3A_549 : i32 to index
        %get3A_551 = arith.constant 16 : index
        %get3A_552 = tpu.vector_load %arg7[%get3A_550, %get3A_551] {strides = array<i32>} : memref<100x64xf32, #tpu.memory_space<vmem>>, vector<1x16xf32>,
        %get3A_553 = vector.shape_cast %get3A_552 : vector<1x16xf32> to vector<16xf32>
        %max3A_554 = arith.maximumf %max3A_526, %get3A_553 : vector<16xf32>
        %add3A_555 = arith.constant 11 : i32
        %add3A_556 = arith.addi %mul3A_233, %add3A_555 : i32
        %get3A_557 = arith.index_cast %add3A_556 : i32 to index
        %get3A_558 = arith.constant 32 : index
        %get3A_559 = tpu.vector_load %arg7[%get3A_557, %get3A_558] {strides = array<i32>} : memref<100x64xf32, #tpu.memory_space<vmem>>, vector<1x16xf32>,
        %get3A_560 = vector.shape_cast %get3A_559 : vector<1x16xf32> to vector<16xf32>
        %max3A_561 = arith.maximumf %max3A_533, %get3A_560 : vector<16xf32>
        %add3A_562 = arith.constant 11 : i32
        %add3A_563 = arith.addi %mul3A_233, %add3A_562 : i32
        %get3A_564 = arith.index_cast %add3A_563 : i32 to index
        %get3A_565 = arith.constant 48 : index
        %get3A_566 = tpu.vector_load %arg7[%get3A_564, %get3A_565] {strides = array<i32>} : memref<100x64xf32, #tpu.memory_space<vmem>>, vector<1x16xf32>,
        %get3A_567 = vector.shape_cast %get3A_566 : vector<1x16xf32> to vector<16xf32>
        %max3A_568 = arith.maximumf %max3A_540, %get3A_567 : vector<16xf32>
        %add3A_569 = arith.constant 12 : i32
        %add3A_570 = arith.addi %mul3A_233, %add3A_569 : i32
        %get3A_571 = arith.index_cast %add3A_570 : i32 to index
        %get3A_572 = arith.constant 0 : index
        %get3A_573 = tpu.vector_load %arg7[%get3A_571, %get3A_572] {strides = array<i32>} : memref<100x64xf32, #tpu.memory_space<vmem>>, vector<1x16xf32>,
        %get3A_574 = vector.shape_cast %get3A_573 : vector<1x16xf32> to vector<16xf32>
        %max3A_575 = arith.maximumf %max3A_547, %get3A_574 : vector<16xf32>
        %add3A_576 = arith.constant 12 : i32
        %add3A_577 = arith.addi %mul3A_233, %add3A_576 : i32
        %get3A_578 = arith.index_cast %add3A_577 : i32 to index
        %get3A_579 = arith.constant 16 : index
        %get3A_580 = tpu.vector_load %arg7[%get3A_578, %get3A_579] {strides = array<i32>} : memref<100x64xf32, #tpu.memory_space<vmem>>, vector<1x16xf32>,
        %get3A_581 = vector.shape_cast %get3A_580 : vector<1x16xf32> to vector<16xf32>
        %max3A_582 = arith.maximumf %max3A_554, %get3A_581 : vector<16xf32>
        %add3A_583 = arith.constant 12 : i32
        %add3A_584 = arith.addi %mul3A_233, %add3A_583 : i32
        %get3A_585 = arith.index_cast %add3A_584 : i32 to index
        %get3A_586 = arith.constant 32 : index
        %get3A_587 = tpu.vector_load %arg7[%get3A_585, %get3A_586] {strides = array<i32>} : memref<100x64xf32, #tpu.memory_space<vmem>>, vector<1x16xf32>,
        %get3A_588 = vector.shape_cast %get3A_587 : vector<1x16xf32> to vector<16xf32>
        %max3A_589 = arith.maximumf %max3A_561, %get3A_588 : vector<16xf32>
        %add3A_590 = arith.constant 12 : i32
        %add3A_591 = arith.addi %mul3A_233, %add3A_590 : i32
        %get3A_592 = arith.index_cast %add3A_591 : i32 to index
        %get3A_593 = arith.constant 48 : index
        %get3A_594 = tpu.vector_load %arg7[%get3A_592, %get3A_593] {strides = array<i32>} : memref<100x64xf32, #tpu.memory_space<vmem>>, vector<1x16xf32>,
        %get3A_595 = vector.shape_cast %get3A_594 : vector<1x16xf32> to vector<16xf32>
        %max3A_596 = arith.maximumf %max3A_568, %get3A_595 : vector<16xf32>
        %add3A_597 = arith.constant 13 : i32
        %add3A_598 = arith.addi %mul3A_233, %add3A_597 : i32
        %get3A_599 = arith.index_cast %add3A_598 : i32 to index
        %get3A_600 = arith.constant 0 : index
        %get3A_601 = tpu.vector_load %arg7[%get3A_599, %get3A_600] {strides = array<i32>} : memref<100x64xf32, #tpu.memory_space<vmem>>, vector<1x16xf32>,
        %get3A_602 = vector.shape_cast %get3A_601 : vector<1x16xf32> to vector<16xf32>
        %max3A_603 = arith.maximumf %max3A_575, %get3A_602 : vector<16xf32>
        %add3A_604 = arith.constant 13 : i32
        %add3A_605 = arith.addi %mul3A_233, %add3A_604 : i32
        %get3A_606 = arith.index_cast %add3A_605 : i32 to index
        %get3A_607 = arith.constant 16 : index
        %get3A_608 = tpu.vector_load %arg7[%get3A_606, %get3A_607] {strides = array<i32>} : memref<100x64xf32, #tpu.memory_space<vmem>>, vector<1x16xf32>,
        %get3A_609 = vector.shape_cast %get3A_608 : vector<1x16xf32> to vector<16xf32>
        %max3A_610 = arith.maximumf %max3A_582, %get3A_609 : vector<16xf32>
        %add3A_611 = arith.constant 13 : i32
        %add3A_612 = arith.addi %mul3A_233, %add3A_611 : i32
        %get3A_613 = arith.index_cast %add3A_612 : i32 to index
        %get3A_614 = arith.constant 32 : index
        %get3A_615 = tpu.vector_load %arg7[%get3A_613, %get3A_614] {strides = array<i32>} : memref<100x64xf32, #tpu.memory_space<vmem>>, vector<1x16xf32>,
        %get3A_616 = vector.shape_cast %get3A_615 : vector<1x16xf32> to vector<16xf32>
        %max3A_617 = arith.maximumf %max3A_589, %get3A_616 : vector<16xf32>
        %add3A_618 = arith.constant 13 : i32
        %add3A_619 = arith.addi %mul3A_233, %add3A_618 : i32
        %get3A_620 = arith.index_cast %add3A_619 : i32 to index
        %get3A_621 = arith.constant 48 : index
        %get3A_622 = tpu.vector_load %arg7[%get3A_620, %get3A_621] {strides = array<i32>} : memref<100x64xf32, #tpu.memory_space<vmem>>, vector<1x16xf32>,
        %get3A_623 = vector.shape_cast %get3A_622 : vector<1x16xf32> to vector<16xf32>
        %max3A_624 = arith.maximumf %max3A_596, %get3A_623 : vector<16xf32>
        %add3A_625 = arith.constant 14 : i32
        %add3A_626 = arith.addi %mul3A_233, %add3A_625 : i32
        %get3A_627 = arith.index_cast %add3A_626 : i32 to index
        %get3A_628 = arith.constant 0 : index
        %get3A_629 = tpu.vector_load %arg7[%get3A_627, %get3A_628] {strides = array<i32>} : memref<100x64xf32, #tpu.memory_space<vmem>>, vector<1x16xf32>,
        %get3A_630 = vector.shape_cast %get3A_629 : vector<1x16xf32> to vector<16xf32>
        %max3A_631 = arith.maximumf %max3A_603, %get3A_630 : vector<16xf32>
        %add3A_632 = arith.constant 14 : i32
        %add3A_633 = arith.addi %mul3A_233, %add3A_632 : i32
        %get3A_634 = arith.index_cast %add3A_633 : i32 to index
        %get3A_635 = arith.constant 16 : index
        %get3A_636 = tpu.vector_load %arg7[%get3A_634, %get3A_635] {strides = array<i32>} : memref<100x64xf32, #tpu.memory_space<vmem>>, vector<1x16xf32>,
        %get3A_637 = vector.shape_cast %get3A_636 : vector<1x16xf32> to vector<16xf32>
        %max3A_638 = arith.maximumf %max3A_610, %get3A_637 : vector<16xf32>
        %add3A_639 = arith.constant 14 : i32
        %add3A_640 = arith.addi %mul3A_233, %add3A_639 : i32
        %get3A_641 = arith.index_cast %add3A_640 : i32 to index
        %get3A_642 = arith.constant 32 : index
        %get3A_643 = tpu.vector_load %arg7[%get3A_641, %get3A_642] {strides = array<i32>} : memref<100x64xf32, #tpu.memory_space<vmem>>, vector<1x16xf32>,
        %get3A_644 = vector.shape_cast %get3A_643 : vector<1x16xf32> to vector<16xf32>
        %max3A_645 = arith.maximumf %max3A_617, %get3A_644 : vector<16xf32>
        %add3A_646 = arith.constant 14 : i32
        %add3A_647 = arith.addi %mul3A_233, %add3A_646 : i32
        %get3A_648 = arith.index_cast %add3A_647 : i32 to index
        %get3A_649 = arith.constant 48 : index
        %get3A_650 = tpu.vector_load %arg7[%get3A_648, %get3A_649] {strides = array<i32>} : memref<100x64xf32, #tpu.memory_space<vmem>>, vector<1x16xf32>,
        %get3A_651 = vector.shape_cast %get3A_650 : vector<1x16xf32> to vector<16xf32>
        %max3A_652 = arith.maximumf %max3A_624, %get3A_651 : vector<16xf32>
        %add3A_653 = arith.constant 15 : i32
        %add3A_654 = arith.addi %mul3A_233, %add3A_653 : i32
        %get3A_655 = arith.index_cast %add3A_654 : i32 to index
        %get3A_656 = arith.constant 0 : index
        %get3A_657 = tpu.vector_load %arg7[%get3A_655, %get3A_656] {strides = array<i32>} : memref<100x64xf32, #tpu.memory_space<vmem>>, vector<1x16xf32>,
        %get3A_658 = vector.shape_cast %get3A_657 : vector<1x16xf32> to vector<16xf32>
        %max3A_659 = arith.maximumf %max3A_631, %get3A_658 : vector<16xf32>
        %add3A_660 = arith.constant 15 : i32
        %add3A_661 = arith.addi %mul3A_233, %add3A_660 : i32
        %get3A_662 = arith.index_cast %add3A_661 : i32 to index
        %get3A_663 = arith.constant 16 : index
        %get3A_664 = tpu.vector_load %arg7[%get3A_662, %get3A_663] {strides = array<i32>} : memref<100x64xf32, #tpu.memory_space<vmem>>, vector<1x16xf32>,
        %get3A_665 = vector.shape_cast %get3A_664 : vector<1x16xf32> to vector<16xf32>
        %max3A_666 = arith.maximumf %max3A_638, %get3A_665 : vector<16xf32>
        %add3A_667 = arith.constant 15 : i32
        %add3A_668 = arith.addi %mul3A_233, %add3A_667 : i32
        %get3A_669 = arith.index_cast %add3A_668 : i32 to index
        %get3A_670 = arith.constant 32 : index
        %get3A_671 = tpu.vector_load %arg7[%get3A_669, %get3A_670] {strides = array<i32>} : memref<100x64xf32, #tpu.memory_space<vmem>>, vector<1x16xf32>,
        %get3A_672 = vector.shape_cast %get3A_671 : vector<1x16xf32> to vector<16xf32>
        %max3A_673 = arith.maximumf %max3A_645, %get3A_672 : vector<16xf32>
        %add3A_674 = arith.constant 15 : i32
        %add3A_675 = arith.addi %mul3A_233, %add3A_674 : i32
        %get3A_676 = arith.index_cast %add3A_675 : i32 to index
        %get3A_677 = arith.constant 48 : index
        %get3A_678 = tpu.vector_load %arg7[%get3A_676, %get3A_677] {strides = array<i32>} : memref<100x64xf32, #tpu.memory_space<vmem>>, vector<1x16xf32>,
        %get3A_679 = vector.shape_cast %get3A_678 : vector<1x16xf32> to vector<16xf32>
        %max3A_680 = arith.maximumf %max3A_652, %get3A_679 : vector<16xf32>
        %add3A_681 = arith.constant 16 : i32
        %add3A_682 = arith.addi %mul3A_233, %add3A_681 : i32
        %get3A_683 = arith.index_cast %add3A_682 : i32 to index
        %get3A_684 = arith.constant 0 : index
        %get3A_685 = tpu.vector_load %arg7[%get3A_683, %get3A_684] {strides = array<i32>} : memref<100x64xf32, #tpu.memory_space<vmem>>, vector<1x16xf32>,
        %get3A_686 = vector.shape_cast %get3A_685 : vector<1x16xf32> to vector<16xf32>
        %max3A_687 = arith.maximumf %max3A_659, %get3A_686 : vector<16xf32>
        %add3A_688 = arith.constant 16 : i32
        %add3A_689 = arith.addi %mul3A_233, %add3A_688 : i32
        %get3A_690 = arith.index_cast %add3A_689 : i32 to index
        %get3A_691 = arith.constant 16 : index
        %get3A_692 = tpu.vector_load %arg7[%get3A_690, %get3A_691] {strides = array<i32>} : memref<100x64xf32, #tpu.memory_space<vmem>>, vector<1x16xf32>,
        %get3A_693 = vector.shape_cast %get3A_692 : vector<1x16xf32> to vector<16xf32>
        %max3A_694 = arith.maximumf %max3A_666, %get3A_693 : vector<16xf32>
        %add3A_695 = arith.constant 16 : i32
        %add3A_696 = arith.addi %mul3A_233, %add3A_695 : i32
        %get3A_697 = arith.index_cast %add3A_696 : i32 to index
        %get3A_698 = arith.constant 32 : index
        %get3A_699 = tpu.vector_load %arg7[%get3A_697, %get3A_698] {strides = array<i32>} : memref<100x64xf32, #tpu.memory_space<vmem>>, vector<1x16xf32>,
        %get3A_700 = vector.shape_cast %get3A_699 : vector<1x16xf32> to vector<16xf32>
        %max3A_701 = arith.maximumf %max3A_673, %get3A_700 : vector<16xf32>
        %add3A_702 = arith.constant 16 : i32
        %add3A_703 = arith.addi %mul3A_233, %add3A_702 : i32
        %get3A_704 = arith.index_cast %add3A_703 : i32 to index
        %get3A_705 = arith.constant 48 : index
        %get3A_706 = tpu.vector_load %arg7[%get3A_704, %get3A_705] {strides = array<i32>} : memref<100x64xf32, #tpu.memory_space<vmem>>, vector<1x16xf32>,
        %get3A_707 = vector.shape_cast %get3A_706 : vector<1x16xf32> to vector<16xf32>
        %max3A_708 = arith.maximumf %max3A_680, %get3A_707 : vector<16xf32>
        %add3A_709 = arith.constant 17 : i32
        %add3A_710 = arith.addi %mul3A_233, %add3A_709 : i32
        %get3A_711 = arith.index_cast %add3A_710 : i32 to index
        %get3A_712 = arith.constant 0 : index
        %get3A_713 = tpu.vector_load %arg7[%get3A_711, %get3A_712] {strides = array<i32>} : memref<100x64xf32, #tpu.memory_space<vmem>>, vector<1x16xf32>,
        %get3A_714 = vector.shape_cast %get3A_713 : vector<1x16xf32> to vector<16xf32>
        %max3A_715 = arith.maximumf %max3A_687, %get3A_714 : vector<16xf32>
        %add3A_716 = arith.constant 17 : i32
        %add3A_717 = arith.addi %mul3A_233, %add3A_716 : i32
        %get3A_718 = arith.index_cast %add3A_717 : i32 to index
        %get3A_719 = arith.constant 16 : index
        %get3A_720 = tpu.vector_load %arg7[%get3A_718, %get3A_719] {strides = array<i32>} : memref<100x64xf32, #tpu.memory_space<vmem>>, vector<1x16xf32>,
        %get3A_721 = vector.shape_cast %get3A_720 : vector<1x16xf32> to vector<16xf32>
        %max3A_722 = arith.maximumf %max3A_694, %get3A_721 : vector<16xf32>
        %add3A_723 = arith.constant 17 : i32
        %add3A_724 = arith.addi %mul3A_233, %add3A_723 : i32
        %get3A_725 = arith.index_cast %add3A_724 : i32 to index
        %get3A_726 = arith.constant 32 : index
        %get3A_727 = tpu.vector_load %arg7[%get3A_725, %get3A_726] {strides = array<i32>} : memref<100x64xf32, #tpu.memory_space<vmem>>, vector<1x16xf32>,
        %get3A_728 = vector.shape_cast %get3A_727 : vector<1x16xf32> to vector<16xf32>
        %max3A_729 = arith.maximumf %max3A_701, %get3A_728 : vector<16xf32>
        %add3A_730 = arith.constant 17 : i32
        %add3A_731 = arith.addi %mul3A_233, %add3A_730 : i32
        %get3A_732 = arith.index_cast %add3A_731 : i32 to index
        %get3A_733 = arith.constant 48 : index
        %get3A_734 = tpu.vector_load %arg7[%get3A_732, %get3A_733] {strides = array<i32>} : memref<100x64xf32, #tpu.memory_space<vmem>>, vector<1x16xf32>,
        %get3A_735 = vector.shape_cast %get3A_734 : vector<1x16xf32> to vector<16xf32>
        %max3A_736 = arith.maximumf %max3A_708, %get3A_735 : vector<16xf32>
        %add3A_737 = arith.constant 18 : i32
        %add3A_738 = arith.addi %mul3A_233, %add3A_737 : i32
        %get3A_739 = arith.index_cast %add3A_738 : i32 to index
        %get3A_740 = arith.constant 0 : index
        %get3A_741 = tpu.vector_load %arg7[%get3A_739, %get3A_740] {strides = array<i32>} : memref<100x64xf32, #tpu.memory_space<vmem>>, vector<1x16xf32>,
        %get3A_742 = vector.shape_cast %get3A_741 : vector<1x16xf32> to vector<16xf32>
        %max3A_743 = arith.maximumf %max3A_715, %get3A_742 : vector<16xf32>
        %add3A_744 = arith.constant 18 : i32
        %add3A_745 = arith.addi %mul3A_233, %add3A_744 : i32
        %get3A_746 = arith.index_cast %add3A_745 : i32 to index
        %get3A_747 = arith.constant 16 : index
        %get3A_748 = tpu.vector_load %arg7[%get3A_746, %get3A_747] {strides = array<i32>} : memref<100x64xf32, #tpu.memory_space<vmem>>, vector<1x16xf32>,
        %get3A_749 = vector.shape_cast %get3A_748 : vector<1x16xf32> to vector<16xf32>
        %max3A_750 = arith.maximumf %max3A_722, %get3A_749 : vector<16xf32>
        %add3A_751 = arith.constant 18 : i32
        %add3A_752 = arith.addi %mul3A_233, %add3A_751 : i32
        %get3A_753 = arith.index_cast %add3A_752 : i32 to index
        %get3A_754 = arith.constant 32 : index
        %get3A_755 = tpu.vector_load %arg7[%get3A_753, %get3A_754] {strides = array<i32>} : memref<100x64xf32, #tpu.memory_space<vmem>>, vector<1x16xf32>,
        %get3A_756 = vector.shape_cast %get3A_755 : vector<1x16xf32> to vector<16xf32>
        %max3A_757 = arith.maximumf %max3A_729, %get3A_756 : vector<16xf32>
        %add3A_758 = arith.constant 18 : i32
        %add3A_759 = arith.addi %mul3A_233, %add3A_758 : i32
        %get3A_760 = arith.index_cast %add3A_759 : i32 to index
        %get3A_761 = arith.constant 48 : index
        %get3A_762 = tpu.vector_load %arg7[%get3A_760, %get3A_761] {strides = array<i32>} : memref<100x64xf32, #tpu.memory_space<vmem>>, vector<1x16xf32>,
        %get3A_763 = vector.shape_cast %get3A_762 : vector<1x16xf32> to vector<16xf32>
        %max3A_764 = arith.maximumf %max3A_736, %get3A_763 : vector<16xf32>
        %add3A_765 = arith.constant 19 : i32
        %add3A_766 = arith.addi %mul3A_233, %add3A_765 : i32
        %get3A_767 = arith.index_cast %add3A_766 : i32 to index
        %get3A_768 = arith.constant 0 : index
        %get3A_769 = tpu.vector_load %arg7[%get3A_767, %get3A_768] {strides = array<i32>} : memref<100x64xf32, #tpu.memory_space<vmem>>, vector<1x16xf32>,
        %get3A_770 = vector.shape_cast %get3A_769 : vector<1x16xf32> to vector<16xf32>
        %max3A_771 = arith.maximumf %max3A_743, %get3A_770 : vector<16xf32>
        %add3A_772 = arith.constant 19 : i32
        %add3A_773 = arith.addi %mul3A_233, %add3A_772 : i32
        %get3A_774 = arith.index_cast %add3A_773 : i32 to index
        %get3A_775 = arith.constant 16 : index
        %get3A_776 = tpu.vector_load %arg7[%get3A_774, %get3A_775] {strides = array<i32>} : memref<100x64xf32, #tpu.memory_space<vmem>>, vector<1x16xf32>,
        %get3A_777 = vector.shape_cast %get3A_776 : vector<1x16xf32> to vector<16xf32>
        %max3A_778 = arith.maximumf %max3A_750, %get3A_777 : vector<16xf32>
        %add3A_779 = arith.constant 19 : i32
        %add3A_780 = arith.addi %mul3A_233, %add3A_779 : i32
        %get3A_781 = arith.index_cast %add3A_780 : i32 to index
        %get3A_782 = arith.constant 32 : index
        %get3A_783 = tpu.vector_load %arg7[%get3A_781, %get3A_782] {strides = array<i32>} : memref<100x64xf32, #tpu.memory_space<vmem>>, vector<1x16xf32>,
        %get3A_784 = vector.shape_cast %get3A_783 : vector<1x16xf32> to vector<16xf32>
        %max3A_785 = arith.maximumf %max3A_757, %get3A_784 : vector<16xf32>
        %add3A_786 = arith.constant 19 : i32
        %add3A_787 = arith.addi %mul3A_233, %add3A_786 : i32
        %get3A_788 = arith.index_cast %add3A_787 : i32 to index
        %get3A_789 = arith.constant 48 : index
        %get3A_790 = tpu.vector_load %arg7[%get3A_788, %get3A_789] {strides = array<i32>} : memref<100x64xf32, #tpu.memory_space<vmem>>, vector<1x16xf32>,
        %get3A_791 = vector.shape_cast %get3A_790 : vector<1x16xf32> to vector<16xf32>
        %max3A_792 = arith.maximumf %max3A_764, %get3A_791 : vector<16xf32>
        scf.yield %max3A_771, %max3A_778, %max3A_785, %max3A_792 : vector<16xf32>, vector<16xf32>, vector<16xf32>, vector<16xf32>
      }
      %scan3A_85 = arith.constant 5 : i32
      %lt3A_86 = arith.constant 63 : i32
      %lt3A_87 = arith.cmpi slt, %scan3A_37, %lt3A_86 : i32
      %convert_element_type3A_88 = arith.extui %lt3A_87 : i1 to i32
      %cond3A_89 = arith.constant 0 : i32
      %cond3A_90 = arith.cmpi ne, %convert_element_type3A_88, %cond3A_89 : i32
      scf.if %cond3A_90 {
        %add3A_227 = arith.constant 4 : i32
        %add3A_228 = arith.addi %add3A_65, %add3A_227 : i32
        %dma_start3A_229 = arith.constant 0 : i32
        %dma_start3A_230 = tpu.memref_slice %arg5[%add3A_228, %dma_start3A_229] : memref<256x100xi32, #tpu.memory_space<vmem>> -> memref<1x100xi32, #tpu.memory_space<vmem>>
        %dma_start3A_231 = tpu.memref_squeeze %dma_start3A_230 : memref<1x100xi32, #tpu.memory_space<vmem>> -> memref<100xi32, #tpu.memory_space<vmem>>
        %dma_start3A_232 = arith.constant 0 : i32
        %dma_start3A_233 = arith.constant 0 : i32
        %dma_start3A_234 = tpu.memref_slice %arg3[%dma_start3A_232, %dma_start3A_233] : memref<1000000x64xf32, #tpu.memory_space<hbm>> -> memref<1000000x64xf32, #tpu.memory_space<hbm>>
        tpu.enqueue_indirect_dma source(%dma_start3A_234 : memref<1000000x64xf32, #tpu.memory_space<hbm>>) target(%arg7 : memref<100x64xf32, #tpu.memory_space<vmem>>) offsets(%dma_start3A_231 : memref<100xi32, #tpu.memory_space<vmem>>) semaphore(%arg12 : memref<!tpu.dma_semaphore, #tpu.memory_space<semaphore_mem>>)
      } else {
      }
      %mul3A_91 = arith.constant 4 : i32
      %mul3A_92 = arith.muli %mul3A_91, %scan3A_37 : i32
      %add3A_93 = arith.constant 2 : i32
      %add3A_94 = arith.addi %mul3A_92, %add3A_93 : i32
      %dma_wait3A_95 = arith.constant 0 : i32
      %dma_wait3A_96 = tpu.memref_slice %arg5[%add3A_94, %dma_wait3A_95] : memref<256x100xi32, #tpu.memory_space<vmem>> -> memref<1x100xi32, #tpu.memory_space<vmem>>
      %dma_wait3A_97 = tpu.memref_squeeze %dma_wait3A_96 : memref<1x100xi32, #tpu.memory_space<vmem>> -> memref<100xi32, #tpu.memory_space<vmem>>
      %dma_wait3A_98 = arith.constant 0 : i32
      %dma_wait3A_99 = arith.constant 0 : i32
      %dma_wait3A_100 = tpu.memref_slice %arg3[%dma_wait3A_98, %dma_wait3A_99] : memref<1000000x64xf32, #tpu.memory_space<hbm>> -> memref<1000000x64xf32, #tpu.memory_space<hbm>>
      tpu.wait_indirect_dma semaphore(%arg13 : memref<!tpu.dma_semaphore, #tpu.memory_space<semaphore_mem>>) src(%dma_wait3A_100 : memref<1000000x64xf32, #tpu.memory_space<hbm>>) dst(%arg8 : memref<100x64xf32, #tpu.memory_space<vmem>>)
      %broadcast_in_dim3A_101 = arith.constant -3.40282347E+38 : f32
      %broadcast_in_dim3A_102 = vector.broadcast %broadcast_in_dim3A_101 : f32 to vector<16xf32>
      %broadcast_in_dim3A_103 = arith.constant -3.40282347E+38 : f32
      %broadcast_in_dim3A_104 = vector.broadcast %broadcast_in_dim3A_103 : f32 to vector<16xf32>
      %broadcast_in_dim3A_105 = arith.constant -3.40282347E+38 : f32
      %broadcast_in_dim3A_106 = vector.broadcast %broadcast_in_dim3A_105 : f32 to vector<16xf32>
      %broadcast_in_dim3A_107 = arith.constant -3.40282347E+38 : f32
      %broadcast_in_dim3A_108 = vector.broadcast %broadcast_in_dim3A_107 : f32 to vector<16xf32>
      %scan3A_109 = arith.constant 0 : i32
      %scan3A_110 = arith.constant 5 : i32
      %scan3A_111 = arith.addi %scan3A_109, %scan3A_110 : i32
      %scan3A_112 = arith.constant 1 : i32
      %scan3A_113:4 = scf.for %scan3A_227 = %scan3A_109 to %scan3A_111 step %scan3A_112 iter_args(%scan3A_228 = %broadcast_in_dim3A_102, %scan3A_229 = %broadcast_in_dim3A_104, %scan3A_230 = %broadcast_in_dim3A_106, %scan3A_231 = %broadcast_in_dim3A_108) -> (vector<16xf32>, vector<16xf32>, vector<16xf32>, vector<16xf32>)  : i32 {
        %mul3A_232 = arith.constant 20 : i32
        %mul3A_233 = arith.muli %scan3A_227, %mul3A_232 : i32
        %add3A_234 = arith.constant 0 : i32
        %add3A_235 = arith.addi %mul3A_233, %add3A_234 : i32
        %get3A = arith.index_cast %add3A_235 : i32 to index
        %get3A_236 = arith.constant 0 : index
        %get3A_237 = tpu.vector_load %arg8[%get3A, %get3A_236] {strides = array<i32>} : memref<100x64xf32, #tpu.memory_space<vmem>>, vector<1x16xf32>,
        %get3A_238 = vector.shape_cast %get3A_237 : vector<1x16xf32> to vector<16xf32>
        %max3A_239 = arith.maximumf %scan3A_228, %get3A_238 : vector<16xf32>
        %add3A_240 = arith.constant 0 : i32
        %add3A_241 = arith.addi %mul3A_233, %add3A_240 : i32
        %get3A_242 = arith.index_cast %add3A_241 : i32 to index
        %get3A_243 = arith.constant 16 : index
        %get3A_244 = tpu.vector_load %arg8[%get3A_242, %get3A_243] {strides = array<i32>} : memref<100x64xf32, #tpu.memory_space<vmem>>, vector<1x16xf32>,
        %get3A_245 = vector.shape_cast %get3A_244 : vector<1x16xf32> to vector<16xf32>
        %max3A_246 = arith.maximumf %scan3A_229, %get3A_245 : vector<16xf32>
        %add3A_247 = arith.constant 0 : i32
        %add3A_248 = arith.addi %mul3A_233, %add3A_247 : i32
        %get3A_249 = arith.index_cast %add3A_248 : i32 to index
        %get3A_250 = arith.constant 32 : index
        %get3A_251 = tpu.vector_load %arg8[%get3A_249, %get3A_250] {strides = array<i32>} : memref<100x64xf32, #tpu.memory_space<vmem>>, vector<1x16xf32>,
        %get3A_252 = vector.shape_cast %get3A_251 : vector<1x16xf32> to vector<16xf32>
        %max3A_253 = arith.maximumf %scan3A_230, %get3A_252 : vector<16xf32>
        %add3A_254 = arith.constant 0 : i32
        %add3A_255 = arith.addi %mul3A_233, %add3A_254 : i32
        %get3A_256 = arith.index_cast %add3A_255 : i32 to index
        %get3A_257 = arith.constant 48 : index
        %get3A_258 = tpu.vector_load %arg8[%get3A_256, %get3A_257] {strides = array<i32>} : memref<100x64xf32, #tpu.memory_space<vmem>>, vector<1x16xf32>,
        %get3A_259 = vector.shape_cast %get3A_258 : vector<1x16xf32> to vector<16xf32>
        %max3A_260 = arith.maximumf %scan3A_231, %get3A_259 : vector<16xf32>
        %add3A_261 = arith.constant 1 : i32
        %add3A_262 = arith.addi %mul3A_233, %add3A_261 : i32
        %get3A_263 = arith.index_cast %add3A_262 : i32 to index
        %get3A_264 = arith.constant 0 : index
        %get3A_265 = tpu.vector_load %arg8[%get3A_263, %get3A_264] {strides = array<i32>} : memref<100x64xf32, #tpu.memory_space<vmem>>, vector<1x16xf32>,
        %get3A_266 = vector.shape_cast %get3A_265 : vector<1x16xf32> to vector<16xf32>
        %max3A_267 = arith.maximumf %max3A_239, %get3A_266 : vector<16xf32>
        %add3A_268 = arith.constant 1 : i32
        %add3A_269 = arith.addi %mul3A_233, %add3A_268 : i32
        %get3A_270 = arith.index_cast %add3A_269 : i32 to index
        %get3A_271 = arith.constant 16 : index
        %get3A_272 = tpu.vector_load %arg8[%get3A_270, %get3A_271] {strides = array<i32>} : memref<100x64xf32, #tpu.memory_space<vmem>>, vector<1x16xf32>,
        %get3A_273 = vector.shape_cast %get3A_272 : vector<1x16xf32> to vector<16xf32>
        %max3A_274 = arith.maximumf %max3A_246, %get3A_273 : vector<16xf32>
        %add3A_275 = arith.constant 1 : i32
        %add3A_276 = arith.addi %mul3A_233, %add3A_275 : i32
        %get3A_277 = arith.index_cast %add3A_276 : i32 to index
        %get3A_278 = arith.constant 32 : index
        %get3A_279 = tpu.vector_load %arg8[%get3A_277, %get3A_278] {strides = array<i32>} : memref<100x64xf32, #tpu.memory_space<vmem>>, vector<1x16xf32>,
        %get3A_280 = vector.shape_cast %get3A_279 : vector<1x16xf32> to vector<16xf32>
        %max3A_281 = arith.maximumf %max3A_253, %get3A_280 : vector<16xf32>
        %add3A_282 = arith.constant 1 : i32
        %add3A_283 = arith.addi %mul3A_233, %add3A_282 : i32
        %get3A_284 = arith.index_cast %add3A_283 : i32 to index
        %get3A_285 = arith.constant 48 : index
        %get3A_286 = tpu.vector_load %arg8[%get3A_284, %get3A_285] {strides = array<i32>} : memref<100x64xf32, #tpu.memory_space<vmem>>, vector<1x16xf32>,
        %get3A_287 = vector.shape_cast %get3A_286 : vector<1x16xf32> to vector<16xf32>
        %max3A_288 = arith.maximumf %max3A_260, %get3A_287 : vector<16xf32>
        %add3A_289 = arith.constant 2 : i32
        %add3A_290 = arith.addi %mul3A_233, %add3A_289 : i32
        %get3A_291 = arith.index_cast %add3A_290 : i32 to index
        %get3A_292 = arith.constant 0 : index
        %get3A_293 = tpu.vector_load %arg8[%get3A_291, %get3A_292] {strides = array<i32>} : memref<100x64xf32, #tpu.memory_space<vmem>>, vector<1x16xf32>,
        %get3A_294 = vector.shape_cast %get3A_293 : vector<1x16xf32> to vector<16xf32>
        %max3A_295 = arith.maximumf %max3A_267, %get3A_294 : vector<16xf32>
        %add3A_296 = arith.constant 2 : i32
        %add3A_297 = arith.addi %mul3A_233, %add3A_296 : i32
        %get3A_298 = arith.index_cast %add3A_297 : i32 to index
        %get3A_299 = arith.constant 16 : index
        %get3A_300 = tpu.vector_load %arg8[%get3A_298, %get3A_299] {strides = array<i32>} : memref<100x64xf32, #tpu.memory_space<vmem>>, vector<1x16xf32>,
        %get3A_301 = vector.shape_cast %get3A_300 : vector<1x16xf32> to vector<16xf32>
        %max3A_302 = arith.maximumf %max3A_274, %get3A_301 : vector<16xf32>
        %add3A_303 = arith.constant 2 : i32
        %add3A_304 = arith.addi %mul3A_233, %add3A_303 : i32
        %get3A_305 = arith.index_cast %add3A_304 : i32 to index
        %get3A_306 = arith.constant 32 : index
        %get3A_307 = tpu.vector_load %arg8[%get3A_305, %get3A_306] {strides = array<i32>} : memref<100x64xf32, #tpu.memory_space<vmem>>, vector<1x16xf32>,
        %get3A_308 = vector.shape_cast %get3A_307 : vector<1x16xf32> to vector<16xf32>
        %max3A_309 = arith.maximumf %max3A_281, %get3A_308 : vector<16xf32>
        %add3A_310 = arith.constant 2 : i32
        %add3A_311 = arith.addi %mul3A_233, %add3A_310 : i32
        %get3A_312 = arith.index_cast %add3A_311 : i32 to index
        %get3A_313 = arith.constant 48 : index
        %get3A_314 = tpu.vector_load %arg8[%get3A_312, %get3A_313] {strides = array<i32>} : memref<100x64xf32, #tpu.memory_space<vmem>>, vector<1x16xf32>,
        %get3A_315 = vector.shape_cast %get3A_314 : vector<1x16xf32> to vector<16xf32>
        %max3A_316 = arith.maximumf %max3A_288, %get3A_315 : vector<16xf32>
        %add3A_317 = arith.constant 3 : i32
        %add3A_318 = arith.addi %mul3A_233, %add3A_317 : i32
        %get3A_319 = arith.index_cast %add3A_318 : i32 to index
        %get3A_320 = arith.constant 0 : index
        %get3A_321 = tpu.vector_load %arg8[%get3A_319, %get3A_320] {strides = array<i32>} : memref<100x64xf32, #tpu.memory_space<vmem>>, vector<1x16xf32>,
        %get3A_322 = vector.shape_cast %get3A_321 : vector<1x16xf32> to vector<16xf32>
        %max3A_323 = arith.maximumf %max3A_295, %get3A_322 : vector<16xf32>
        %add3A_324 = arith.constant 3 : i32
        %add3A_325 = arith.addi %mul3A_233, %add3A_324 : i32
        %get3A_326 = arith.index_cast %add3A_325 : i32 to index
        %get3A_327 = arith.constant 16 : index
        %get3A_328 = tpu.vector_load %arg8[%get3A_326, %get3A_327] {strides = array<i32>} : memref<100x64xf32, #tpu.memory_space<vmem>>, vector<1x16xf32>,
        %get3A_329 = vector.shape_cast %get3A_328 : vector<1x16xf32> to vector<16xf32>
        %max3A_330 = arith.maximumf %max3A_302, %get3A_329 : vector<16xf32>
        %add3A_331 = arith.constant 3 : i32
        %add3A_332 = arith.addi %mul3A_233, %add3A_331 : i32
        %get3A_333 = arith.index_cast %add3A_332 : i32 to index
        %get3A_334 = arith.constant 32 : index
        %get3A_335 = tpu.vector_load %arg8[%get3A_333, %get3A_334] {strides = array<i32>} : memref<100x64xf32, #tpu.memory_space<vmem>>, vector<1x16xf32>,
        %get3A_336 = vector.shape_cast %get3A_335 : vector<1x16xf32> to vector<16xf32>
        %max3A_337 = arith.maximumf %max3A_309, %get3A_336 : vector<16xf32>
        %add3A_338 = arith.constant 3 : i32
        %add3A_339 = arith.addi %mul3A_233, %add3A_338 : i32
        %get3A_340 = arith.index_cast %add3A_339 : i32 to index
        %get3A_341 = arith.constant 48 : index
        %get3A_342 = tpu.vector_load %arg8[%get3A_340, %get3A_341] {strides = array<i32>} : memref<100x64xf32, #tpu.memory_space<vmem>>, vector<1x16xf32>,
        %get3A_343 = vector.shape_cast %get3A_342 : vector<1x16xf32> to vector<16xf32>
        %max3A_344 = arith.maximumf %max3A_316, %get3A_343 : vector<16xf32>
        %add3A_345 = arith.constant 4 : i32
        %add3A_346 = arith.addi %mul3A_233, %add3A_345 : i32
        %get3A_347 = arith.index_cast %add3A_346 : i32 to index
        %get3A_348 = arith.constant 0 : index
        %get3A_349 = tpu.vector_load %arg8[%get3A_347, %get3A_348] {strides = array<i32>} : memref<100x64xf32, #tpu.memory_space<vmem>>, vector<1x16xf32>,
        %get3A_350 = vector.shape_cast %get3A_349 : vector<1x16xf32> to vector<16xf32>
        %max3A_351 = arith.maximumf %max3A_323, %get3A_350 : vector<16xf32>
        %add3A_352 = arith.constant 4 : i32
        %add3A_353 = arith.addi %mul3A_233, %add3A_352 : i32
        %get3A_354 = arith.index_cast %add3A_353 : i32 to index
        %get3A_355 = arith.constant 16 : index
        %get3A_356 = tpu.vector_load %arg8[%get3A_354, %get3A_355] {strides = array<i32>} : memref<100x64xf32, #tpu.memory_space<vmem>>, vector<1x16xf32>,
        %get3A_357 = vector.shape_cast %get3A_356 : vector<1x16xf32> to vector<16xf32>
        %max3A_358 = arith.maximumf %max3A_330, %get3A_357 : vector<16xf32>
        %add3A_359 = arith.constant 4 : i32
        %add3A_360 = arith.addi %mul3A_233, %add3A_359 : i32
        %get3A_361 = arith.index_cast %add3A_360 : i32 to index
        %get3A_362 = arith.constant 32 : index
        %get3A_363 = tpu.vector_load %arg8[%get3A_361, %get3A_362] {strides = array<i32>} : memref<100x64xf32, #tpu.memory_space<vmem>>, vector<1x16xf32>,
        %get3A_364 = vector.shape_cast %get3A_363 : vector<1x16xf32> to vector<16xf32>
        %max3A_365 = arith.maximumf %max3A_337, %get3A_364 : vector<16xf32>
        %add3A_366 = arith.constant 4 : i32
        %add3A_367 = arith.addi %mul3A_233, %add3A_366 : i32
        %get3A_368 = arith.index_cast %add3A_367 : i32 to index
        %get3A_369 = arith.constant 48 : index
        %get3A_370 = tpu.vector_load %arg8[%get3A_368, %get3A_369] {strides = array<i32>} : memref<100x64xf32, #tpu.memory_space<vmem>>, vector<1x16xf32>,
        %get3A_371 = vector.shape_cast %get3A_370 : vector<1x16xf32> to vector<16xf32>
        %max3A_372 = arith.maximumf %max3A_344, %get3A_371 : vector<16xf32>
        %add3A_373 = arith.constant 5 : i32
        %add3A_374 = arith.addi %mul3A_233, %add3A_373 : i32
        %get3A_375 = arith.index_cast %add3A_374 : i32 to index
        %get3A_376 = arith.constant 0 : index
        %get3A_377 = tpu.vector_load %arg8[%get3A_375, %get3A_376] {strides = array<i32>} : memref<100x64xf32, #tpu.memory_space<vmem>>, vector<1x16xf32>,
        %get3A_378 = vector.shape_cast %get3A_377 : vector<1x16xf32> to vector<16xf32>
        %max3A_379 = arith.maximumf %max3A_351, %get3A_378 : vector<16xf32>
        %add3A_380 = arith.constant 5 : i32
        %add3A_381 = arith.addi %mul3A_233, %add3A_380 : i32
        %get3A_382 = arith.index_cast %add3A_381 : i32 to index
        %get3A_383 = arith.constant 16 : index
        %get3A_384 = tpu.vector_load %arg8[%get3A_382, %get3A_383] {strides = array<i32>} : memref<100x64xf32, #tpu.memory_space<vmem>>, vector<1x16xf32>,
        %get3A_385 = vector.shape_cast %get3A_384 : vector<1x16xf32> to vector<16xf32>
        %max3A_386 = arith.maximumf %max3A_358, %get3A_385 : vector<16xf32>
        %add3A_387 = arith.constant 5 : i32
        %add3A_388 = arith.addi %mul3A_233, %add3A_387 : i32
        %get3A_389 = arith.index_cast %add3A_388 : i32 to index
        %get3A_390 = arith.constant 32 : index
        %get3A_391 = tpu.vector_load %arg8[%get3A_389, %get3A_390] {strides = array<i32>} : memref<100x64xf32, #tpu.memory_space<vmem>>, vector<1x16xf32>,
        %get3A_392 = vector.shape_cast %get3A_391 : vector<1x16xf32> to vector<16xf32>
        %max3A_393 = arith.maximumf %max3A_365, %get3A_392 : vector<16xf32>
        %add3A_394 = arith.constant 5 : i32
        %add3A_395 = arith.addi %mul3A_233, %add3A_394 : i32
        %get3A_396 = arith.index_cast %add3A_395 : i32 to index
        %get3A_397 = arith.constant 48 : index
        %get3A_398 = tpu.vector_load %arg8[%get3A_396, %get3A_397] {strides = array<i32>} : memref<100x64xf32, #tpu.memory_space<vmem>>, vector<1x16xf32>,
        %get3A_399 = vector.shape_cast %get3A_398 : vector<1x16xf32> to vector<16xf32>
        %max3A_400 = arith.maximumf %max3A_372, %get3A_399 : vector<16xf32>
        %add3A_401 = arith.constant 6 : i32
        %add3A_402 = arith.addi %mul3A_233, %add3A_401 : i32
        %get3A_403 = arith.index_cast %add3A_402 : i32 to index
        %get3A_404 = arith.constant 0 : index
        %get3A_405 = tpu.vector_load %arg8[%get3A_403, %get3A_404] {strides = array<i32>} : memref<100x64xf32, #tpu.memory_space<vmem>>, vector<1x16xf32>,
        %get3A_406 = vector.shape_cast %get3A_405 : vector<1x16xf32> to vector<16xf32>
        %max3A_407 = arith.maximumf %max3A_379, %get3A_406 : vector<16xf32>
        %add3A_408 = arith.constant 6 : i32
        %add3A_409 = arith.addi %mul3A_233, %add3A_408 : i32
        %get3A_410 = arith.index_cast %add3A_409 : i32 to index
        %get3A_411 = arith.constant 16 : index
        %get3A_412 = tpu.vector_load %arg8[%get3A_410, %get3A_411] {strides = array<i32>} : memref<100x64xf32, #tpu.memory_space<vmem>>, vector<1x16xf32>,
        %get3A_413 = vector.shape_cast %get3A_412 : vector<1x16xf32> to vector<16xf32>
        %max3A_414 = arith.maximumf %max3A_386, %get3A_413 : vector<16xf32>
        %add3A_415 = arith.constant 6 : i32
        %add3A_416 = arith.addi %mul3A_233, %add3A_415 : i32
        %get3A_417 = arith.index_cast %add3A_416 : i32 to index
        %get3A_418 = arith.constant 32 : index
        %get3A_419 = tpu.vector_load %arg8[%get3A_417, %get3A_418] {strides = array<i32>} : memref<100x64xf32, #tpu.memory_space<vmem>>, vector<1x16xf32>,
        %get3A_420 = vector.shape_cast %get3A_419 : vector<1x16xf32> to vector<16xf32>
        %max3A_421 = arith.maximumf %max3A_393, %get3A_420 : vector<16xf32>
        %add3A_422 = arith.constant 6 : i32
        %add3A_423 = arith.addi %mul3A_233, %add3A_422 : i32
        %get3A_424 = arith.index_cast %add3A_423 : i32 to index
        %get3A_425 = arith.constant 48 : index
        %get3A_426 = tpu.vector_load %arg8[%get3A_424, %get3A_425] {strides = array<i32>} : memref<100x64xf32, #tpu.memory_space<vmem>>, vector<1x16xf32>,
        %get3A_427 = vector.shape_cast %get3A_426 : vector<1x16xf32> to vector<16xf32>
        %max3A_428 = arith.maximumf %max3A_400, %get3A_427 : vector<16xf32>
        %add3A_429 = arith.constant 7 : i32
        %add3A_430 = arith.addi %mul3A_233, %add3A_429 : i32
        %get3A_431 = arith.index_cast %add3A_430 : i32 to index
        %get3A_432 = arith.constant 0 : index
        %get3A_433 = tpu.vector_load %arg8[%get3A_431, %get3A_432] {strides = array<i32>} : memref<100x64xf32, #tpu.memory_space<vmem>>, vector<1x16xf32>,
        %get3A_434 = vector.shape_cast %get3A_433 : vector<1x16xf32> to vector<16xf32>
        %max3A_435 = arith.maximumf %max3A_407, %get3A_434 : vector<16xf32>
        %add3A_436 = arith.constant 7 : i32
        %add3A_437 = arith.addi %mul3A_233, %add3A_436 : i32
        %get3A_438 = arith.index_cast %add3A_437 : i32 to index
        %get3A_439 = arith.constant 16 : index
        %get3A_440 = tpu.vector_load %arg8[%get3A_438, %get3A_439] {strides = array<i32>} : memref<100x64xf32, #tpu.memory_space<vmem>>, vector<1x16xf32>,
        %get3A_441 = vector.shape_cast %get3A_440 : vector<1x16xf32> to vector<16xf32>
        %max3A_442 = arith.maximumf %max3A_414, %get3A_441 : vector<16xf32>
        %add3A_443 = arith.constant 7 : i32
        %add3A_444 = arith.addi %mul3A_233, %add3A_443 : i32
        %get3A_445 = arith.index_cast %add3A_444 : i32 to index
        %get3A_446 = arith.constant 32 : index
        %get3A_447 = tpu.vector_load %arg8[%get3A_445, %get3A_446] {strides = array<i32>} : memref<100x64xf32, #tpu.memory_space<vmem>>, vector<1x16xf32>,
        %get3A_448 = vector.shape_cast %get3A_447 : vector<1x16xf32> to vector<16xf32>
        %max3A_449 = arith.maximumf %max3A_421, %get3A_448 : vector<16xf32>
        %add3A_450 = arith.constant 7 : i32
        %add3A_451 = arith.addi %mul3A_233, %add3A_450 : i32
        %get3A_452 = arith.index_cast %add3A_451 : i32 to index
        %get3A_453 = arith.constant 48 : index
        %get3A_454 = tpu.vector_load %arg8[%get3A_452, %get3A_453] {strides = array<i32>} : memref<100x64xf32, #tpu.memory_space<vmem>>, vector<1x16xf32>,
        %get3A_455 = vector.shape_cast %get3A_454 : vector<1x16xf32> to vector<16xf32>
        %max3A_456 = arith.maximumf %max3A_428, %get3A_455 : vector<16xf32>
        %add3A_457 = arith.constant 8 : i32
        %add3A_458 = arith.addi %mul3A_233, %add3A_457 : i32
        %get3A_459 = arith.index_cast %add3A_458 : i32 to index
        %get3A_460 = arith.constant 0 : index
        %get3A_461 = tpu.vector_load %arg8[%get3A_459, %get3A_460] {strides = array<i32>} : memref<100x64xf32, #tpu.memory_space<vmem>>, vector<1x16xf32>,
        %get3A_462 = vector.shape_cast %get3A_461 : vector<1x16xf32> to vector<16xf32>
        %max3A_463 = arith.maximumf %max3A_435, %get3A_462 : vector<16xf32>
        %add3A_464 = arith.constant 8 : i32
        %add3A_465 = arith.addi %mul3A_233, %add3A_464 : i32
        %get3A_466 = arith.index_cast %add3A_465 : i32 to index
        %get3A_467 = arith.constant 16 : index
        %get3A_468 = tpu.vector_load %arg8[%get3A_466, %get3A_467] {strides = array<i32>} : memref<100x64xf32, #tpu.memory_space<vmem>>, vector<1x16xf32>,
        %get3A_469 = vector.shape_cast %get3A_468 : vector<1x16xf32> to vector<16xf32>
        %max3A_470 = arith.maximumf %max3A_442, %get3A_469 : vector<16xf32>
        %add3A_471 = arith.constant 8 : i32
        %add3A_472 = arith.addi %mul3A_233, %add3A_471 : i32
        %get3A_473 = arith.index_cast %add3A_472 : i32 to index
        %get3A_474 = arith.constant 32 : index
        %get3A_475 = tpu.vector_load %arg8[%get3A_473, %get3A_474] {strides = array<i32>} : memref<100x64xf32, #tpu.memory_space<vmem>>, vector<1x16xf32>,
        %get3A_476 = vector.shape_cast %get3A_475 : vector<1x16xf32> to vector<16xf32>
        %max3A_477 = arith.maximumf %max3A_449, %get3A_476 : vector<16xf32>
        %add3A_478 = arith.constant 8 : i32
        %add3A_479 = arith.addi %mul3A_233, %add3A_478 : i32
        %get3A_480 = arith.index_cast %add3A_479 : i32 to index
        %get3A_481 = arith.constant 48 : index
        %get3A_482 = tpu.vector_load %arg8[%get3A_480, %get3A_481] {strides = array<i32>} : memref<100x64xf32, #tpu.memory_space<vmem>>, vector<1x16xf32>,
        %get3A_483 = vector.shape_cast %get3A_482 : vector<1x16xf32> to vector<16xf32>
        %max3A_484 = arith.maximumf %max3A_456, %get3A_483 : vector<16xf32>
        %add3A_485 = arith.constant 9 : i32
        %add3A_486 = arith.addi %mul3A_233, %add3A_485 : i32
        %get3A_487 = arith.index_cast %add3A_486 : i32 to index
        %get3A_488 = arith.constant 0 : index
        %get3A_489 = tpu.vector_load %arg8[%get3A_487, %get3A_488] {strides = array<i32>} : memref<100x64xf32, #tpu.memory_space<vmem>>, vector<1x16xf32>,
        %get3A_490 = vector.shape_cast %get3A_489 : vector<1x16xf32> to vector<16xf32>
        %max3A_491 = arith.maximumf %max3A_463, %get3A_490 : vector<16xf32>
        %add3A_492 = arith.constant 9 : i32
        %add3A_493 = arith.addi %mul3A_233, %add3A_492 : i32
        %get3A_494 = arith.index_cast %add3A_493 : i32 to index
        %get3A_495 = arith.constant 16 : index
        %get3A_496 = tpu.vector_load %arg8[%get3A_494, %get3A_495] {strides = array<i32>} : memref<100x64xf32, #tpu.memory_space<vmem>>, vector<1x16xf32>,
        %get3A_497 = vector.shape_cast %get3A_496 : vector<1x16xf32> to vector<16xf32>
        %max3A_498 = arith.maximumf %max3A_470, %get3A_497 : vector<16xf32>
        %add3A_499 = arith.constant 9 : i32
        %add3A_500 = arith.addi %mul3A_233, %add3A_499 : i32
        %get3A_501 = arith.index_cast %add3A_500 : i32 to index
        %get3A_502 = arith.constant 32 : index
        %get3A_503 = tpu.vector_load %arg8[%get3A_501, %get3A_502] {strides = array<i32>} : memref<100x64xf32, #tpu.memory_space<vmem>>, vector<1x16xf32>,
        %get3A_504 = vector.shape_cast %get3A_503 : vector<1x16xf32> to vector<16xf32>
        %max3A_505 = arith.maximumf %max3A_477, %get3A_504 : vector<16xf32>
        %add3A_506 = arith.constant 9 : i32
        %add3A_507 = arith.addi %mul3A_233, %add3A_506 : i32
        %get3A_508 = arith.index_cast %add3A_507 : i32 to index
        %get3A_509 = arith.constant 48 : index
        %get3A_510 = tpu.vector_load %arg8[%get3A_508, %get3A_509] {strides = array<i32>} : memref<100x64xf32, #tpu.memory_space<vmem>>, vector<1x16xf32>,
        %get3A_511 = vector.shape_cast %get3A_510 : vector<1x16xf32> to vector<16xf32>
        %max3A_512 = arith.maximumf %max3A_484, %get3A_511 : vector<16xf32>
        %add3A_513 = arith.constant 10 : i32
        %add3A_514 = arith.addi %mul3A_233, %add3A_513 : i32
        %get3A_515 = arith.index_cast %add3A_514 : i32 to index
        %get3A_516 = arith.constant 0 : index
        %get3A_517 = tpu.vector_load %arg8[%get3A_515, %get3A_516] {strides = array<i32>} : memref<100x64xf32, #tpu.memory_space<vmem>>, vector<1x16xf32>,
        %get3A_518 = vector.shape_cast %get3A_517 : vector<1x16xf32> to vector<16xf32>
        %max3A_519 = arith.maximumf %max3A_491, %get3A_518 : vector<16xf32>
        %add3A_520 = arith.constant 10 : i32
        %add3A_521 = arith.addi %mul3A_233, %add3A_520 : i32
        %get3A_522 = arith.index_cast %add3A_521 : i32 to index
        %get3A_523 = arith.constant 16 : index
        %get3A_524 = tpu.vector_load %arg8[%get3A_522, %get3A_523] {strides = array<i32>} : memref<100x64xf32, #tpu.memory_space<vmem>>, vector<1x16xf32>,
        %get3A_525 = vector.shape_cast %get3A_524 : vector<1x16xf32> to vector<16xf32>
        %max3A_526 = arith.maximumf %max3A_498, %get3A_525 : vector<16xf32>
        %add3A_527 = arith.constant 10 : i32
        %add3A_528 = arith.addi %mul3A_233, %add3A_527 : i32
        %get3A_529 = arith.index_cast %add3A_528 : i32 to index
        %get3A_530 = arith.constant 32 : index
        %get3A_531 = tpu.vector_load %arg8[%get3A_529, %get3A_530] {strides = array<i32>} : memref<100x64xf32, #tpu.memory_space<vmem>>, vector<1x16xf32>,
        %get3A_532 = vector.shape_cast %get3A_531 : vector<1x16xf32> to vector<16xf32>
        %max3A_533 = arith.maximumf %max3A_505, %get3A_532 : vector<16xf32>
        %add3A_534 = arith.constant 10 : i32
        %add3A_535 = arith.addi %mul3A_233, %add3A_534 : i32
        %get3A_536 = arith.index_cast %add3A_535 : i32 to index
        %get3A_537 = arith.constant 48 : index
        %get3A_538 = tpu.vector_load %arg8[%get3A_536, %get3A_537] {strides = array<i32>} : memref<100x64xf32, #tpu.memory_space<vmem>>, vector<1x16xf32>,
        %get3A_539 = vector.shape_cast %get3A_538 : vector<1x16xf32> to vector<16xf32>
        %max3A_540 = arith.maximumf %max3A_512, %get3A_539 : vector<16xf32>
        %add3A_541 = arith.constant 11 : i32
        %add3A_542 = arith.addi %mul3A_233, %add3A_541 : i32
        %get3A_543 = arith.index_cast %add3A_542 : i32 to index
        %get3A_544 = arith.constant 0 : index
        %get3A_545 = tpu.vector_load %arg8[%get3A_543, %get3A_544] {strides = array<i32>} : memref<100x64xf32, #tpu.memory_space<vmem>>, vector<1x16xf32>,
        %get3A_546 = vector.shape_cast %get3A_545 : vector<1x16xf32> to vector<16xf32>
        %max3A_547 = arith.maximumf %max3A_519, %get3A_546 : vector<16xf32>
        %add3A_548 = arith.constant 11 : i32
        %add3A_549 = arith.addi %mul3A_233, %add3A_548 : i32
        %get3A_550 = arith.index_cast %add3A_549 : i32 to index
        %get3A_551 = arith.constant 16 : index
        %get3A_552 = tpu.vector_load %arg8[%get3A_550, %get3A_551] {strides = array<i32>} : memref<100x64xf32, #tpu.memory_space<vmem>>, vector<1x16xf32>,
        %get3A_553 = vector.shape_cast %get3A_552 : vector<1x16xf32> to vector<16xf32>
        %max3A_554 = arith.maximumf %max3A_526, %get3A_553 : vector<16xf32>
        %add3A_555 = arith.constant 11 : i32
        %add3A_556 = arith.addi %mul3A_233, %add3A_555 : i32
        %get3A_557 = arith.index_cast %add3A_556 : i32 to index
        %get3A_558 = arith.constant 32 : index
        %get3A_559 = tpu.vector_load %arg8[%get3A_557, %get3A_558] {strides = array<i32>} : memref<100x64xf32, #tpu.memory_space<vmem>>, vector<1x16xf32>,
        %get3A_560 = vector.shape_cast %get3A_559 : vector<1x16xf32> to vector<16xf32>
        %max3A_561 = arith.maximumf %max3A_533, %get3A_560 : vector<16xf32>
        %add3A_562 = arith.constant 11 : i32
        %add3A_563 = arith.addi %mul3A_233, %add3A_562 : i32
        %get3A_564 = arith.index_cast %add3A_563 : i32 to index
        %get3A_565 = arith.constant 48 : index
        %get3A_566 = tpu.vector_load %arg8[%get3A_564, %get3A_565] {strides = array<i32>} : memref<100x64xf32, #tpu.memory_space<vmem>>, vector<1x16xf32>,
        %get3A_567 = vector.shape_cast %get3A_566 : vector<1x16xf32> to vector<16xf32>
        %max3A_568 = arith.maximumf %max3A_540, %get3A_567 : vector<16xf32>
        %add3A_569 = arith.constant 12 : i32
        %add3A_570 = arith.addi %mul3A_233, %add3A_569 : i32
        %get3A_571 = arith.index_cast %add3A_570 : i32 to index
        %get3A_572 = arith.constant 0 : index
        %get3A_573 = tpu.vector_load %arg8[%get3A_571, %get3A_572] {strides = array<i32>} : memref<100x64xf32, #tpu.memory_space<vmem>>, vector<1x16xf32>,
        %get3A_574 = vector.shape_cast %get3A_573 : vector<1x16xf32> to vector<16xf32>
        %max3A_575 = arith.maximumf %max3A_547, %get3A_574 : vector<16xf32>
        %add3A_576 = arith.constant 12 : i32
        %add3A_577 = arith.addi %mul3A_233, %add3A_576 : i32
        %get3A_578 = arith.index_cast %add3A_577 : i32 to index
        %get3A_579 = arith.constant 16 : index
        %get3A_580 = tpu.vector_load %arg8[%get3A_578, %get3A_579] {strides = array<i32>} : memref<100x64xf32, #tpu.memory_space<vmem>>, vector<1x16xf32>,
        %get3A_581 = vector.shape_cast %get3A_580 : vector<1x16xf32> to vector<16xf32>
        %max3A_582 = arith.maximumf %max3A_554, %get3A_581 : vector<16xf32>
        %add3A_583 = arith.constant 12 : i32
        %add3A_584 = arith.addi %mul3A_233, %add3A_583 : i32
        %get3A_585 = arith.index_cast %add3A_584 : i32 to index
        %get3A_586 = arith.constant 32 : index
        %get3A_587 = tpu.vector_load %arg8[%get3A_585, %get3A_586] {strides = array<i32>} : memref<100x64xf32, #tpu.memory_space<vmem>>, vector<1x16xf32>,
        %get3A_588 = vector.shape_cast %get3A_587 : vector<1x16xf32> to vector<16xf32>
        %max3A_589 = arith.maximumf %max3A_561, %get3A_588 : vector<16xf32>
        %add3A_590 = arith.constant 12 : i32
        %add3A_591 = arith.addi %mul3A_233, %add3A_590 : i32
        %get3A_592 = arith.index_cast %add3A_591 : i32 to index
        %get3A_593 = arith.constant 48 : index
        %get3A_594 = tpu.vector_load %arg8[%get3A_592, %get3A_593] {strides = array<i32>} : memref<100x64xf32, #tpu.memory_space<vmem>>, vector<1x16xf32>,
        %get3A_595 = vector.shape_cast %get3A_594 : vector<1x16xf32> to vector<16xf32>
        %max3A_596 = arith.maximumf %max3A_568, %get3A_595 : vector<16xf32>
        %add3A_597 = arith.constant 13 : i32
        %add3A_598 = arith.addi %mul3A_233, %add3A_597 : i32
        %get3A_599 = arith.index_cast %add3A_598 : i32 to index
        %get3A_600 = arith.constant 0 : index
        %get3A_601 = tpu.vector_load %arg8[%get3A_599, %get3A_600] {strides = array<i32>} : memref<100x64xf32, #tpu.memory_space<vmem>>, vector<1x16xf32>,
        %get3A_602 = vector.shape_cast %get3A_601 : vector<1x16xf32> to vector<16xf32>
        %max3A_603 = arith.maximumf %max3A_575, %get3A_602 : vector<16xf32>
        %add3A_604 = arith.constant 13 : i32
        %add3A_605 = arith.addi %mul3A_233, %add3A_604 : i32
        %get3A_606 = arith.index_cast %add3A_605 : i32 to index
        %get3A_607 = arith.constant 16 : index
        %get3A_608 = tpu.vector_load %arg8[%get3A_606, %get3A_607] {strides = array<i32>} : memref<100x64xf32, #tpu.memory_space<vmem>>, vector<1x16xf32>,
        %get3A_609 = vector.shape_cast %get3A_608 : vector<1x16xf32> to vector<16xf32>
        %max3A_610 = arith.maximumf %max3A_582, %get3A_609 : vector<16xf32>
        %add3A_611 = arith.constant 13 : i32
        %add3A_612 = arith.addi %mul3A_233, %add3A_611 : i32
        %get3A_613 = arith.index_cast %add3A_612 : i32 to index
        %get3A_614 = arith.constant 32 : index
        %get3A_615 = tpu.vector_load %arg8[%get3A_613, %get3A_614] {strides = array<i32>} : memref<100x64xf32, #tpu.memory_space<vmem>>, vector<1x16xf32>,
        %get3A_616 = vector.shape_cast %get3A_615 : vector<1x16xf32> to vector<16xf32>
        %max3A_617 = arith.maximumf %max3A_589, %get3A_616 : vector<16xf32>
        %add3A_618 = arith.constant 13 : i32
        %add3A_619 = arith.addi %mul3A_233, %add3A_618 : i32
        %get3A_620 = arith.index_cast %add3A_619 : i32 to index
        %get3A_621 = arith.constant 48 : index
        %get3A_622 = tpu.vector_load %arg8[%get3A_620, %get3A_621] {strides = array<i32>} : memref<100x64xf32, #tpu.memory_space<vmem>>, vector<1x16xf32>,
        %get3A_623 = vector.shape_cast %get3A_622 : vector<1x16xf32> to vector<16xf32>
        %max3A_624 = arith.maximumf %max3A_596, %get3A_623 : vector<16xf32>
        %add3A_625 = arith.constant 14 : i32
        %add3A_626 = arith.addi %mul3A_233, %add3A_625 : i32
        %get3A_627 = arith.index_cast %add3A_626 : i32 to index
        %get3A_628 = arith.constant 0 : index
        %get3A_629 = tpu.vector_load %arg8[%get3A_627, %get3A_628] {strides = array<i32>} : memref<100x64xf32, #tpu.memory_space<vmem>>, vector<1x16xf32>,
        %get3A_630 = vector.shape_cast %get3A_629 : vector<1x16xf32> to vector<16xf32>
        %max3A_631 = arith.maximumf %max3A_603, %get3A_630 : vector<16xf32>
        %add3A_632 = arith.constant 14 : i32
        %add3A_633 = arith.addi %mul3A_233, %add3A_632 : i32
        %get3A_634 = arith.index_cast %add3A_633 : i32 to index
        %get3A_635 = arith.constant 16 : index
        %get3A_636 = tpu.vector_load %arg8[%get3A_634, %get3A_635] {strides = array<i32>} : memref<100x64xf32, #tpu.memory_space<vmem>>, vector<1x16xf32>,
        %get3A_637 = vector.shape_cast %get3A_636 : vector<1x16xf32> to vector<16xf32>
        %max3A_638 = arith.maximumf %max3A_610, %get3A_637 : vector<16xf32>
        %add3A_639 = arith.constant 14 : i32
        %add3A_640 = arith.addi %mul3A_233, %add3A_639 : i32
        %get3A_641 = arith.index_cast %add3A_640 : i32 to index
        %get3A_642 = arith.constant 32 : index
        %get3A_643 = tpu.vector_load %arg8[%get3A_641, %get3A_642] {strides = array<i32>} : memref<100x64xf32, #tpu.memory_space<vmem>>, vector<1x16xf32>,
        %get3A_644 = vector.shape_cast %get3A_643 : vector<1x16xf32> to vector<16xf32>
        %max3A_645 = arith.maximumf %max3A_617, %get3A_644 : vector<16xf32>
        %add3A_646 = arith.constant 14 : i32
        %add3A_647 = arith.addi %mul3A_233, %add3A_646 : i32
        %get3A_648 = arith.index_cast %add3A_647 : i32 to index
        %get3A_649 = arith.constant 48 : index
        %get3A_650 = tpu.vector_load %arg8[%get3A_648, %get3A_649] {strides = array<i32>} : memref<100x64xf32, #tpu.memory_space<vmem>>, vector<1x16xf32>,
        %get3A_651 = vector.shape_cast %get3A_650 : vector<1x16xf32> to vector<16xf32>
        %max3A_652 = arith.maximumf %max3A_624, %get3A_651 : vector<16xf32>
        %add3A_653 = arith.constant 15 : i32
        %add3A_654 = arith.addi %mul3A_233, %add3A_653 : i32
        %get3A_655 = arith.index_cast %add3A_654 : i32 to index
        %get3A_656 = arith.constant 0 : index
        %get3A_657 = tpu.vector_load %arg8[%get3A_655, %get3A_656] {strides = array<i32>} : memref<100x64xf32, #tpu.memory_space<vmem>>, vector<1x16xf32>,
        %get3A_658 = vector.shape_cast %get3A_657 : vector<1x16xf32> to vector<16xf32>
        %max3A_659 = arith.maximumf %max3A_631, %get3A_658 : vector<16xf32>
        %add3A_660 = arith.constant 15 : i32
        %add3A_661 = arith.addi %mul3A_233, %add3A_660 : i32
        %get3A_662 = arith.index_cast %add3A_661 : i32 to index
        %get3A_663 = arith.constant 16 : index
        %get3A_664 = tpu.vector_load %arg8[%get3A_662, %get3A_663] {strides = array<i32>} : memref<100x64xf32, #tpu.memory_space<vmem>>, vector<1x16xf32>,
        %get3A_665 = vector.shape_cast %get3A_664 : vector<1x16xf32> to vector<16xf32>
        %max3A_666 = arith.maximumf %max3A_638, %get3A_665 : vector<16xf32>
        %add3A_667 = arith.constant 15 : i32
        %add3A_668 = arith.addi %mul3A_233, %add3A_667 : i32
        %get3A_669 = arith.index_cast %add3A_668 : i32 to index
        %get3A_670 = arith.constant 32 : index
        %get3A_671 = tpu.vector_load %arg8[%get3A_669, %get3A_670] {strides = array<i32>} : memref<100x64xf32, #tpu.memory_space<vmem>>, vector<1x16xf32>,
        %get3A_672 = vector.shape_cast %get3A_671 : vector<1x16xf32> to vector<16xf32>
        %max3A_673 = arith.maximumf %max3A_645, %get3A_672 : vector<16xf32>
        %add3A_674 = arith.constant 15 : i32
        %add3A_675 = arith.addi %mul3A_233, %add3A_674 : i32
        %get3A_676 = arith.index_cast %add3A_675 : i32 to index
        %get3A_677 = arith.constant 48 : index
        %get3A_678 = tpu.vector_load %arg8[%get3A_676, %get3A_677] {strides = array<i32>} : memref<100x64xf32, #tpu.memory_space<vmem>>, vector<1x16xf32>,
        %get3A_679 = vector.shape_cast %get3A_678 : vector<1x16xf32> to vector<16xf32>
        %max3A_680 = arith.maximumf %max3A_652, %get3A_679 : vector<16xf32>
        %add3A_681 = arith.constant 16 : i32
        %add3A_682 = arith.addi %mul3A_233, %add3A_681 : i32
        %get3A_683 = arith.index_cast %add3A_682 : i32 to index
        %get3A_684 = arith.constant 0 : index
        %get3A_685 = tpu.vector_load %arg8[%get3A_683, %get3A_684] {strides = array<i32>} : memref<100x64xf32, #tpu.memory_space<vmem>>, vector<1x16xf32>,
        %get3A_686 = vector.shape_cast %get3A_685 : vector<1x16xf32> to vector<16xf32>
        %max3A_687 = arith.maximumf %max3A_659, %get3A_686 : vector<16xf32>
        %add3A_688 = arith.constant 16 : i32
        %add3A_689 = arith.addi %mul3A_233, %add3A_688 : i32
        %get3A_690 = arith.index_cast %add3A_689 : i32 to index
        %get3A_691 = arith.constant 16 : index
        %get3A_692 = tpu.vector_load %arg8[%get3A_690, %get3A_691] {strides = array<i32>} : memref<100x64xf32, #tpu.memory_space<vmem>>, vector<1x16xf32>,
        %get3A_693 = vector.shape_cast %get3A_692 : vector<1x16xf32> to vector<16xf32>
        %max3A_694 = arith.maximumf %max3A_666, %get3A_693 : vector<16xf32>
        %add3A_695 = arith.constant 16 : i32
        %add3A_696 = arith.addi %mul3A_233, %add3A_695 : i32
        %get3A_697 = arith.index_cast %add3A_696 : i32 to index
        %get3A_698 = arith.constant 32 : index
        %get3A_699 = tpu.vector_load %arg8[%get3A_697, %get3A_698] {strides = array<i32>} : memref<100x64xf32, #tpu.memory_space<vmem>>, vector<1x16xf32>,
        %get3A_700 = vector.shape_cast %get3A_699 : vector<1x16xf32> to vector<16xf32>
        %max3A_701 = arith.maximumf %max3A_673, %get3A_700 : vector<16xf32>
        %add3A_702 = arith.constant 16 : i32
        %add3A_703 = arith.addi %mul3A_233, %add3A_702 : i32
        %get3A_704 = arith.index_cast %add3A_703 : i32 to index
        %get3A_705 = arith.constant 48 : index
        %get3A_706 = tpu.vector_load %arg8[%get3A_704, %get3A_705] {strides = array<i32>} : memref<100x64xf32, #tpu.memory_space<vmem>>, vector<1x16xf32>,
        %get3A_707 = vector.shape_cast %get3A_706 : vector<1x16xf32> to vector<16xf32>
        %max3A_708 = arith.maximumf %max3A_680, %get3A_707 : vector<16xf32>
        %add3A_709 = arith.constant 17 : i32
        %add3A_710 = arith.addi %mul3A_233, %add3A_709 : i32
        %get3A_711 = arith.index_cast %add3A_710 : i32 to index
        %get3A_712 = arith.constant 0 : index
        %get3A_713 = tpu.vector_load %arg8[%get3A_711, %get3A_712] {strides = array<i32>} : memref<100x64xf32, #tpu.memory_space<vmem>>, vector<1x16xf32>,
        %get3A_714 = vector.shape_cast %get3A_713 : vector<1x16xf32> to vector<16xf32>
        %max3A_715 = arith.maximumf %max3A_687, %get3A_714 : vector<16xf32>
        %add3A_716 = arith.constant 17 : i32
        %add3A_717 = arith.addi %mul3A_233, %add3A_716 : i32
        %get3A_718 = arith.index_cast %add3A_717 : i32 to index
        %get3A_719 = arith.constant 16 : index
        %get3A_720 = tpu.vector_load %arg8[%get3A_718, %get3A_719] {strides = array<i32>} : memref<100x64xf32, #tpu.memory_space<vmem>>, vector<1x16xf32>,
        %get3A_721 = vector.shape_cast %get3A_720 : vector<1x16xf32> to vector<16xf32>
        %max3A_722 = arith.maximumf %max3A_694, %get3A_721 : vector<16xf32>
        %add3A_723 = arith.constant 17 : i32
        %add3A_724 = arith.addi %mul3A_233, %add3A_723 : i32
        %get3A_725 = arith.index_cast %add3A_724 : i32 to index
        %get3A_726 = arith.constant 32 : index
        %get3A_727 = tpu.vector_load %arg8[%get3A_725, %get3A_726] {strides = array<i32>} : memref<100x64xf32, #tpu.memory_space<vmem>>, vector<1x16xf32>,
        %get3A_728 = vector.shape_cast %get3A_727 : vector<1x16xf32> to vector<16xf32>
        %max3A_729 = arith.maximumf %max3A_701, %get3A_728 : vector<16xf32>
        %add3A_730 = arith.constant 17 : i32
        %add3A_731 = arith.addi %mul3A_233, %add3A_730 : i32
        %get3A_732 = arith.index_cast %add3A_731 : i32 to index
        %get3A_733 = arith.constant 48 : index
        %get3A_734 = tpu.vector_load %arg8[%get3A_732, %get3A_733] {strides = array<i32>} : memref<100x64xf32, #tpu.memory_space<vmem>>, vector<1x16xf32>,
        %get3A_735 = vector.shape_cast %get3A_734 : vector<1x16xf32> to vector<16xf32>
        %max3A_736 = arith.maximumf %max3A_708, %get3A_735 : vector<16xf32>
        %add3A_737 = arith.constant 18 : i32
        %add3A_738 = arith.addi %mul3A_233, %add3A_737 : i32
        %get3A_739 = arith.index_cast %add3A_738 : i32 to index
        %get3A_740 = arith.constant 0 : index
        %get3A_741 = tpu.vector_load %arg8[%get3A_739, %get3A_740] {strides = array<i32>} : memref<100x64xf32, #tpu.memory_space<vmem>>, vector<1x16xf32>,
        %get3A_742 = vector.shape_cast %get3A_741 : vector<1x16xf32> to vector<16xf32>
        %max3A_743 = arith.maximumf %max3A_715, %get3A_742 : vector<16xf32>
        %add3A_744 = arith.constant 18 : i32
        %add3A_745 = arith.addi %mul3A_233, %add3A_744 : i32
        %get3A_746 = arith.index_cast %add3A_745 : i32 to index
        %get3A_747 = arith.constant 16 : index
        %get3A_748 = tpu.vector_load %arg8[%get3A_746, %get3A_747] {strides = array<i32>} : memref<100x64xf32, #tpu.memory_space<vmem>>, vector<1x16xf32>,
        %get3A_749 = vector.shape_cast %get3A_748 : vector<1x16xf32> to vector<16xf32>
        %max3A_750 = arith.maximumf %max3A_722, %get3A_749 : vector<16xf32>
        %add3A_751 = arith.constant 18 : i32
        %add3A_752 = arith.addi %mul3A_233, %add3A_751 : i32
        %get3A_753 = arith.index_cast %add3A_752 : i32 to index
        %get3A_754 = arith.constant 32 : index
        %get3A_755 = tpu.vector_load %arg8[%get3A_753, %get3A_754] {strides = array<i32>} : memref<100x64xf32, #tpu.memory_space<vmem>>, vector<1x16xf32>,
        %get3A_756 = vector.shape_cast %get3A_755 : vector<1x16xf32> to vector<16xf32>
        %max3A_757 = arith.maximumf %max3A_729, %get3A_756 : vector<16xf32>
        %add3A_758 = arith.constant 18 : i32
        %add3A_759 = arith.addi %mul3A_233, %add3A_758 : i32
        %get3A_760 = arith.index_cast %add3A_759 : i32 to index
        %get3A_761 = arith.constant 48 : index
        %get3A_762 = tpu.vector_load %arg8[%get3A_760, %get3A_761] {strides = array<i32>} : memref<100x64xf32, #tpu.memory_space<vmem>>, vector<1x16xf32>,
        %get3A_763 = vector.shape_cast %get3A_762 : vector<1x16xf32> to vector<16xf32>
        %max3A_764 = arith.maximumf %max3A_736, %get3A_763 : vector<16xf32>
        %add3A_765 = arith.constant 19 : i32
        %add3A_766 = arith.addi %mul3A_233, %add3A_765 : i32
        %get3A_767 = arith.index_cast %add3A_766 : i32 to index
        %get3A_768 = arith.constant 0 : index
        %get3A_769 = tpu.vector_load %arg8[%get3A_767, %get3A_768] {strides = array<i32>} : memref<100x64xf32, #tpu.memory_space<vmem>>, vector<1x16xf32>,
        %get3A_770 = vector.shape_cast %get3A_769 : vector<1x16xf32> to vector<16xf32>
        %max3A_771 = arith.maximumf %max3A_743, %get3A_770 : vector<16xf32>
        %add3A_772 = arith.constant 19 : i32
        %add3A_773 = arith.addi %mul3A_233, %add3A_772 : i32
        %get3A_774 = arith.index_cast %add3A_773 : i32 to index
        %get3A_775 = arith.constant 16 : index
        %get3A_776 = tpu.vector_load %arg8[%get3A_774, %get3A_775] {strides = array<i32>} : memref<100x64xf32, #tpu.memory_space<vmem>>, vector<1x16xf32>,
        %get3A_777 = vector.shape_cast %get3A_776 : vector<1x16xf32> to vector<16xf32>
        %max3A_778 = arith.maximumf %max3A_750, %get3A_777 : vector<16xf32>
        %add3A_779 = arith.constant 19 : i32
        %add3A_780 = arith.addi %mul3A_233, %add3A_779 : i32
        %get3A_781 = arith.index_cast %add3A_780 : i32 to index
        %get3A_782 = arith.constant 32 : index
        %get3A_783 = tpu.vector_load %arg8[%get3A_781, %get3A_782] {strides = array<i32>} : memref<100x64xf32, #tpu.memory_space<vmem>>, vector<1x16xf32>,
        %get3A_784 = vector.shape_cast %get3A_783 : vector<1x16xf32> to vector<16xf32>
        %max3A_785 = arith.maximumf %max3A_757, %get3A_784 : vector<16xf32>
        %add3A_786 = arith.constant 19 : i32
        %add3A_787 = arith.addi %mul3A_233, %add3A_786 : i32
        %get3A_788 = arith.index_cast %add3A_787 : i32 to index
        %get3A_789 = arith.constant 48 : index
        %get3A_790 = tpu.vector_load %arg8[%get3A_788, %get3A_789] {strides = array<i32>} : memref<100x64xf32, #tpu.memory_space<vmem>>, vector<1x16xf32>,
        %get3A_791 = vector.shape_cast %get3A_790 : vector<1x16xf32> to vector<16xf32>
        %max3A_792 = arith.maximumf %max3A_764, %get3A_791 : vector<16xf32>
        scf.yield %max3A_771, %max3A_778, %max3A_785, %max3A_792 : vector<16xf32>, vector<16xf32>, vector<16xf32>, vector<16xf32>
      }
      %scan3A_114 = arith.constant 5 : i32
      %lt3A_115 = arith.constant 63 : i32
      %lt3A_116 = arith.cmpi slt, %scan3A_37, %lt3A_115 : i32
      %convert_element_type3A_117 = arith.extui %lt3A_116 : i1 to i32
      %cond3A_118 = arith.constant 0 : i32
      %cond3A_119 = arith.cmpi ne, %convert_element_type3A_117, %cond3A_118 : i32
      scf.if %cond3A_119 {
        %add3A_227 = arith.constant 4 : i32
        %add3A_228 = arith.addi %add3A_94, %add3A_227 : i32
        %dma_start3A_229 = arith.constant 0 : i32
        %dma_start3A_230 = tpu.memref_slice %arg5[%add3A_228, %dma_start3A_229] : memref<256x100xi32, #tpu.memory_space<vmem>> -> memref<1x100xi32, #tpu.memory_space<vmem>>
        %dma_start3A_231 = tpu.memref_squeeze %dma_start3A_230 : memref<1x100xi32, #tpu.memory_space<vmem>> -> memref<100xi32, #tpu.memory_space<vmem>>
        %dma_start3A_232 = arith.constant 0 : i32
        %dma_start3A_233 = arith.constant 0 : i32
        %dma_start3A_234 = tpu.memref_slice %arg3[%dma_start3A_232, %dma_start3A_233] : memref<1000000x64xf32, #tpu.memory_space<hbm>> -> memref<1000000x64xf32, #tpu.memory_space<hbm>>
        tpu.enqueue_indirect_dma source(%dma_start3A_234 : memref<1000000x64xf32, #tpu.memory_space<hbm>>) target(%arg8 : memref<100x64xf32, #tpu.memory_space<vmem>>) offsets(%dma_start3A_231 : memref<100xi32, #tpu.memory_space<vmem>>) semaphore(%arg13 : memref<!tpu.dma_semaphore, #tpu.memory_space<semaphore_mem>>)
      } else {
      }
      %mul3A_120 = arith.constant 4 : i32
      %mul3A_121 = arith.muli %mul3A_120, %scan3A_37 : i32
      %add3A_122 = arith.constant 3 : i32
      %add3A_123 = arith.addi %mul3A_121, %add3A_122 : i32
      %dma_wait3A_124 = arith.constant 0 : i32
      %dma_wait3A_125 = tpu.memref_slice %arg5[%add3A_123, %dma_wait3A_124] : memref<256x100xi32, #tpu.memory_space<vmem>> -> memref<1x100xi32, #tpu.memory_space<vmem>>
      %dma_wait3A_126 = tpu.memref_squeeze %dma_wait3A_125 : memref<1x100xi32, #tpu.memory_space<vmem>> -> memref<100xi32, #tpu.memory_space<vmem>>
      %dma_wait3A_127 = arith.constant 0 : i32
      %dma_wait3A_128 = arith.constant 0 : i32
      %dma_wait3A_129 = tpu.memref_slice %arg3[%dma_wait3A_127, %dma_wait3A_128] : memref<1000000x64xf32, #tpu.memory_space<hbm>> -> memref<1000000x64xf32, #tpu.memory_space<hbm>>
      tpu.wait_indirect_dma semaphore(%arg14 : memref<!tpu.dma_semaphore, #tpu.memory_space<semaphore_mem>>) src(%dma_wait3A_129 : memref<1000000x64xf32, #tpu.memory_space<hbm>>) dst(%arg9 : memref<100x64xf32, #tpu.memory_space<vmem>>)
      %broadcast_in_dim3A_130 = arith.constant -3.40282347E+38 : f32
      %broadcast_in_dim3A_131 = vector.broadcast %broadcast_in_dim3A_130 : f32 to vector<16xf32>
      %broadcast_in_dim3A_132 = arith.constant -3.40282347E+38 : f32
      %broadcast_in_dim3A_133 = vector.broadcast %broadcast_in_dim3A_132 : f32 to vector<16xf32>
      %broadcast_in_dim3A_134 = arith.constant -3.40282347E+38 : f32
      %broadcast_in_dim3A_135 = vector.broadcast %broadcast_in_dim3A_134 : f32 to vector<16xf32>
      %broadcast_in_dim3A_136 = arith.constant -3.40282347E+38 : f32
      %broadcast_in_dim3A_137 = vector.broadcast %broadcast_in_dim3A_136 : f32 to vector<16xf32>
      %scan3A_138 = arith.constant 0 : i32
      %scan3A_139 = arith.constant 5 : i32
      %scan3A_140 = arith.addi %scan3A_138, %scan3A_139 : i32
      %scan3A_141 = arith.constant 1 : i32
      %scan3A_142:4 = scf.for %scan3A_227 = %scan3A_138 to %scan3A_140 step %scan3A_141 iter_args(%scan3A_228 = %broadcast_in_dim3A_131, %scan3A_229 = %broadcast_in_dim3A_133, %scan3A_230 = %broadcast_in_dim3A_135, %scan3A_231 = %broadcast_in_dim3A_137) -> (vector<16xf32>, vector<16xf32>, vector<16xf32>, vector<16xf32>)  : i32 {
        %mul3A_232 = arith.constant 20 : i32
        %mul3A_233 = arith.muli %scan3A_227, %mul3A_232 : i32
        %add3A_234 = arith.constant 0 : i32
        %add3A_235 = arith.addi %mul3A_233, %add3A_234 : i32
        %get3A = arith.index_cast %add3A_235 : i32 to index
        %get3A_236 = arith.constant 0 : index
        %get3A_237 = tpu.vector_load %arg9[%get3A, %get3A_236] {strides = array<i32>} : memref<100x64xf32, #tpu.memory_space<vmem>>, vector<1x16xf32>,
        %get3A_238 = vector.shape_cast %get3A_237 : vector<1x16xf32> to vector<16xf32>
        %max3A_239 = arith.maximumf %scan3A_228, %get3A_238 : vector<16xf32>
        %add3A_240 = arith.constant 0 : i32
        %add3A_241 = arith.addi %mul3A_233, %add3A_240 : i32
        %get3A_242 = arith.index_cast %add3A_241 : i32 to index
        %get3A_243 = arith.constant 16 : index
        %get3A_244 = tpu.vector_load %arg9[%get3A_242, %get3A_243] {strides = array<i32>} : memref<100x64xf32, #tpu.memory_space<vmem>>, vector<1x16xf32>,
        %get3A_245 = vector.shape_cast %get3A_244 : vector<1x16xf32> to vector<16xf32>
        %max3A_246 = arith.maximumf %scan3A_229, %get3A_245 : vector<16xf32>
        %add3A_247 = arith.constant 0 : i32
        %add3A_248 = arith.addi %mul3A_233, %add3A_247 : i32
        %get3A_249 = arith.index_cast %add3A_248 : i32 to index
        %get3A_250 = arith.constant 32 : index
        %get3A_251 = tpu.vector_load %arg9[%get3A_249, %get3A_250] {strides = array<i32>} : memref<100x64xf32, #tpu.memory_space<vmem>>, vector<1x16xf32>,
        %get3A_252 = vector.shape_cast %get3A_251 : vector<1x16xf32> to vector<16xf32>
        %max3A_253 = arith.maximumf %scan3A_230, %get3A_252 : vector<16xf32>
        %add3A_254 = arith.constant 0 : i32
        %add3A_255 = arith.addi %mul3A_233, %add3A_254 : i32
        %get3A_256 = arith.index_cast %add3A_255 : i32 to index
        %get3A_257 = arith.constant 48 : index
        %get3A_258 = tpu.vector_load %arg9[%get3A_256, %get3A_257] {strides = array<i32>} : memref<100x64xf32, #tpu.memory_space<vmem>>, vector<1x16xf32>,
        %get3A_259 = vector.shape_cast %get3A_258 : vector<1x16xf32> to vector<16xf32>
        %max3A_260 = arith.maximumf %scan3A_231, %get3A_259 : vector<16xf32>
        %add3A_261 = arith.constant 1 : i32
        %add3A_262 = arith.addi %mul3A_233, %add3A_261 : i32
        %get3A_263 = arith.index_cast %add3A_262 : i32 to index
        %get3A_264 = arith.constant 0 : index
        %get3A_265 = tpu.vector_load %arg9[%get3A_263, %get3A_264] {strides = array<i32>} : memref<100x64xf32, #tpu.memory_space<vmem>>, vector<1x16xf32>,
        %get3A_266 = vector.shape_cast %get3A_265 : vector<1x16xf32> to vector<16xf32>
        %max3A_267 = arith.maximumf %max3A_239, %get3A_266 : vector<16xf32>
        %add3A_268 = arith.constant 1 : i32
        %add3A_269 = arith.addi %mul3A_233, %add3A_268 : i32
        %get3A_270 = arith.index_cast %add3A_269 : i32 to index
        %get3A_271 = arith.constant 16 : index
        %get3A_272 = tpu.vector_load %arg9[%get3A_270, %get3A_271] {strides = array<i32>} : memref<100x64xf32, #tpu.memory_space<vmem>>, vector<1x16xf32>,
        %get3A_273 = vector.shape_cast %get3A_272 : vector<1x16xf32> to vector<16xf32>
        %max3A_274 = arith.maximumf %max3A_246, %get3A_273 : vector<16xf32>
        %add3A_275 = arith.constant 1 : i32
        %add3A_276 = arith.addi %mul3A_233, %add3A_275 : i32
        %get3A_277 = arith.index_cast %add3A_276 : i32 to index
        %get3A_278 = arith.constant 32 : index
        %get3A_279 = tpu.vector_load %arg9[%get3A_277, %get3A_278] {strides = array<i32>} : memref<100x64xf32, #tpu.memory_space<vmem>>, vector<1x16xf32>,
        %get3A_280 = vector.shape_cast %get3A_279 : vector<1x16xf32> to vector<16xf32>
        %max3A_281 = arith.maximumf %max3A_253, %get3A_280 : vector<16xf32>
        %add3A_282 = arith.constant 1 : i32
        %add3A_283 = arith.addi %mul3A_233, %add3A_282 : i32
        %get3A_284 = arith.index_cast %add3A_283 : i32 to index
        %get3A_285 = arith.constant 48 : index
        %get3A_286 = tpu.vector_load %arg9[%get3A_284, %get3A_285] {strides = array<i32>} : memref<100x64xf32, #tpu.memory_space<vmem>>, vector<1x16xf32>,
        %get3A_287 = vector.shape_cast %get3A_286 : vector<1x16xf32> to vector<16xf32>
        %max3A_288 = arith.maximumf %max3A_260, %get3A_287 : vector<16xf32>
        %add3A_289 = arith.constant 2 : i32
        %add3A_290 = arith.addi %mul3A_233, %add3A_289 : i32
        %get3A_291 = arith.index_cast %add3A_290 : i32 to index
        %get3A_292 = arith.constant 0 : index
        %get3A_293 = tpu.vector_load %arg9[%get3A_291, %get3A_292] {strides = array<i32>} : memref<100x64xf32, #tpu.memory_space<vmem>>, vector<1x16xf32>,
        %get3A_294 = vector.shape_cast %get3A_293 : vector<1x16xf32> to vector<16xf32>
        %max3A_295 = arith.maximumf %max3A_267, %get3A_294 : vector<16xf32>
        %add3A_296 = arith.constant 2 : i32
        %add3A_297 = arith.addi %mul3A_233, %add3A_296 : i32
        %get3A_298 = arith.index_cast %add3A_297 : i32 to index
        %get3A_299 = arith.constant 16 : index
        %get3A_300 = tpu.vector_load %arg9[%get3A_298, %get3A_299] {strides = array<i32>} : memref<100x64xf32, #tpu.memory_space<vmem>>, vector<1x16xf32>,
        %get3A_301 = vector.shape_cast %get3A_300 : vector<1x16xf32> to vector<16xf32>
        %max3A_302 = arith.maximumf %max3A_274, %get3A_301 : vector<16xf32>
        %add3A_303 = arith.constant 2 : i32
        %add3A_304 = arith.addi %mul3A_233, %add3A_303 : i32
        %get3A_305 = arith.index_cast %add3A_304 : i32 to index
        %get3A_306 = arith.constant 32 : index
        %get3A_307 = tpu.vector_load %arg9[%get3A_305, %get3A_306] {strides = array<i32>} : memref<100x64xf32, #tpu.memory_space<vmem>>, vector<1x16xf32>,
        %get3A_308 = vector.shape_cast %get3A_307 : vector<1x16xf32> to vector<16xf32>
        %max3A_309 = arith.maximumf %max3A_281, %get3A_308 : vector<16xf32>
        %add3A_310 = arith.constant 2 : i32
        %add3A_311 = arith.addi %mul3A_233, %add3A_310 : i32
        %get3A_312 = arith.index_cast %add3A_311 : i32 to index
        %get3A_313 = arith.constant 48 : index
        %get3A_314 = tpu.vector_load %arg9[%get3A_312, %get3A_313] {strides = array<i32>} : memref<100x64xf32, #tpu.memory_space<vmem>>, vector<1x16xf32>,
        %get3A_315 = vector.shape_cast %get3A_314 : vector<1x16xf32> to vector<16xf32>
        %max3A_316 = arith.maximumf %max3A_288, %get3A_315 : vector<16xf32>
        %add3A_317 = arith.constant 3 : i32
        %add3A_318 = arith.addi %mul3A_233, %add3A_317 : i32
        %get3A_319 = arith.index_cast %add3A_318 : i32 to index
        %get3A_320 = arith.constant 0 : index
        %get3A_321 = tpu.vector_load %arg9[%get3A_319, %get3A_320] {strides = array<i32>} : memref<100x64xf32, #tpu.memory_space<vmem>>, vector<1x16xf32>,
        %get3A_322 = vector.shape_cast %get3A_321 : vector<1x16xf32> to vector<16xf32>
        %max3A_323 = arith.maximumf %max3A_295, %get3A_322 : vector<16xf32>
        %add3A_324 = arith.constant 3 : i32
        %add3A_325 = arith.addi %mul3A_233, %add3A_324 : i32
        %get3A_326 = arith.index_cast %add3A_325 : i32 to index
        %get3A_327 = arith.constant 16 : index
        %get3A_328 = tpu.vector_load %arg9[%get3A_326, %get3A_327] {strides = array<i32>} : memref<100x64xf32, #tpu.memory_space<vmem>>, vector<1x16xf32>,
        %get3A_329 = vector.shape_cast %get3A_328 : vector<1x16xf32> to vector<16xf32>
        %max3A_330 = arith.maximumf %max3A_302, %get3A_329 : vector<16xf32>
        %add3A_331 = arith.constant 3 : i32
        %add3A_332 = arith.addi %mul3A_233, %add3A_331 : i32
        %get3A_333 = arith.index_cast %add3A_332 : i32 to index
        %get3A_334 = arith.constant 32 : index
        %get3A_335 = tpu.vector_load %arg9[%get3A_333, %get3A_334] {strides = array<i32>} : memref<100x64xf32, #tpu.memory_space<vmem>>, vector<1x16xf32>,
        %get3A_336 = vector.shape_cast %get3A_335 : vector<1x16xf32> to vector<16xf32>
        %max3A_337 = arith.maximumf %max3A_309, %get3A_336 : vector<16xf32>
        %add3A_338 = arith.constant 3 : i32
        %add3A_339 = arith.addi %mul3A_233, %add3A_338 : i32
        %get3A_340 = arith.index_cast %add3A_339 : i32 to index
        %get3A_341 = arith.constant 48 : index
        %get3A_342 = tpu.vector_load %arg9[%get3A_340, %get3A_341] {strides = array<i32>} : memref<100x64xf32, #tpu.memory_space<vmem>>, vector<1x16xf32>,
        %get3A_343 = vector.shape_cast %get3A_342 : vector<1x16xf32> to vector<16xf32>
        %max3A_344 = arith.maximumf %max3A_316, %get3A_343 : vector<16xf32>
        %add3A_345 = arith.constant 4 : i32
        %add3A_346 = arith.addi %mul3A_233, %add3A_345 : i32
        %get3A_347 = arith.index_cast %add3A_346 : i32 to index
        %get3A_348 = arith.constant 0 : index
        %get3A_349 = tpu.vector_load %arg9[%get3A_347, %get3A_348] {strides = array<i32>} : memref<100x64xf32, #tpu.memory_space<vmem>>, vector<1x16xf32>,
        %get3A_350 = vector.shape_cast %get3A_349 : vector<1x16xf32> to vector<16xf32>
        %max3A_351 = arith.maximumf %max3A_323, %get3A_350 : vector<16xf32>
        %add3A_352 = arith.constant 4 : i32
        %add3A_353 = arith.addi %mul3A_233, %add3A_352 : i32
        %get3A_354 = arith.index_cast %add3A_353 : i32 to index
        %get3A_355 = arith.constant 16 : index
        %get3A_356 = tpu.vector_load %arg9[%get3A_354, %get3A_355] {strides = array<i32>} : memref<100x64xf32, #tpu.memory_space<vmem>>, vector<1x16xf32>,
        %get3A_357 = vector.shape_cast %get3A_356 : vector<1x16xf32> to vector<16xf32>
        %max3A_358 = arith.maximumf %max3A_330, %get3A_357 : vector<16xf32>
        %add3A_359 = arith.constant 4 : i32
        %add3A_360 = arith.addi %mul3A_233, %add3A_359 : i32
        %get3A_361 = arith.index_cast %add3A_360 : i32 to index
        %get3A_362 = arith.constant 32 : index
        %get3A_363 = tpu.vector_load %arg9[%get3A_361, %get3A_362] {strides = array<i32>} : memref<100x64xf32, #tpu.memory_space<vmem>>, vector<1x16xf32>,
        %get3A_364 = vector.shape_cast %get3A_363 : vector<1x16xf32> to vector<16xf32>
        %max3A_365 = arith.maximumf %max3A_337, %get3A_364 : vector<16xf32>
        %add3A_366 = arith.constant 4 : i32
        %add3A_367 = arith.addi %mul3A_233, %add3A_366 : i32
        %get3A_368 = arith.index_cast %add3A_367 : i32 to index
        %get3A_369 = arith.constant 48 : index
        %get3A_370 = tpu.vector_load %arg9[%get3A_368, %get3A_369] {strides = array<i32>} : memref<100x64xf32, #tpu.memory_space<vmem>>, vector<1x16xf32>,
        %get3A_371 = vector.shape_cast %get3A_370 : vector<1x16xf32> to vector<16xf32>
        %max3A_372 = arith.maximumf %max3A_344, %get3A_371 : vector<16xf32>
        %add3A_373 = arith.constant 5 : i32
        %add3A_374 = arith.addi %mul3A_233, %add3A_373 : i32
        %get3A_375 = arith.index_cast %add3A_374 : i32 to index
        %get3A_376 = arith.constant 0 : index
        %get3A_377 = tpu.vector_load %arg9[%get3A_375, %get3A_376] {strides = array<i32>} : memref<100x64xf32, #tpu.memory_space<vmem>>, vector<1x16xf32>,
        %get3A_378 = vector.shape_cast %get3A_377 : vector<1x16xf32> to vector<16xf32>
        %max3A_379 = arith.maximumf %max3A_351, %get3A_378 : vector<16xf32>
        %add3A_380 = arith.constant 5 : i32
        %add3A_381 = arith.addi %mul3A_233, %add3A_380 : i32
        %get3A_382 = arith.index_cast %add3A_381 : i32 to index
        %get3A_383 = arith.constant 16 : index
        %get3A_384 = tpu.vector_load %arg9[%get3A_382, %get3A_383] {strides = array<i32>} : memref<100x64xf32, #tpu.memory_space<vmem>>, vector<1x16xf32>,
        %get3A_385 = vector.shape_cast %get3A_384 : vector<1x16xf32> to vector<16xf32>
        %max3A_386 = arith.maximumf %max3A_358, %get3A_385 : vector<16xf32>
        %add3A_387 = arith.constant 5 : i32
        %add3A_388 = arith.addi %mul3A_233, %add3A_387 : i32
        %get3A_389 = arith.index_cast %add3A_388 : i32 to index
        %get3A_390 = arith.constant 32 : index
        %get3A_391 = tpu.vector_load %arg9[%get3A_389, %get3A_390] {strides = array<i32>} : memref<100x64xf32, #tpu.memory_space<vmem>>, vector<1x16xf32>,
        %get3A_392 = vector.shape_cast %get3A_391 : vector<1x16xf32> to vector<16xf32>
        %max3A_393 = arith.maximumf %max3A_365, %get3A_392 : vector<16xf32>
        %add3A_394 = arith.constant 5 : i32
        %add3A_395 = arith.addi %mul3A_233, %add3A_394 : i32
        %get3A_396 = arith.index_cast %add3A_395 : i32 to index
        %get3A_397 = arith.constant 48 : index
        %get3A_398 = tpu.vector_load %arg9[%get3A_396, %get3A_397] {strides = array<i32>} : memref<100x64xf32, #tpu.memory_space<vmem>>, vector<1x16xf32>,
        %get3A_399 = vector.shape_cast %get3A_398 : vector<1x16xf32> to vector<16xf32>
        %max3A_400 = arith.maximumf %max3A_372, %get3A_399 : vector<16xf32>
        %add3A_401 = arith.constant 6 : i32
        %add3A_402 = arith.addi %mul3A_233, %add3A_401 : i32
        %get3A_403 = arith.index_cast %add3A_402 : i32 to index
        %get3A_404 = arith.constant 0 : index
        %get3A_405 = tpu.vector_load %arg9[%get3A_403, %get3A_404] {strides = array<i32>} : memref<100x64xf32, #tpu.memory_space<vmem>>, vector<1x16xf32>,
        %get3A_406 = vector.shape_cast %get3A_405 : vector<1x16xf32> to vector<16xf32>
        %max3A_407 = arith.maximumf %max3A_379, %get3A_406 : vector<16xf32>
        %add3A_408 = arith.constant 6 : i32
        %add3A_409 = arith.addi %mul3A_233, %add3A_408 : i32
        %get3A_410 = arith.index_cast %add3A_409 : i32 to index
        %get3A_411 = arith.constant 16 : index
        %get3A_412 = tpu.vector_load %arg9[%get3A_410, %get3A_411] {strides = array<i32>} : memref<100x64xf32, #tpu.memory_space<vmem>>, vector<1x16xf32>,
        %get3A_413 = vector.shape_cast %get3A_412 : vector<1x16xf32> to vector<16xf32>
        %max3A_414 = arith.maximumf %max3A_386, %get3A_413 : vector<16xf32>
        %add3A_415 = arith.constant 6 : i32
        %add3A_416 = arith.addi %mul3A_233, %add3A_415 : i32
        %get3A_417 = arith.index_cast %add3A_416 : i32 to index
        %get3A_418 = arith.constant 32 : index
        %get3A_419 = tpu.vector_load %arg9[%get3A_417, %get3A_418] {strides = array<i32>} : memref<100x64xf32, #tpu.memory_space<vmem>>, vector<1x16xf32>,
        %get3A_420 = vector.shape_cast %get3A_419 : vector<1x16xf32> to vector<16xf32>
        %max3A_421 = arith.maximumf %max3A_393, %get3A_420 : vector<16xf32>
        %add3A_422 = arith.constant 6 : i32
        %add3A_423 = arith.addi %mul3A_233, %add3A_422 : i32
        %get3A_424 = arith.index_cast %add3A_423 : i32 to index
        %get3A_425 = arith.constant 48 : index
        %get3A_426 = tpu.vector_load %arg9[%get3A_424, %get3A_425] {strides = array<i32>} : memref<100x64xf32, #tpu.memory_space<vmem>>, vector<1x16xf32>,
        %get3A_427 = vector.shape_cast %get3A_426 : vector<1x16xf32> to vector<16xf32>
        %max3A_428 = arith.maximumf %max3A_400, %get3A_427 : vector<16xf32>
        %add3A_429 = arith.constant 7 : i32
        %add3A_430 = arith.addi %mul3A_233, %add3A_429 : i32
        %get3A_431 = arith.index_cast %add3A_430 : i32 to index
        %get3A_432 = arith.constant 0 : index
        %get3A_433 = tpu.vector_load %arg9[%get3A_431, %get3A_432] {strides = array<i32>} : memref<100x64xf32, #tpu.memory_space<vmem>>, vector<1x16xf32>,
        %get3A_434 = vector.shape_cast %get3A_433 : vector<1x16xf32> to vector<16xf32>
        %max3A_435 = arith.maximumf %max3A_407, %get3A_434 : vector<16xf32>
        %add3A_436 = arith.constant 7 : i32
        %add3A_437 = arith.addi %mul3A_233, %add3A_436 : i32
        %get3A_438 = arith.index_cast %add3A_437 : i32 to index
        %get3A_439 = arith.constant 16 : index
        %get3A_440 = tpu.vector_load %arg9[%get3A_438, %get3A_439] {strides = array<i32>} : memref<100x64xf32, #tpu.memory_space<vmem>>, vector<1x16xf32>,
        %get3A_441 = vector.shape_cast %get3A_440 : vector<1x16xf32> to vector<16xf32>
        %max3A_442 = arith.maximumf %max3A_414, %get3A_441 : vector<16xf32>
        %add3A_443 = arith.constant 7 : i32
        %add3A_444 = arith.addi %mul3A_233, %add3A_443 : i32
        %get3A_445 = arith.index_cast %add3A_444 : i32 to index
        %get3A_446 = arith.constant 32 : index
        %get3A_447 = tpu.vector_load %arg9[%get3A_445, %get3A_446] {strides = array<i32>} : memref<100x64xf32, #tpu.memory_space<vmem>>, vector<1x16xf32>,
        %get3A_448 = vector.shape_cast %get3A_447 : vector<1x16xf32> to vector<16xf32>
        %max3A_449 = arith.maximumf %max3A_421, %get3A_448 : vector<16xf32>
        %add3A_450 = arith.constant 7 : i32
        %add3A_451 = arith.addi %mul3A_233, %add3A_450 : i32
        %get3A_452 = arith.index_cast %add3A_451 : i32 to index
        %get3A_453 = arith.constant 48 : index
        %get3A_454 = tpu.vector_load %arg9[%get3A_452, %get3A_453] {strides = array<i32>} : memref<100x64xf32, #tpu.memory_space<vmem>>, vector<1x16xf32>,
        %get3A_455 = vector.shape_cast %get3A_454 : vector<1x16xf32> to vector<16xf32>
        %max3A_456 = arith.maximumf %max3A_428, %get3A_455 : vector<16xf32>
        %add3A_457 = arith.constant 8 : i32
        %add3A_458 = arith.addi %mul3A_233, %add3A_457 : i32
        %get3A_459 = arith.index_cast %add3A_458 : i32 to index
        %get3A_460 = arith.constant 0 : index
        %get3A_461 = tpu.vector_load %arg9[%get3A_459, %get3A_460] {strides = array<i32>} : memref<100x64xf32, #tpu.memory_space<vmem>>, vector<1x16xf32>,
        %get3A_462 = vector.shape_cast %get3A_461 : vector<1x16xf32> to vector<16xf32>
        %max3A_463 = arith.maximumf %max3A_435, %get3A_462 : vector<16xf32>
        %add3A_464 = arith.constant 8 : i32
        %add3A_465 = arith.addi %mul3A_233, %add3A_464 : i32
        %get3A_466 = arith.index_cast %add3A_465 : i32 to index
        %get3A_467 = arith.constant 16 : index
        %get3A_468 = tpu.vector_load %arg9[%get3A_466, %get3A_467] {strides = array<i32>} : memref<100x64xf32, #tpu.memory_space<vmem>>, vector<1x16xf32>,
        %get3A_469 = vector.shape_cast %get3A_468 : vector<1x16xf32> to vector<16xf32>
        %max3A_470 = arith.maximumf %max3A_442, %get3A_469 : vector<16xf32>
        %add3A_471 = arith.constant 8 : i32
        %add3A_472 = arith.addi %mul3A_233, %add3A_471 : i32
        %get3A_473 = arith.index_cast %add3A_472 : i32 to index
        %get3A_474 = arith.constant 32 : index
        %get3A_475 = tpu.vector_load %arg9[%get3A_473, %get3A_474] {strides = array<i32>} : memref<100x64xf32, #tpu.memory_space<vmem>>, vector<1x16xf32>,
        %get3A_476 = vector.shape_cast %get3A_475 : vector<1x16xf32> to vector<16xf32>
        %max3A_477 = arith.maximumf %max3A_449, %get3A_476 : vector<16xf32>
        %add3A_478 = arith.constant 8 : i32
        %add3A_479 = arith.addi %mul3A_233, %add3A_478 : i32
        %get3A_480 = arith.index_cast %add3A_479 : i32 to index
        %get3A_481 = arith.constant 48 : index
        %get3A_482 = tpu.vector_load %arg9[%get3A_480, %get3A_481] {strides = array<i32>} : memref<100x64xf32, #tpu.memory_space<vmem>>, vector<1x16xf32>,
        %get3A_483 = vector.shape_cast %get3A_482 : vector<1x16xf32> to vector<16xf32>
        %max3A_484 = arith.maximumf %max3A_456, %get3A_483 : vector<16xf32>
        %add3A_485 = arith.constant 9 : i32
        %add3A_486 = arith.addi %mul3A_233, %add3A_485 : i32
        %get3A_487 = arith.index_cast %add3A_486 : i32 to index
        %get3A_488 = arith.constant 0 : index
        %get3A_489 = tpu.vector_load %arg9[%get3A_487, %get3A_488] {strides = array<i32>} : memref<100x64xf32, #tpu.memory_space<vmem>>, vector<1x16xf32>,
        %get3A_490 = vector.shape_cast %get3A_489 : vector<1x16xf32> to vector<16xf32>
        %max3A_491 = arith.maximumf %max3A_463, %get3A_490 : vector<16xf32>
        %add3A_492 = arith.constant 9 : i32
        %add3A_493 = arith.addi %mul3A_233, %add3A_492 : i32
        %get3A_494 = arith.index_cast %add3A_493 : i32 to index
        %get3A_495 = arith.constant 16 : index
        %get3A_496 = tpu.vector_load %arg9[%get3A_494, %get3A_495] {strides = array<i32>} : memref<100x64xf32, #tpu.memory_space<vmem>>, vector<1x16xf32>,
        %get3A_497 = vector.shape_cast %get3A_496 : vector<1x16xf32> to vector<16xf32>
        %max3A_498 = arith.maximumf %max3A_470, %get3A_497 : vector<16xf32>
        %add3A_499 = arith.constant 9 : i32
        %add3A_500 = arith.addi %mul3A_233, %add3A_499 : i32
        %get3A_501 = arith.index_cast %add3A_500 : i32 to index
        %get3A_502 = arith.constant 32 : index
        %get3A_503 = tpu.vector_load %arg9[%get3A_501, %get3A_502] {strides = array<i32>} : memref<100x64xf32, #tpu.memory_space<vmem>>, vector<1x16xf32>,
        %get3A_504 = vector.shape_cast %get3A_503 : vector<1x16xf32> to vector<16xf32>
        %max3A_505 = arith.maximumf %max3A_477, %get3A_504 : vector<16xf32>
        %add3A_506 = arith.constant 9 : i32
        %add3A_507 = arith.addi %mul3A_233, %add3A_506 : i32
        %get3A_508 = arith.index_cast %add3A_507 : i32 to index
        %get3A_509 = arith.constant 48 : index
        %get3A_510 = tpu.vector_load %arg9[%get3A_508, %get3A_509] {strides = array<i32>} : memref<100x64xf32, #tpu.memory_space<vmem>>, vector<1x16xf32>,
        %get3A_511 = vector.shape_cast %get3A_510 : vector<1x16xf32> to vector<16xf32>
        %max3A_512 = arith.maximumf %max3A_484, %get3A_511 : vector<16xf32>
        %add3A_513 = arith.constant 10 : i32
        %add3A_514 = arith.addi %mul3A_233, %add3A_513 : i32
        %get3A_515 = arith.index_cast %add3A_514 : i32 to index
        %get3A_516 = arith.constant 0 : index
        %get3A_517 = tpu.vector_load %arg9[%get3A_515, %get3A_516] {strides = array<i32>} : memref<100x64xf32, #tpu.memory_space<vmem>>, vector<1x16xf32>,
        %get3A_518 = vector.shape_cast %get3A_517 : vector<1x16xf32> to vector<16xf32>
        %max3A_519 = arith.maximumf %max3A_491, %get3A_518 : vector<16xf32>
        %add3A_520 = arith.constant 10 : i32
        %add3A_521 = arith.addi %mul3A_233, %add3A_520 : i32
        %get3A_522 = arith.index_cast %add3A_521 : i32 to index
        %get3A_523 = arith.constant 16 : index
        %get3A_524 = tpu.vector_load %arg9[%get3A_522, %get3A_523] {strides = array<i32>} : memref<100x64xf32, #tpu.memory_space<vmem>>, vector<1x16xf32>,
        %get3A_525 = vector.shape_cast %get3A_524 : vector<1x16xf32> to vector<16xf32>
        %max3A_526 = arith.maximumf %max3A_498, %get3A_525 : vector<16xf32>
        %add3A_527 = arith.constant 10 : i32
        %add3A_528 = arith.addi %mul3A_233, %add3A_527 : i32
        %get3A_529 = arith.index_cast %add3A_528 : i32 to index
        %get3A_530 = arith.constant 32 : index
        %get3A_531 = tpu.vector_load %arg9[%get3A_529, %get3A_530] {strides = array<i32>} : memref<100x64xf32, #tpu.memory_space<vmem>>, vector<1x16xf32>,
        %get3A_532 = vector.shape_cast %get3A_531 : vector<1x16xf32> to vector<16xf32>
        %max3A_533 = arith.maximumf %max3A_505, %get3A_532 : vector<16xf32>
        %add3A_534 = arith.constant 10 : i32
        %add3A_535 = arith.addi %mul3A_233, %add3A_534 : i32
        %get3A_536 = arith.index_cast %add3A_535 : i32 to index
        %get3A_537 = arith.constant 48 : index
        %get3A_538 = tpu.vector_load %arg9[%get3A_536, %get3A_537] {strides = array<i32>} : memref<100x64xf32, #tpu.memory_space<vmem>>, vector<1x16xf32>,
        %get3A_539 = vector.shape_cast %get3A_538 : vector<1x16xf32> to vector<16xf32>
        %max3A_540 = arith.maximumf %max3A_512, %get3A_539 : vector<16xf32>
        %add3A_541 = arith.constant 11 : i32
        %add3A_542 = arith.addi %mul3A_233, %add3A_541 : i32
        %get3A_543 = arith.index_cast %add3A_542 : i32 to index
        %get3A_544 = arith.constant 0 : index
        %get3A_545 = tpu.vector_load %arg9[%get3A_543, %get3A_544] {strides = array<i32>} : memref<100x64xf32, #tpu.memory_space<vmem>>, vector<1x16xf32>,
        %get3A_546 = vector.shape_cast %get3A_545 : vector<1x16xf32> to vector<16xf32>
        %max3A_547 = arith.maximumf %max3A_519, %get3A_546 : vector<16xf32>
        %add3A_548 = arith.constant 11 : i32
        %add3A_549 = arith.addi %mul3A_233, %add3A_548 : i32
        %get3A_550 = arith.index_cast %add3A_549 : i32 to index
        %get3A_551 = arith.constant 16 : index
        %get3A_552 = tpu.vector_load %arg9[%get3A_550, %get3A_551] {strides = array<i32>} : memref<100x64xf32, #tpu.memory_space<vmem>>, vector<1x16xf32>,
        %get3A_553 = vector.shape_cast %get3A_552 : vector<1x16xf32> to vector<16xf32>
        %max3A_554 = arith.maximumf %max3A_526, %get3A_553 : vector<16xf32>
        %add3A_555 = arith.constant 11 : i32
        %add3A_556 = arith.addi %mul3A_233, %add3A_555 : i32
        %get3A_557 = arith.index_cast %add3A_556 : i32 to index
        %get3A_558 = arith.constant 32 : index
        %get3A_559 = tpu.vector_load %arg9[%get3A_557, %get3A_558] {strides = array<i32>} : memref<100x64xf32, #tpu.memory_space<vmem>>, vector<1x16xf32>,
        %get3A_560 = vector.shape_cast %get3A_559 : vector<1x16xf32> to vector<16xf32>
        %max3A_561 = arith.maximumf %max3A_533, %get3A_560 : vector<16xf32>
        %add3A_562 = arith.constant 11 : i32
        %add3A_563 = arith.addi %mul3A_233, %add3A_562 : i32
        %get3A_564 = arith.index_cast %add3A_563 : i32 to index
        %get3A_565 = arith.constant 48 : index
        %get3A_566 = tpu.vector_load %arg9[%get3A_564, %get3A_565] {strides = array<i32>} : memref<100x64xf32, #tpu.memory_space<vmem>>, vector<1x16xf32>,
        %get3A_567 = vector.shape_cast %get3A_566 : vector<1x16xf32> to vector<16xf32>
        %max3A_568 = arith.maximumf %max3A_540, %get3A_567 : vector<16xf32>
        %add3A_569 = arith.constant 12 : i32
        %add3A_570 = arith.addi %mul3A_233, %add3A_569 : i32
        %get3A_571 = arith.index_cast %add3A_570 : i32 to index
        %get3A_572 = arith.constant 0 : index
        %get3A_573 = tpu.vector_load %arg9[%get3A_571, %get3A_572] {strides = array<i32>} : memref<100x64xf32, #tpu.memory_space<vmem>>, vector<1x16xf32>,
        %get3A_574 = vector.shape_cast %get3A_573 : vector<1x16xf32> to vector<16xf32>
        %max3A_575 = arith.maximumf %max3A_547, %get3A_574 : vector<16xf32>
        %add3A_576 = arith.constant 12 : i32
        %add3A_577 = arith.addi %mul3A_233, %add3A_576 : i32
        %get3A_578 = arith.index_cast %add3A_577 : i32 to index
        %get3A_579 = arith.constant 16 : index
        %get3A_580 = tpu.vector_load %arg9[%get3A_578, %get3A_579] {strides = array<i32>} : memref<100x64xf32, #tpu.memory_space<vmem>>, vector<1x16xf32>,
        %get3A_581 = vector.shape_cast %get3A_580 : vector<1x16xf32> to vector<16xf32>
        %max3A_582 = arith.maximumf %max3A_554, %get3A_581 : vector<16xf32>
        %add3A_583 = arith.constant 12 : i32
        %add3A_584 = arith.addi %mul3A_233, %add3A_583 : i32
        %get3A_585 = arith.index_cast %add3A_584 : i32 to index
        %get3A_586 = arith.constant 32 : index
        %get3A_587 = tpu.vector_load %arg9[%get3A_585, %get3A_586] {strides = array<i32>} : memref<100x64xf32, #tpu.memory_space<vmem>>, vector<1x16xf32>,
        %get3A_588 = vector.shape_cast %get3A_587 : vector<1x16xf32> to vector<16xf32>
        %max3A_589 = arith.maximumf %max3A_561, %get3A_588 : vector<16xf32>
        %add3A_590 = arith.constant 12 : i32
        %add3A_591 = arith.addi %mul3A_233, %add3A_590 : i32
        %get3A_592 = arith.index_cast %add3A_591 : i32 to index
        %get3A_593 = arith.constant 48 : index
        %get3A_594 = tpu.vector_load %arg9[%get3A_592, %get3A_593] {strides = array<i32>} : memref<100x64xf32, #tpu.memory_space<vmem>>, vector<1x16xf32>,
        %get3A_595 = vector.shape_cast %get3A_594 : vector<1x16xf32> to vector<16xf32>
        %max3A_596 = arith.maximumf %max3A_568, %get3A_595 : vector<16xf32>
        %add3A_597 = arith.constant 13 : i32
        %add3A_598 = arith.addi %mul3A_233, %add3A_597 : i32
        %get3A_599 = arith.index_cast %add3A_598 : i32 to index
        %get3A_600 = arith.constant 0 : index
        %get3A_601 = tpu.vector_load %arg9[%get3A_599, %get3A_600] {strides = array<i32>} : memref<100x64xf32, #tpu.memory_space<vmem>>, vector<1x16xf32>,
        %get3A_602 = vector.shape_cast %get3A_601 : vector<1x16xf32> to vector<16xf32>
        %max3A_603 = arith.maximumf %max3A_575, %get3A_602 : vector<16xf32>
        %add3A_604 = arith.constant 13 : i32
        %add3A_605 = arith.addi %mul3A_233, %add3A_604 : i32
        %get3A_606 = arith.index_cast %add3A_605 : i32 to index
        %get3A_607 = arith.constant 16 : index
        %get3A_608 = tpu.vector_load %arg9[%get3A_606, %get3A_607] {strides = array<i32>} : memref<100x64xf32, #tpu.memory_space<vmem>>, vector<1x16xf32>,
        %get3A_609 = vector.shape_cast %get3A_608 : vector<1x16xf32> to vector<16xf32>
        %max3A_610 = arith.maximumf %max3A_582, %get3A_609 : vector<16xf32>
        %add3A_611 = arith.constant 13 : i32
        %add3A_612 = arith.addi %mul3A_233, %add3A_611 : i32
        %get3A_613 = arith.index_cast %add3A_612 : i32 to index
        %get3A_614 = arith.constant 32 : index
        %get3A_615 = tpu.vector_load %arg9[%get3A_613, %get3A_614] {strides = array<i32>} : memref<100x64xf32, #tpu.memory_space<vmem>>, vector<1x16xf32>,
        %get3A_616 = vector.shape_cast %get3A_615 : vector<1x16xf32> to vector<16xf32>
        %max3A_617 = arith.maximumf %max3A_589, %get3A_616 : vector<16xf32>
        %add3A_618 = arith.constant 13 : i32
        %add3A_619 = arith.addi %mul3A_233, %add3A_618 : i32
        %get3A_620 = arith.index_cast %add3A_619 : i32 to index
        %get3A_621 = arith.constant 48 : index
        %get3A_622 = tpu.vector_load %arg9[%get3A_620, %get3A_621] {strides = array<i32>} : memref<100x64xf32, #tpu.memory_space<vmem>>, vector<1x16xf32>,
        %get3A_623 = vector.shape_cast %get3A_622 : vector<1x16xf32> to vector<16xf32>
        %max3A_624 = arith.maximumf %max3A_596, %get3A_623 : vector<16xf32>
        %add3A_625 = arith.constant 14 : i32
        %add3A_626 = arith.addi %mul3A_233, %add3A_625 : i32
        %get3A_627 = arith.index_cast %add3A_626 : i32 to index
        %get3A_628 = arith.constant 0 : index
        %get3A_629 = tpu.vector_load %arg9[%get3A_627, %get3A_628] {strides = array<i32>} : memref<100x64xf32, #tpu.memory_space<vmem>>, vector<1x16xf32>,
        %get3A_630 = vector.shape_cast %get3A_629 : vector<1x16xf32> to vector<16xf32>
        %max3A_631 = arith.maximumf %max3A_603, %get3A_630 : vector<16xf32>
        %add3A_632 = arith.constant 14 : i32
        %add3A_633 = arith.addi %mul3A_233, %add3A_632 : i32
        %get3A_634 = arith.index_cast %add3A_633 : i32 to index
        %get3A_635 = arith.constant 16 : index
        %get3A_636 = tpu.vector_load %arg9[%get3A_634, %get3A_635] {strides = array<i32>} : memref<100x64xf32, #tpu.memory_space<vmem>>, vector<1x16xf32>,
        %get3A_637 = vector.shape_cast %get3A_636 : vector<1x16xf32> to vector<16xf32>
        %max3A_638 = arith.maximumf %max3A_610, %get3A_637 : vector<16xf32>
        %add3A_639 = arith.constant 14 : i32
        %add3A_640 = arith.addi %mul3A_233, %add3A_639 : i32
        %get3A_641 = arith.index_cast %add3A_640 : i32 to index
        %get3A_642 = arith.constant 32 : index
        %get3A_643 = tpu.vector_load %arg9[%get3A_641, %get3A_642] {strides = array<i32>} : memref<100x64xf32, #tpu.memory_space<vmem>>, vector<1x16xf32>,
        %get3A_644 = vector.shape_cast %get3A_643 : vector<1x16xf32> to vector<16xf32>
        %max3A_645 = arith.maximumf %max3A_617, %get3A_644 : vector<16xf32>
        %add3A_646 = arith.constant 14 : i32
        %add3A_647 = arith.addi %mul3A_233, %add3A_646 : i32
        %get3A_648 = arith.index_cast %add3A_647 : i32 to index
        %get3A_649 = arith.constant 48 : index
        %get3A_650 = tpu.vector_load %arg9[%get3A_648, %get3A_649] {strides = array<i32>} : memref<100x64xf32, #tpu.memory_space<vmem>>, vector<1x16xf32>,
        %get3A_651 = vector.shape_cast %get3A_650 : vector<1x16xf32> to vector<16xf32>
        %max3A_652 = arith.maximumf %max3A_624, %get3A_651 : vector<16xf32>
        %add3A_653 = arith.constant 15 : i32
        %add3A_654 = arith.addi %mul3A_233, %add3A_653 : i32
        %get3A_655 = arith.index_cast %add3A_654 : i32 to index
        %get3A_656 = arith.constant 0 : index
        %get3A_657 = tpu.vector_load %arg9[%get3A_655, %get3A_656] {strides = array<i32>} : memref<100x64xf32, #tpu.memory_space<vmem>>, vector<1x16xf32>,
        %get3A_658 = vector.shape_cast %get3A_657 : vector<1x16xf32> to vector<16xf32>
        %max3A_659 = arith.maximumf %max3A_631, %get3A_658 : vector<16xf32>
        %add3A_660 = arith.constant 15 : i32
        %add3A_661 = arith.addi %mul3A_233, %add3A_660 : i32
        %get3A_662 = arith.index_cast %add3A_661 : i32 to index
        %get3A_663 = arith.constant 16 : index
        %get3A_664 = tpu.vector_load %arg9[%get3A_662, %get3A_663] {strides = array<i32>} : memref<100x64xf32, #tpu.memory_space<vmem>>, vector<1x16xf32>,
        %get3A_665 = vector.shape_cast %get3A_664 : vector<1x16xf32> to vector<16xf32>
        %max3A_666 = arith.maximumf %max3A_638, %get3A_665 : vector<16xf32>
        %add3A_667 = arith.constant 15 : i32
        %add3A_668 = arith.addi %mul3A_233, %add3A_667 : i32
        %get3A_669 = arith.index_cast %add3A_668 : i32 to index
        %get3A_670 = arith.constant 32 : index
        %get3A_671 = tpu.vector_load %arg9[%get3A_669, %get3A_670] {strides = array<i32>} : memref<100x64xf32, #tpu.memory_space<vmem>>, vector<1x16xf32>,
        %get3A_672 = vector.shape_cast %get3A_671 : vector<1x16xf32> to vector<16xf32>
        %max3A_673 = arith.maximumf %max3A_645, %get3A_672 : vector<16xf32>
        %add3A_674 = arith.constant 15 : i32
        %add3A_675 = arith.addi %mul3A_233, %add3A_674 : i32
        %get3A_676 = arith.index_cast %add3A_675 : i32 to index
        %get3A_677 = arith.constant 48 : index
        %get3A_678 = tpu.vector_load %arg9[%get3A_676, %get3A_677] {strides = array<i32>} : memref<100x64xf32, #tpu.memory_space<vmem>>, vector<1x16xf32>,
        %get3A_679 = vector.shape_cast %get3A_678 : vector<1x16xf32> to vector<16xf32>
        %max3A_680 = arith.maximumf %max3A_652, %get3A_679 : vector<16xf32>
        %add3A_681 = arith.constant 16 : i32
        %add3A_682 = arith.addi %mul3A_233, %add3A_681 : i32
        %get3A_683 = arith.index_cast %add3A_682 : i32 to index
        %get3A_684 = arith.constant 0 : index
        %get3A_685 = tpu.vector_load %arg9[%get3A_683, %get3A_684] {strides = array<i32>} : memref<100x64xf32, #tpu.memory_space<vmem>>, vector<1x16xf32>,
        %get3A_686 = vector.shape_cast %get3A_685 : vector<1x16xf32> to vector<16xf32>
        %max3A_687 = arith.maximumf %max3A_659, %get3A_686 : vector<16xf32>
        %add3A_688 = arith.constant 16 : i32
        %add3A_689 = arith.addi %mul3A_233, %add3A_688 : i32
        %get3A_690 = arith.index_cast %add3A_689 : i32 to index
        %get3A_691 = arith.constant 16 : index
        %get3A_692 = tpu.vector_load %arg9[%get3A_690, %get3A_691] {strides = array<i32>} : memref<100x64xf32, #tpu.memory_space<vmem>>, vector<1x16xf32>,
        %get3A_693 = vector.shape_cast %get3A_692 : vector<1x16xf32> to vector<16xf32>
        %max3A_694 = arith.maximumf %max3A_666, %get3A_693 : vector<16xf32>
        %add3A_695 = arith.constant 16 : i32
        %add3A_696 = arith.addi %mul3A_233, %add3A_695 : i32
        %get3A_697 = arith.index_cast %add3A_696 : i32 to index
        %get3A_698 = arith.constant 32 : index
        %get3A_699 = tpu.vector_load %arg9[%get3A_697, %get3A_698] {strides = array<i32>} : memref<100x64xf32, #tpu.memory_space<vmem>>, vector<1x16xf32>,
        %get3A_700 = vector.shape_cast %get3A_699 : vector<1x16xf32> to vector<16xf32>
        %max3A_701 = arith.maximumf %max3A_673, %get3A_700 : vector<16xf32>
        %add3A_702 = arith.constant 16 : i32
        %add3A_703 = arith.addi %mul3A_233, %add3A_702 : i32
        %get3A_704 = arith.index_cast %add3A_703 : i32 to index
        %get3A_705 = arith.constant 48 : index
        %get3A_706 = tpu.vector_load %arg9[%get3A_704, %get3A_705] {strides = array<i32>} : memref<100x64xf32, #tpu.memory_space<vmem>>, vector<1x16xf32>,
        %get3A_707 = vector.shape_cast %get3A_706 : vector<1x16xf32> to vector<16xf32>
        %max3A_708 = arith.maximumf %max3A_680, %get3A_707 : vector<16xf32>
        %add3A_709 = arith.constant 17 : i32
        %add3A_710 = arith.addi %mul3A_233, %add3A_709 : i32
        %get3A_711 = arith.index_cast %add3A_710 : i32 to index
        %get3A_712 = arith.constant 0 : index
        %get3A_713 = tpu.vector_load %arg9[%get3A_711, %get3A_712] {strides = array<i32>} : memref<100x64xf32, #tpu.memory_space<vmem>>, vector<1x16xf32>,
        %get3A_714 = vector.shape_cast %get3A_713 : vector<1x16xf32> to vector<16xf32>
        %max3A_715 = arith.maximumf %max3A_687, %get3A_714 : vector<16xf32>
        %add3A_716 = arith.constant 17 : i32
        %add3A_717 = arith.addi %mul3A_233, %add3A_716 : i32
        %get3A_718 = arith.index_cast %add3A_717 : i32 to index
        %get3A_719 = arith.constant 16 : index
        %get3A_720 = tpu.vector_load %arg9[%get3A_718, %get3A_719] {strides = array<i32>} : memref<100x64xf32, #tpu.memory_space<vmem>>, vector<1x16xf32>,
        %get3A_721 = vector.shape_cast %get3A_720 : vector<1x16xf32> to vector<16xf32>
        %max3A_722 = arith.maximumf %max3A_694, %get3A_721 : vector<16xf32>
        %add3A_723 = arith.constant 17 : i32
        %add3A_724 = arith.addi %mul3A_233, %add3A_723 : i32
        %get3A_725 = arith.index_cast %add3A_724 : i32 to index
        %get3A_726 = arith.constant 32 : index
        %get3A_727 = tpu.vector_load %arg9[%get3A_725, %get3A_726] {strides = array<i32>} : memref<100x64xf32, #tpu.memory_space<vmem>>, vector<1x16xf32>,
        %get3A_728 = vector.shape_cast %get3A_727 : vector<1x16xf32> to vector<16xf32>
        %max3A_729 = arith.maximumf %max3A_701, %get3A_728 : vector<16xf32>
        %add3A_730 = arith.constant 17 : i32
        %add3A_731 = arith.addi %mul3A_233, %add3A_730 : i32
        %get3A_732 = arith.index_cast %add3A_731 : i32 to index
        %get3A_733 = arith.constant 48 : index
        %get3A_734 = tpu.vector_load %arg9[%get3A_732, %get3A_733] {strides = array<i32>} : memref<100x64xf32, #tpu.memory_space<vmem>>, vector<1x16xf32>,
        %get3A_735 = vector.shape_cast %get3A_734 : vector<1x16xf32> to vector<16xf32>
        %max3A_736 = arith.maximumf %max3A_708, %get3A_735 : vector<16xf32>
        %add3A_737 = arith.constant 18 : i32
        %add3A_738 = arith.addi %mul3A_233, %add3A_737 : i32
        %get3A_739 = arith.index_cast %add3A_738 : i32 to index
        %get3A_740 = arith.constant 0 : index
        %get3A_741 = tpu.vector_load %arg9[%get3A_739, %get3A_740] {strides = array<i32>} : memref<100x64xf32, #tpu.memory_space<vmem>>, vector<1x16xf32>,
        %get3A_742 = vector.shape_cast %get3A_741 : vector<1x16xf32> to vector<16xf32>
        %max3A_743 = arith.maximumf %max3A_715, %get3A_742 : vector<16xf32>
        %add3A_744 = arith.constant 18 : i32
        %add3A_745 = arith.addi %mul3A_233, %add3A_744 : i32
        %get3A_746 = arith.index_cast %add3A_745 : i32 to index
        %get3A_747 = arith.constant 16 : index
        %get3A_748 = tpu.vector_load %arg9[%get3A_746, %get3A_747] {strides = array<i32>} : memref<100x64xf32, #tpu.memory_space<vmem>>, vector<1x16xf32>,
        %get3A_749 = vector.shape_cast %get3A_748 : vector<1x16xf32> to vector<16xf32>
        %max3A_750 = arith.maximumf %max3A_722, %get3A_749 : vector<16xf32>
        %add3A_751 = arith.constant 18 : i32
        %add3A_752 = arith.addi %mul3A_233, %add3A_751 : i32
        %get3A_753 = arith.index_cast %add3A_752 : i32 to index
        %get3A_754 = arith.constant 32 : index
        %get3A_755 = tpu.vector_load %arg9[%get3A_753, %get3A_754] {strides = array<i32>} : memref<100x64xf32, #tpu.memory_space<vmem>>, vector<1x16xf32>,
        %get3A_756 = vector.shape_cast %get3A_755 : vector<1x16xf32> to vector<16xf32>
        %max3A_757 = arith.maximumf %max3A_729, %get3A_756 : vector<16xf32>
        %add3A_758 = arith.constant 18 : i32
        %add3A_759 = arith.addi %mul3A_233, %add3A_758 : i32
        %get3A_760 = arith.index_cast %add3A_759 : i32 to index
        %get3A_761 = arith.constant 48 : index
        %get3A_762 = tpu.vector_load %arg9[%get3A_760, %get3A_761] {strides = array<i32>} : memref<100x64xf32, #tpu.memory_space<vmem>>, vector<1x16xf32>,
        %get3A_763 = vector.shape_cast %get3A_762 : vector<1x16xf32> to vector<16xf32>
        %max3A_764 = arith.maximumf %max3A_736, %get3A_763 : vector<16xf32>
        %add3A_765 = arith.constant 19 : i32
        %add3A_766 = arith.addi %mul3A_233, %add3A_765 : i32
        %get3A_767 = arith.index_cast %add3A_766 : i32 to index
        %get3A_768 = arith.constant 0 : index
        %get3A_769 = tpu.vector_load %arg9[%get3A_767, %get3A_768] {strides = array<i32>} : memref<100x64xf32, #tpu.memory_space<vmem>>, vector<1x16xf32>,
        %get3A_770 = vector.shape_cast %get3A_769 : vector<1x16xf32> to vector<16xf32>
        %max3A_771 = arith.maximumf %max3A_743, %get3A_770 : vector<16xf32>
        %add3A_772 = arith.constant 19 : i32
        %add3A_773 = arith.addi %mul3A_233, %add3A_772 : i32
        %get3A_774 = arith.index_cast %add3A_773 : i32 to index
        %get3A_775 = arith.constant 16 : index
        %get3A_776 = tpu.vector_load %arg9[%get3A_774, %get3A_775] {strides = array<i32>} : memref<100x64xf32, #tpu.memory_space<vmem>>, vector<1x16xf32>,
        %get3A_777 = vector.shape_cast %get3A_776 : vector<1x16xf32> to vector<16xf32>
        %max3A_778 = arith.maximumf %max3A_750, %get3A_777 : vector<16xf32>
        %add3A_779 = arith.constant 19 : i32
        %add3A_780 = arith.addi %mul3A_233, %add3A_779 : i32
        %get3A_781 = arith.index_cast %add3A_780 : i32 to index
        %get3A_782 = arith.constant 32 : index
        %get3A_783 = tpu.vector_load %arg9[%get3A_781, %get3A_782] {strides = array<i32>} : memref<100x64xf32, #tpu.memory_space<vmem>>, vector<1x16xf32>,
        %get3A_784 = vector.shape_cast %get3A_783 : vector<1x16xf32> to vector<16xf32>
        %max3A_785 = arith.maximumf %max3A_757, %get3A_784 : vector<16xf32>
        %add3A_786 = arith.constant 19 : i32
        %add3A_787 = arith.addi %mul3A_233, %add3A_786 : i32
        %get3A_788 = arith.index_cast %add3A_787 : i32 to index
        %get3A_789 = arith.constant 48 : index
        %get3A_790 = tpu.vector_load %arg9[%get3A_788, %get3A_789] {strides = array<i32>} : memref<100x64xf32, #tpu.memory_space<vmem>>, vector<1x16xf32>,
        %get3A_791 = vector.shape_cast %get3A_790 : vector<1x16xf32> to vector<16xf32>
        %max3A_792 = arith.maximumf %max3A_764, %get3A_791 : vector<16xf32>
        scf.yield %max3A_771, %max3A_778, %max3A_785, %max3A_792 : vector<16xf32>, vector<16xf32>, vector<16xf32>, vector<16xf32>
      }
      %scan3A_143 = arith.constant 5 : i32
      %lt3A_144 = arith.constant 63 : i32
      %lt3A_145 = arith.cmpi slt, %scan3A_37, %lt3A_144 : i32
      %convert_element_type3A_146 = arith.extui %lt3A_145 : i1 to i32
      %cond3A_147 = arith.constant 0 : i32
      %cond3A_148 = arith.cmpi ne, %convert_element_type3A_146, %cond3A_147 : i32
      scf.if %cond3A_148 {
        %add3A_227 = arith.constant 4 : i32
        %add3A_228 = arith.addi %add3A_123, %add3A_227 : i32
        %dma_start3A_229 = arith.constant 0 : i32
        %dma_start3A_230 = tpu.memref_slice %arg5[%add3A_228, %dma_start3A_229] : memref<256x100xi32, #tpu.memory_space<vmem>> -> memref<1x100xi32, #tpu.memory_space<vmem>>
        %dma_start3A_231 = tpu.memref_squeeze %dma_start3A_230 : memref<1x100xi32, #tpu.memory_space<vmem>> -> memref<100xi32, #tpu.memory_space<vmem>>
        %dma_start3A_232 = arith.constant 0 : i32
        %dma_start3A_233 = arith.constant 0 : i32
        %dma_start3A_234 = tpu.memref_slice %arg3[%dma_start3A_232, %dma_start3A_233] : memref<1000000x64xf32, #tpu.memory_space<hbm>> -> memref<1000000x64xf32, #tpu.memory_space<hbm>>
        tpu.enqueue_indirect_dma source(%dma_start3A_234 : memref<1000000x64xf32, #tpu.memory_space<hbm>>) target(%arg9 : memref<100x64xf32, #tpu.memory_space<vmem>>) offsets(%dma_start3A_231 : memref<100xi32, #tpu.memory_space<vmem>>) semaphore(%arg14 : memref<!tpu.dma_semaphore, #tpu.memory_space<semaphore_mem>>)
      } else {
      }
      %max3A = arith.maximumf %scan3A_58#0, %scan3A_84#0 : vector<16xf32>
      %mul3A_149 = arith.constant 2 : i32
      %mul3A_150 = arith.muli %mul3A_149, %scan3A_37 : i32
      %add3A_151 = arith.constant 0 : i32
      %add3A_152 = arith.addi %mul3A_150, %add3A_151 : i32
      %swap3A = arith.index_cast %add3A_152 : i32 to index
      %swap3A_153 = arith.constant 0 : index
      %swap3A_154 = tpu.vector_load %arg10[%swap3A, %swap3A_153] {strides = array<i32>} : memref<128x64xf32, #tpu.memory_space<vmem>>, vector<1x16xf32>,
      %swap3A_155 = vector.shape_cast %swap3A_154 : vector<1x16xf32> to vector<16xf32>
      %swap3A_156 = vector.shape_cast %max3A : vector<16xf32> to vector<1x16xf32>
      tpu.vector_store %arg10[%swap3A, %swap3A_153], %swap3A_156 {strides = array<i32>} : memref<128x64xf32, #tpu.memory_space<vmem>>, vector<1x16xf32>,
      %max3A_157 = arith.maximumf %scan3A_113#0, %scan3A_142#0 : vector<16xf32>
      %mul3A_158 = arith.constant 2 : i32
      %mul3A_159 = arith.muli %mul3A_158, %scan3A_37 : i32
      %add3A_160 = arith.constant 1 : i32
      %add3A_161 = arith.addi %mul3A_159, %add3A_160 : i32
      %swap3A_162 = arith.index_cast %add3A_161 : i32 to index
      %swap3A_163 = arith.constant 0 : index
      %swap3A_164 = tpu.vector_load %arg10[%swap3A_162, %swap3A_163] {strides = array<i32>} : memref<128x64xf32, #tpu.memory_space<vmem>>, vector<1x16xf32>,
      %swap3A_165 = vector.shape_cast %swap3A_164 : vector<1x16xf32> to vector<16xf32>
      %swap3A_166 = vector.shape_cast %max3A_157 : vector<16xf32> to vector<1x16xf32>
      tpu.vector_store %arg10[%swap3A_162, %swap3A_163], %swap3A_166 {strides = array<i32>} : memref<128x64xf32, #tpu.memory_space<vmem>>, vector<1x16xf32>,
      %max3A_167 = arith.maximumf %scan3A_58#1, %scan3A_84#1 : vector<16xf32>
      %mul3A_168 = arith.constant 2 : i32
      %mul3A_169 = arith.muli %mul3A_168, %scan3A_37 : i32
      %add3A_170 = arith.constant 0 : i32
      %add3A_171 = arith.addi %mul3A_169, %add3A_170 : i32
      %swap3A_172 = arith.index_cast %add3A_171 : i32 to index
      %swap3A_173 = arith.constant 16 : index
      %swap3A_174 = tpu.vector_load %arg10[%swap3A_172, %swap3A_173] {strides = array<i32>} : memref<128x64xf32, #tpu.memory_space<vmem>>, vector<1x16xf32>,
      %swap3A_175 = vector.shape_cast %swap3A_174 : vector<1x16xf32> to vector<16xf32>
      %swap3A_176 = vector.shape_cast %max3A_167 : vector<16xf32> to vector<1x16xf32>
      tpu.vector_store %arg10[%swap3A_172, %swap3A_173], %swap3A_176 {strides = array<i32>} : memref<128x64xf32, #tpu.memory_space<vmem>>, vector<1x16xf32>,
      %max3A_177 = arith.maximumf %scan3A_113#1, %scan3A_142#1 : vector<16xf32>
      %mul3A_178 = arith.constant 2 : i32
      %mul3A_179 = arith.muli %mul3A_178, %scan3A_37 : i32
      %add3A_180 = arith.constant 1 : i32
      %add3A_181 = arith.addi %mul3A_179, %add3A_180 : i32
      %swap3A_182 = arith.index_cast %add3A_181 : i32 to index
      %swap3A_183 = arith.constant 16 : index
      %swap3A_184 = tpu.vector_load %arg10[%swap3A_182, %swap3A_183] {strides = array<i32>} : memref<128x64xf32, #tpu.memory_space<vmem>>, vector<1x16xf32>,
      %swap3A_185 = vector.shape_cast %swap3A_184 : vector<1x16xf32> to vector<16xf32>
      %swap3A_186 = vector.shape_cast %max3A_177 : vector<16xf32> to vector<1x16xf32>
      tpu.vector_store %arg10[%swap3A_182, %swap3A_183], %swap3A_186 {strides = array<i32>} : memref<128x64xf32, #tpu.memory_space<vmem>>, vector<1x16xf32>,
      %max3A_187 = arith.maximumf %scan3A_58#2, %scan3A_84#2 : vector<16xf32>
      %mul3A_188 = arith.constant 2 : i32
      %mul3A_189 = arith.muli %mul3A_188, %scan3A_37 : i32
      %add3A_190 = arith.constant 0 : i32
      %add3A_191 = arith.addi %mul3A_189, %add3A_190 : i32
      %swap3A_192 = arith.index_cast %add3A_191 : i32 to index
      %swap3A_193 = arith.constant 32 : index
      %swap3A_194 = tpu.vector_load %arg10[%swap3A_192, %swap3A_193] {strides = array<i32>} : memref<128x64xf32, #tpu.memory_space<vmem>>, vector<1x16xf32>,
      %swap3A_195 = vector.shape_cast %swap3A_194 : vector<1x16xf32> to vector<16xf32>
      %swap3A_196 = vector.shape_cast %max3A_187 : vector<16xf32> to vector<1x16xf32>
      tpu.vector_store %arg10[%swap3A_192, %swap3A_193], %swap3A_196 {strides = array<i32>} : memref<128x64xf32, #tpu.memory_space<vmem>>, vector<1x16xf32>,
      %max3A_197 = arith.maximumf %scan3A_113#2, %scan3A_142#2 : vector<16xf32>
      %mul3A_198 = arith.constant 2 : i32
      %mul3A_199 = arith.muli %mul3A_198, %scan3A_37 : i32
      %add3A_200 = arith.constant 1 : i32
      %add3A_201 = arith.addi %mul3A_199, %add3A_200 : i32
      %swap3A_202 = arith.index_cast %add3A_201 : i32 to index
      %swap3A_203 = arith.constant 32 : index
      %swap3A_204 = tpu.vector_load %arg10[%swap3A_202, %swap3A_203] {strides = array<i32>} : memref<128x64xf32, #tpu.memory_space<vmem>>, vector<1x16xf32>,
      %swap3A_205 = vector.shape_cast %swap3A_204 : vector<1x16xf32> to vector<16xf32>
      %swap3A_206 = vector.shape_cast %max3A_197 : vector<16xf32> to vector<1x16xf32>
      tpu.vector_store %arg10[%swap3A_202, %swap3A_203], %swap3A_206 {strides = array<i32>} : memref<128x64xf32, #tpu.memory_space<vmem>>, vector<1x16xf32>,
      %max3A_207 = arith.maximumf %scan3A_58#3, %scan3A_84#3 : vector<16xf32>
      %mul3A_208 = arith.constant 2 : i32
      %mul3A_209 = arith.muli %mul3A_208, %scan3A_37 : i32
      %add3A_210 = arith.constant 0 : i32
      %add3A_211 = arith.addi %mul3A_209, %add3A_210 : i32
      %swap3A_212 = arith.index_cast %add3A_211 : i32 to index
      %swap3A_213 = arith.constant 48 : index
      %swap3A_214 = tpu.vector_load %arg10[%swap3A_212, %swap3A_213] {strides = array<i32>} : memref<128x64xf32, #tpu.memory_space<vmem>>, vector<1x16xf32>,
      %swap3A_215 = vector.shape_cast %swap3A_214 : vector<1x16xf32> to vector<16xf32>
      %swap3A_216 = vector.shape_cast %max3A_207 : vector<16xf32> to vector<1x16xf32>
      tpu.vector_store %arg10[%swap3A_212, %swap3A_213], %swap3A_216 {strides = array<i32>} : memref<128x64xf32, #tpu.memory_space<vmem>>, vector<1x16xf32>,
      %max3A_217 = arith.maximumf %scan3A_113#3, %scan3A_142#3 : vector<16xf32>
      %mul3A_218 = arith.constant 2 : i32
      %mul3A_219 = arith.muli %mul3A_218, %scan3A_37 : i32
      %add3A_220 = arith.constant 1 : i32
      %add3A_221 = arith.addi %mul3A_219, %add3A_220 : i32
      %swap3A_222 = arith.index_cast %add3A_221 : i32 to index
      %swap3A_223 = arith.constant 48 : index
      %swap3A_224 = tpu.vector_load %arg10[%swap3A_222, %swap3A_223] {strides = array<i32>} : memref<128x64xf32, #tpu.memory_space<vmem>>, vector<1x16xf32>,
      %swap3A_225 = vector.shape_cast %swap3A_224 : vector<1x16xf32> to vector<16xf32>
      %swap3A_226 = vector.shape_cast %max3A_217 : vector<16xf32> to vector<1x16xf32>
      tpu.vector_store %arg10[%swap3A_222, %swap3A_223], %swap3A_226 {strides = array<i32>} : memref<128x64xf32, #tpu.memory_space<vmem>>, vector<1x16xf32>,
    }
    %scan3A_34 = arith.constant 64 : i32
    %mul3A_35 = arith.constant 128 : i32
    %mul3A_36 = arith.muli %add3A, %mul3A_35 : i32
    "tpu.region"() ({
      %run_scoped3A = tpu.sem_alloc : memref<!tpu.dma_semaphore, #tpu.memory_space<semaphore_mem>>
      %dma_start3A_37 = arith.constant 0 : i32
      %dma_start3A_38 = tpu.memref_slice %arg4[%mul3A_36, %dma_start3A_37] : memref<4096x64xf32, #tpu.memory_space<hbm>> -> memref<128x64xf32, #tpu.memory_space<hbm>>
      %dma_start3A_39 = arith.constant 0 : i32
      %dma_start3A_40 = tpu.memref_slice %arg4[%mul3A_36, %dma_start3A_39] : memref<4096x64xf32, #tpu.memory_space<hbm>> -> memref<128x64xf32, #tpu.memory_space<hbm>>
      tpu.enqueue_dma source(%arg10 : memref<128x64xf32, #tpu.memory_space<vmem>>) target(%dma_start3A_40 : memref<128x64xf32, #tpu.memory_space<hbm>>) target_semaphore(%run_scoped3A : memref<!tpu.dma_semaphore, #tpu.memory_space<semaphore_mem>>)
      %dma_wait3A = arith.constant 0 : i32
      %dma_wait3A_41 = tpu.memref_slice %arg4[%mul3A_36, %dma_wait3A] : memref<4096x64xf32, #tpu.memory_space<hbm>> -> memref<128x64xf32, #tpu.memory_space<hbm>>
      %dma_wait3A_42 = arith.constant 0 : i32
      %dma_wait3A_43 = tpu.memref_slice %arg4[%mul3A_36, %dma_wait3A_42] : memref<4096x64xf32, #tpu.memory_space<hbm>> -> memref<128x64xf32, #tpu.memory_space<hbm>>
      tpu.wait_dma2 semaphore(%run_scoped3A : memref<!tpu.dma_semaphore, #tpu.memory_space<semaphore_mem>>) src(%arg10 : memref<128x64xf32, #tpu.memory_space<vmem>>) dst(%dma_wait3A_43 : memref<128x64xf32, #tpu.memory_space<hbm>>)
      tpu.yield
    }) : () -> ()
    return
  }
}

</mosaic_0001>

<sc_bundles>
// kernel: kernel.3.cloned.1.call-start
scs
__scs_entry_jumppad:
0x0: {  	(pc) =	sbr.rel $0x88, $3  }
0x1: {  	(tag) =	ssettag $0x0;
	lr =	simm.s32 $0x1  }
0x2: {  	[smem:$0x3F9F] =	sst lr;
	_ =	strace $0xD0000000  }
0x3: {  	_ = 	snop  }
0x4: {  	_ = 	snop  }
0x5: {  	_ = 	snop  }
0x6: {  	_ = 	snop  }
0x7: {  	_ = 	snop  }
__scs_overlays_trampoline_lowered:
0x8: {  	[smem:$0x3FAE] =	sst s0  }
0x9: {  	[smem:$0x3FAF] =	sst s1  }
0xa: {  	[smem:$0x3FB0] =	sst s2  }
0xb: {  	[smem:$0x3FB1] =	sst s3  }
0xc: {  	[smem:$0x3FB2] =	sst s4  }
0xd: {  	[smem:$0x3FB3] =	sst s5  }
0xe: {  	[smem:$0x3FB4] =	sst s6  }
0xf: {  	[smem:$0x3FB5] =	sst s7  }
0x10: {  	[smem:$0x3FB6] =	sst s8  }
0x11: {  	[smem:$0x3FB7] =	sst s9;
	s0 =	simm.s32 @!p0 $0x0  }
0x12: {  	s1 =	sld [smem:$0x3F9D];
	s0 =	simm.s32 @p0 $0x1  }
0x13: {  	[smem:$0x3FB8] =	sst s0;
	s0 =	simm.s32 @!p1 $0x0  }
0x14: {  	s2 =	sld [smem:$0x3F9C];
	s0 =	simm.s32 @p1 $0x1  }
0x15: {  	[smem:$0x3FB9] =	sst s0;
	s0 =	simm.s32 @!p2 $0x0  }
0x16: {  	s3 =	sld [smem:$0x3FDB];
	s0 =	simm.s32 @p2 $0x1  }
0x17: {  	s4 =	simm.s32 $0x1BF5;
	[smem:$0x3FBB] =	sst s0  }
0x18: {  	s0 =	sld [smem:$0x3F9E];
	_ =	swait.ge [sflag:s4], $0x0  }
0x19: {  	s7 =	sld [smem:$0x3F9F]  }
0x1a: {  	s8 =	sadd.s32 $0xFFFFE003, lr  }
0x1b: {  	s9 =	sadd.s32 $0xFFFFFEF7, lr;
	s5 =	simm.s32 $0xFFFFFFFF;
	p2 =	slt.u32 s8, $0xFFFFF086  }
0x1c: {  	p1 =	slt.u32 s9, $0xF7A;
	s5 =	simm.s32 @!p2 $0x0  }
0x1d: {  	s5 =	simm.s32 @p1 $0x1;
	p0 =	seq.s32 s7, s2  }
0x1e: {  	s7 =	smul.u32 @!p0 $0xF7A, s2;
	p2 =	seq.s32 @!p0 s5, $0x0  }
0x1f: {  	s9 =	smul.u32 $0xF7A, s1;
	s8 =	simm.s32 @!p0 $0x1BF5;
	p2 =	por !p2, p0  }
0x20: {  	[sflag:s8] =	ssyncset.s32 @!p0 $0xFFFFF086;
	s6 =	sadd.s32 @!p0 s3, s7;
	s7 =	simm.s32 @!p0 $0x108  }
0x21: {  	s3 =	sadd.s32 s3, s9;
	s6 =	sadd.s32 @!p0 $0x88, s6;
	s7 =	simm.s32 @p2 $0x1082  }
0x22: {  	[simem:s7], [sflag:s8] =	dma.local @!p0 [hbm:s6], $0xF7A  }
0x23: {  	s9 =	sor.u32 $0xD0000000, s2;
	s6 =	simm.s32 $0x108;
	_ =	swait.ge @!p0 [sflag:s8], $0x0  }
0x24: {  	s3 =	sadd.s32 $0x88, s3;
	s6 =	simm.s32 @!p1 $0x1082;
	[sflag:s4] =	ssyncset.s32 $0xFFFFF086  }
0x25: {  	[simem:s6], [sflag:s4] =	dma.local [hbm:s3], $0xF7A  }
0x26: {  	[smem:$0x3F9F] =	sst s1;
	(tag) =	ssettag s2;
	_ =	strace s9  }
0x27: {  	s1 =	sld [smem:$0x3FAF]  }
0x28: {  	s2 =	sld [smem:$0x3FB0]  }
0x29: {  	s4 =	sld [smem:$0x3FB2]  }
0x2a: {  	p0 =	seq.s32 s5, $0x0;
	s5 =	sld [smem:$0x3FB3]  }
0x2b: {  	s6 =	sld [smem:$0x3FB4]  }
0x2c: {  	s7 =	sld [smem:$0x3FB5]  }
0x2d: {  	s3 =	simm.s32 $0x108;
	s8 =	sld [smem:$0x3FB6]  }
0x2e: {  	s3 =	simm.s32 @!p0 $0x1082;
	s9 =	sld [smem:$0x3FB7]  }
0x2f: {  	lr =	sadd.s32 s0, s3;
	s0 =	sld [smem:$0x3FAE]  }
0x30: {  	s3 =	sld [smem:$0x3FB1]  }
0x31: {  	[smem:$0x3FBA] =	sst s10  }
0x32: {  	s10 =	sld [smem:$0x3FB8];
	_ =	sdelay $0x3  }
0x33: {  	p0 =	seq.s32 s10, $0x1;
	s10 =	sld [smem:$0x3FBA];
	_ =	sdelay $0x3  }
0x34: {  	[smem:$0x3FBA] =	sst s10  }
0x35: {  	s10 =	sld [smem:$0x3FB9];
	_ =	sdelay $0x3  }
0x36: {  	p1 =	seq.s32 s10, $0x1;
	s10 =	sld [smem:$0x3FBA];
	_ =	sdelay $0x3  }
0x37: {  	[smem:$0x3FBA] =	sst s10  }
0x38: {  	s10 =	sld [smem:$0x3FBB]  }
0x39: {  	_ = 	snop;
	(pc) =	sbr.ind lr, $3  }
0x3a: {  	_ = 	snop  }
0x3b: {  	_ = 	snop  }
0x3c: {  	p2 =	seq.s32 s10, $0x1;
	s10 =	sld [smem:$0x3FBA]  }
0x3d: {  	_ =	shalt  }
0x3e: {  	_ =	shalt  }
0x3f: {  	_ =	shalt  }
0x40: {  	_ =	shalt  }
0x41: {  	_ =	shalt  }
0x42: {  	_ =	shalt  }
0x43: {  	_ =	shalt  }
0x44: {  	_ =	shalt  }
0x45: {  	_ =	shalt  }
0x46: {  	_ =	shalt  }
0x47: {  	_ =	shalt  }
0x48: {  	_ =	shalt  }
0x49: {  	_ =	shalt  }
0x4a: {  	_ =	shalt  }
0x4b: {  	_ =	shalt  }
0x4c: {  	_ =	shalt  }
0x4d: {  	_ =	shalt  }
0x4e: {  	_ =	shalt  }
0x4f: {  	_ =	shalt  }
0x50: {  	_ =	shalt  }
0x51: {  	_ =	shalt  }
0x52: {  	_ =	shalt  }
0x53: {  	_ =	shalt  }
0x54: {  	_ =	shalt  }
0x55: {  	_ =	shalt  }
0x56: {  	_ =	shalt  }
0x57: {  	_ =	shalt  }
0x58: {  	_ =	shalt  }
0x59: {  	_ =	shalt  }
0x5a: {  	_ =	shalt  }
0x5b: {  	_ =	shalt  }
0x5c: {  	_ =	shalt  }
0x5d: {  	_ =	shalt  }
0x5e: {  	_ =	shalt  }
0x5f: {  	_ =	shalt  }
0x60: {  	_ =	shalt  }
0x61: {  	_ =	shalt  }
0x62: {  	_ =	shalt  }
0x63: {  	_ =	shalt  }
0x64: {  	_ =	shalt  }
0x65: {  	_ =	shalt  }
0x66: {  	_ =	shalt  }
0x67: {  	_ =	shalt  }
0x68: {  	_ =	shalt  }
0x69: {  	_ =	shalt  }
0x6a: {  	_ =	shalt  }
0x6b: {  	_ =	shalt  }
0x6c: {  	_ =	shalt  }
0x6d: {  	_ =	shalt  }
0x6e: {  	_ =	shalt  }
0x6f: {  	_ =	shalt  }
0x70: {  	_ =	shalt  }
0x71: {  	_ =	shalt  }
0x72: {  	_ =	shalt  }
0x73: {  	_ =	shalt  }
0x74: {  	_ =	shalt  }
0x75: {  	_ =	shalt  }
0x76: {  	_ =	shalt  }
0x77: {  	_ =	shalt  }
0x78: {  	_ =	shalt  }
0x79: {  	_ =	shalt  }
0x7a: {  	_ =	shalt  }
0x7b: {  	_ =	shalt  }
0x7c: {  	_ =	shalt  }
0x7d: {  	_ =	shalt  }
0x7e: {  	_ =	shalt  }
0x7f: {  	_ =	shalt  }
0x80: {  	_ =	shalt  }
0x81: {  	_ =	shalt  }
0x82: {  	_ =	shalt  }
0x83: {  	_ =	shalt  }
0x84: {  	_ =	shalt  }
0x85: {  	_ =	shalt  }
0x86: {  	_ =	shalt  }
0x87: {  	_ =	shalt  }
.Lfunc_end0:
.L_simem_size_0:
called_computation_lowered:
.L_overlay_start_0:
0x88: {  	s2 =	sld [smem:$0x3FD9]  }
0x89: {  	s3 =	sld [smem:$0x3FFE];
	_ =	sdelay $0x1  }
0x8a: {  	s1 =	srdreg.scid  }
0x8b: {  	s0 =	sand.u32 $0x1, s1  }
0x8c: {  	s17 =	sshll.u32 s0, $0xA;
	s2 =	sadd.s32 s3, s2  }
0x8d: {  	s2 =	sadd.s32 s2, s17  }
0x8e: {  	[smem:$0x3FC6] =	sst s2  }
0x8f: {  	_ = 	snop  }
0x90: {  	s2 =	sld [smem:$0x3FD0];
	(tm) =	ssettm $0x1  }
0x91: {  	s18 =	sld [smem:$0x3FFB];
	_ =	sdelay $0x3  }
0x92: {  	_ =	strace s18  }
0x93: {  	s3 =	sld [smem:$0x3FFC];
	_ =	sdelay $0x3  }
0x94: {  	_ =	strace s3  }
0x95: {  	s3 =	sld [smem:$0x3FFD];
	_ =	sdelay $0x3  }
0x96: {  	_ =	strace s3  }
0x97: {  	_ =	strace $0x8FFFFFFF  }
0x98: {  	s19 =	sld [smem:$0x3FDB];
	_ =	sdelay $0x1  }
0x99: {  	s4 =	simm.s32 $_scs_section_size  }
0x9a: {  	s5 =	simm.s32 $_size__tile_overlayer_lowered;
	s6 =	simm.s32 $_tile_overlayer_lowered  }
0x9b: {  	s22 =	simm.s32 $0x1BFF;
	s21 =	sshll.u32 s6, $0x1;
	s3 =	sadd.s32 s4, s19  }
0x9c: {  	s7 =	simm.s32 $0x0;
	s20 =	sshll.u32 s5, $0x1;
	s5 =	sadd.s32 s21, s3  }
0x9d: {  	[timem:s7], [sflag:s22] =	dma.local [hbm:s5], s20  }
0x9e: {  	_ =	swait.ge [sflag:s22], s20  }
0x9f: {  	s4 =	ssub.s32 $0x0, s20;
	[sflag:s22] =	ssyncset.done $0x0  }
0xa0: {  	[sflag:s22] =	ssyncadd.s32 s4;
	_ =	sdelay $0x1  }
0xa1: {  	s23 =	simm.s32 $0x1B8B  }
0xa2: {  	_ =	swait.ge [sflag:s23], $0x1  }
0xa3: {  	[sflag:s23] =	ssyncset.done $0x0  }
0xa4: {  	s25 =	simm.s32 $0x1B8E;
	s24 =	sld [smem:$0x3FFE];
	[sflag:s23] =	ssyncadd.s32 $0xFFFFFFFF  }
0xa5: {  	s26 =	simm.s32 $execute0_lowered;
	[smem:$0x3FD2] =	sst s25  }
0xa6: {  	s5 =	sshll.u32 s26, $0x1;
	_ =	strace $0x80000046;
	[dreg:$0x1] =	wrdreg $0xFFFFFFFF  }
0xa7: {  	s28 =	simm.s32 $_size_execute0_lowered;
	s3 =	sadd.s32 s3, s5;
	[dreg:$0x0] =	wrdreg $0x0  }
0xa8: {  	s5 =	sshll.u32 s28, $0x1;
	[dreg:$0x2] =	wrdreg s3  }
0xa9: {  	[dreg:$0x3] =	wrdreg s5  }
0xaa: {  	[dreg:$0x4] =	wrdreg $0xC0  }
0xab: {  	_ =	task [dreg:s7], $0x5FFFF  }
0xac: {  	[dreg:$0x1] =	wrdreg $0xFFFFFFFF  }
0xad: {  	[dreg:$0x0] =	wrdreg $0x60  }
0xae: {  	[dreg:$0x2] =	wrdreg s24  }
0xaf: {  	[dreg:$0x3] =	wrdreg s2  }
0xb0: {  	[dreg:$0x4] =	wrdreg $0x9  }
0xb1: {  	_ =	task.clear_ibuf [dreg:s7], $0x5FFFF;
	_ =	strace $0x90000046  }
0xb2: {  	s29 =	simm.s32 $0x9;
	_ =	strace $0x80000048  }
0xb3: {  	_ =	swait.ge [sflag:s29], $0x1  }
0xb4: {  	[sflag:s29] =	ssyncadd.s32 $0xFFFFFFFF  }
0xb5: {  	_ =	strace $0x90000048  }
0xb6: {  	_ =	sfence  }
0xb7: {  	s30 =	sld [smem:$0x0];
	_ =	sdelay $0x2  }
0xb8: {  	s31 =	sshll.u32 s1, $0xD;
	s1 =	sshrl.u32 s1, $0x2  }
0xb9: {  	s3 =	sand.u32 $0x4000, s31;
	s1 =	sadd.s32 s1, s30  }
0xba: {  	s0 =	sor.u32 s3, s0;
	s1 =	sshll.u32 s1, $0x11  }
0xbb: {  	s0 =	sor.u32 s1, s0  }
0xbc: {  	s0 =	sadd.s32 $0x8F2B, s0  }
0xbd: {  	[sflag:s0] =	ssyncadd.remote.s32 $0x1  }
0xbe: {  	_ =	sfence.sel $0xFFFF  }
0xbf: {  	[dreg:$0x0] =	wrdreg $0xFFFFFFFF;
	(pc) =	sbr.abs _section_cstart, $3  }
0xc0: {  	[dreg:$0x1] =	wrdreg $0xFFFFFFFF  }
0xc1: {  	_ =	task.clear_ibuf [dreg:s7], $0x2FFFF;
	_ =	strace $0x9FFFFFFF  }
0xc2: {  	(tm) =	ssettm $0x7FFFFFFF  }
0xc3: {  	_ =	shalt  }
tec
execute0_lowered:
.L_overlay_start_1:
0x0: {  	(tag) =	ssettag $0x1  }
0x1: {  	s1 =	srdreg.scid  }
0x2: {  	s0 =	stileid.u32;
	s3 =	rddreg [dreg:$0x0]  }
0x3: {  	s5 =	rddreg [dreg:$0x1];
	s2 =	simm.s32 $0x0;
	s9 =	simm.s32 $0x6800  }
0x4: {  	s10 =	simm.s32 $0x68;
	s11 =	simm.s32 $0x8100;
	s12 =	simm.s32 $0xD0  }
0x5: {  	s13 =	simm.s32 $0x9A00;
	s14 =	simm.s32 $0x138;
	s15 =	simm.s32 $0xB300  }
0x6: {  	s16 =	simm.s32 $0x1;
	s17 =	simm.s32 $0x2;
	s18 =	simm.s32 $0x3  }
0x7: {  	s19 =	simm.s32 $0x4;
	s20 =	simm.s32 $0xCC00;
	s21 =	simm.s32 $0x0  }
0x8: {  	s4 =	sand.u32 $0x1, s1;
	s31 =	sshll.u32 s0, $0x1;
	s1 =	rddreg [dreg:$0x2]  }
0x9: {  	[smem:$0x7FF] =	sst s2;
	s6 =	sor.u32 s4, s31;
	s4 =	ssub.s32 $0x2, s4  }
0xa: {  	s7 =	smul.u32 $0xD00, s6;
	s8 =	sshrl.u32 s4, $0x1;
	s6 =	sshll.u32 s6, $0xA  }
0xb: {  	_ =	strace $0x80000047;
	s8 =	ssub.s32 s4, s8;
	s5 =	sadd.s32 s5, s6  }
0xc: {  	s7 =	sadd.s32 s7, s3;
	s3 =	sadd.s32 $0xF42A00, s3;
	s6 =	smax.u32 s8, $0x1  }
0xd: {  	s8 =	simm.s32 $0x64;
	s4 =	sadd.s32 $0x600, s7;
	s7 =	simm.s32 $0x5  }
.LBB2_1:
0xe: {  	[tilespmem:s2], [sflag:$0x5] =	stream.linear.gather [hbm4b:s4+s2], $0x6800, $0x38;
	[tilespmem:$0xEC00] =	vst v63  }
0xf: {  	_ =	swait.ge [sflag:s7], $0x6800  }
0x10: {  	[sflag:s7] =	ssyncset.done $0x0  }
0x11: {  	[sflag:s7] =	ssyncadd.s32 $0xFFFF9800  }
0x12: {  	[tilespmem:s9], [sflag:$0x1] =	stream.indirect.gather [hbm4b:s3+s8], $0x40, s2, s8, $0xb8;
	[tilespmem:$0xEC00] =	vst v63  }
0x13: {  	_ = 	snop  }
0x14: {  	[tilespmem:s11], [sflag:$0x2] =	stream.indirect.gather [hbm4b:s3+s8], $0x40, s10, s8, $0xb8;
	[tilespmem:$0xEC00] =	vst v63  }
0x15: {  	_ = 	snop  }
0x16: {  	[tilespmem:s13], [sflag:$0x3] =	stream.indirect.gather [hbm4b:s3+s8], $0x40, s12, s8, $0xb8;
	[tilespmem:$0xEC00] =	vst v63  }
0x17: {  	s22 =	simm.s32 $0x0  }
0x18: {  	[tilespmem:s15], [sflag:$0x4] =	stream.indirect.gather [hbm4b:s3+s8], $0x40, s14, s8, $0xb8;
	[tilespmem:$0xEC00] =	vst v63  }
.LBB2_2:
0x19: {  	_ =	swait.ge [sflag:s16], $0x1900  }
0x1a: {  	[sflag:s16] =	ssyncset.done $0x0  }
0x1b: {  	s24 =	simm.s32 $0x0;
	[sflag:s16] =	ssyncadd.s32 $0xFFFFE700  }
0x1c: {  	v0 =	vld [tilespmem:s24+$0x6CC0]  }
0x1d: {  	v31 =	vld [tilespmem:s24+$0x6CD0]  }
0x1e: {  	v33 =	vld [tilespmem:s24+$0x6CE0]  }
0x1f: {  	v38 =	vld [tilespmem:s24+$0x6C80]  }
0x20: {  	v3 =	vld [tilespmem:s24+$0x6C90]  }
0x21: {  	v4 =	vld [tilespmem:s24+$0x6CA0]  }
0x22: {  	v44 =	vld [tilespmem:s24+$0x6C40]  }
0x23: {  	v8 =	vld [tilespmem:s24+$0x6C50]  }
0x24: {  	v9 =	vld [tilespmem:s24+$0x6C60]  }
0x25: {  	v49 =	vld [tilespmem:s24+$0x6C00]  }
0x26: {  	v10 =	vld [tilespmem:s24+$0x6C10]  }
0x27: {  	v12 =	vld [tilespmem:s24+$0x6C20]  }
0x28: {  	v45 =	vld [tilespmem:s24+$0x6BC0]  }
0x29: {  	v16 =	vld [tilespmem:s24+$0x6BD0]  }
0x2a: {  	v15 =	vld [tilespmem:s24+$0x6BE0]  }
0x2b: {  	v7 =	vld [tilespmem:s24+$0x6B80]  }
0x2c: {  	v18 =	vld [tilespmem:s24+$0x6B90]  }
0x2d: {  	v20 =	vld [tilespmem:s24+$0x6BA0]  }
0x2e: {  	v2 =	vld [tilespmem:s24+$0x6B40]  }
0x2f: {  	v24 =	vld [tilespmem:s24+$0x6B50]  }
0x30: {  	v22 =	vld [tilespmem:s24+$0x6B60]  }
0x31: {  	v1 =	vld [tilespmem:s24+$0x6B00]  }
0x32: {  	v26 =	vld [tilespmem:s24+$0x6B10]  }
0x33: {  	v28 =	vld [tilespmem:s24+$0x6B20]  }
0x34: {  	v19 =	vld [tilespmem:s24+$0x6AC0]  }
0x35: {  	v32 =	vld [tilespmem:s24+$0x6AD0]  }
0x36: {  	v30 =	vld [tilespmem:s24+$0x6AE0]  }
0x37: {  	v17 =	vld [tilespmem:s24+$0x6A80]  }
0x38: {  	v34 =	vld [tilespmem:s24+$0x6A90]  }
0x39: {  	v36 =	vld [tilespmem:s24+$0x6AA0]  }
0x3a: {  	v14 =	vld [tilespmem:s24+$0x6A40]  }
0x3b: {  	v40 =	vld [tilespmem:s24+$0x6A50]  }
0x3c: {  	v42 =	vld [tilespmem:s24+$0x6A60]  }
0x3d: {  	v13 =	vld [tilespmem:s24+$0x6A00]  }
0x3e: {  	v48 =	vld [tilespmem:s24+$0x6A10]  }
0x3f: {  	v52 =	vld [tilespmem:s24+$0x6A20]  }
0x40: {  	v11 =	vld [tilespmem:s24+$0x69C0]  }
0x41: {  	v56 =	vld [tilespmem:s24+$0x69D0]  }
0x42: {  	v57 =	vld [tilespmem:s24+$0x69E0]  }
0x43: {  	v21 =	vld [tilespmem:s24+$0x6980]  }
0x44: {  	v5 =	vld [tilespmem:s24+$0x6800]  }
0x45: {  	v6 =	vld [tilespmem:s24+$0x6840]  }
0x46: {  	v23 =	vld [tilespmem:s24+$0x6880]  }
0x47: {  	v25 =	vld [tilespmem:s24+$0x68C0]  }
0x48: {  	v53 =	vimm.f32 $-3.402823470e+38;
	v27 =	vld [tilespmem:s24+$0x6900]  }
0x49: {  	v29 =	vld [tilespmem:s24+$0x6940];
	v5 =	vmax.f32 v53, v5  }
0x4a: {  	v60 =	vld [tilespmem:s24+$0x6990];
	v5 =	vmax.f32 v5, v6  }
0x4b: {  	v62 =	vld [tilespmem:s24+$0x6960];
	v6 =	vmax.f32 v5, v23  }
0x4c: {  	v61 =	vld [tilespmem:s24+$0x6910];
	v23 =	vmax.f32 v6, v25  }
0x4d: {  	v63 =	vld [tilespmem:s24+$0x6920];
	v23 =	vmax.f32 v23, v27  }
0x4e: {  	v59 =	vld [tilespmem:s24+$0x68D0];
	v23 =	vmax.f32 v23, v29  }
0x4f: {  	v5 =	vld [tilespmem:s24+$0x69A0];
	v21 =	vmax.f32 v23, v21  }
0x50: {  	v6 =	vld [tilespmem:s24+$0x6950];
	v21 =	vmax.f32 v21, v11  }
0x51: {  	v11 =	vld [tilespmem:s24+$0x68E0];
	v21 =	vmax.f32 v21, v13  }
0x52: {  	v13 =	vld [tilespmem:s24+$0x6890];
	v21 =	vmax.f32 v21, v14  }
0x53: {  	v14 =	vld [tilespmem:s24+$0x68A0];
	v21 =	vmax.f32 v21, v17  }
0x54: {  	v17 =	vld [tilespmem:s24+$0x6850];
	v21 =	vmax.f32 v21, v19  }
0x55: {  	v19 =	vld [tilespmem:s24+$0x6860];
	v21 =	vmax.f32 v21, v1  }
0x56: {  	v1 =	vld [tilespmem:s24+$0x6810];
	v21 =	vmax.f32 v21, v2  }
0x57: {  	s23 =	simm.s32 $0x1400;
	v55 =	vimm.f32 $-3.402823470e+38;
	v58 =	vimm.f32 $-3.402823470e+38;
	v2 =	vld [tilespmem:s24+$0x6820];
	v7 =	vmax.f32 v21, v7  }
.LBB2_3:
0x58: {  	p0 =	sne.s32 s23, $0x5000;
	v21 =	vld [tilespmem:s24+$0x6830];
	v7 =	vmax.f32 v7, v45  }
0x59: {  	v23 =	vld [tilespmem:s24+$0x6870];
	v7 =	vmax.f32 v7, v49  }
0x5a: {  	v25 =	vld [tilespmem:s24+$0x68B0];
	v7 =	vmax.f32 v7, v44  }
0x5b: {  	v27 =	vld [tilespmem:s24+$0x68F0];
	v7 =	vmax.f32 v7, v38  }
0x5c: {  	v29 =	vld [tilespmem:s24+$0x6930];
	v7 =	vmax.f32 v7, v0  }
0x5d: {  	v0 =	vmax.f32 v53, v1;
	v1 =	vmax.f32 v55, v2;
	v2 =	vmax.f32 v58, v21;
	v21 =	vld [tilespmem:s24+$0x6970]  }
0x5e: {  	v0 =	vmax.f32 v0, v17;
	v1 =	vmax.f32 v1, v19;
	v2 =	vmax.f32 v2, v23;
	v17 =	vld [tilespmem:s24+$0x69B0]  }
0x5f: {  	v0 =	vmax.f32 v0, v13;
	v1 =	vmax.f32 v1, v14;
	v2 =	vmax.f32 v2, v25;
	v13 =	vld [tilespmem:s24+$0x69F0]  }
0x60: {  	v0 =	vmax.f32 v0, v59;
	v1 =	vmax.f32 v1, v11;
	v2 =	vmax.f32 v2, v27;
	v11 =	vld [tilespmem:s24+$0x6A30]  }
0x61: {  	v0 =	vmax.f32 v0, v61;
	v1 =	vmax.f32 v1, v63;
	v2 =	vmax.f32 v2, v29;
	v14 =	vld [tilespmem:s24+$0x6A70]  }
0x62: {  	v0 =	vmax.f32 v0, v6;
	v1 =	vmax.f32 v1, v62;
	v2 =	vmax.f32 v2, v21;
	v6 =	vld [tilespmem:s24+$0x6AB0]  }
0x63: {  	v0 =	vmax.f32 v0, v60;
	v1 =	vmax.f32 v1, v5;
	v2 =	vmax.f32 v2, v17;
	v5 =	vld [tilespmem:s24+$0x6AF0]  }
0x64: {  	v0 =	vmax.f32 v0, v56;
	v1 =	vmax.f32 v1, v57;
	v2 =	vmax.f32 v2, v13;
	v13 =	vld [tilespmem:s24+$0x6B30]  }
0x65: {  	v0 =	vmax.f32 v0, v48;
	v1 =	vmax.f32 v1, v52;
	v2 =	vmax.f32 v2, v11;
	v11 =	vld [tilespmem:s24+$0x6B70]  }
0x66: {  	v0 =	vmax.f32 v0, v40;
	v1 =	vmax.f32 v1, v42;
	v2 =	vmax.f32 v2, v14;
	v14 =	vld [tilespmem:s24+$0x6BB0]  }
0x67: {  	v0 =	vmax.f32 v0, v34;
	v1 =	vmax.f32 v1, v36;
	v2 =	vmax.f32 v2, v6;
	v6 =	vld [tilespmem:s24+$0x6BF0]  }
0x68: {  	v0 =	vmax.f32 v0, v32;
	v1 =	vmax.f32 v1, v30;
	v2 =	vmax.f32 v2, v5;
	v5 =	vld [tilespmem:s24+$0x6C30]  }
0x69: {  	v0 =	vmax.f32 v0, v26;
	v1 =	vmax.f32 v1, v28;
	v2 =	vmax.f32 v2, v13;
	v13 =	vld [tilespmem:s24+$0x6C70]  }
0x6a: {  	v0 =	vmax.f32 v0, v24;
	v1 =	vmax.f32 v1, v22;
	v2 =	vmax.f32 v2, v11;
	v11 =	vld [tilespmem:s24+$0x6CB0]  }
0x6b: {  	v17 =	vmax.f32 v0, v18;
	v1 =	vmax.f32 v1, v20;
	v2 =	vmax.f32 v2, v14;
	v14 =	vld [tilespmem:s24+$0x6CF0];
	s24 =	sshra.s32 s23, $0x2  }
0x6c: {  	v16 =	vmax.f32 v17, v16;
	v1 =	vmax.f32 v1, v15;
	v0 =	vld [tilespmem:s24+$0x6CC0];
	v2 =	vmax.f32 v2, v6  }
0x6d: {  	v10 =	vmax.f32 v16, v10;
	v1 =	vmax.f32 v1, v12;
	v6 =	vld [tilespmem:s24+$0x6CD0];
	v2 =	vmax.f32 v2, v5  }
0x6e: {  	v8 =	vmax.f32 v10, v8;
	v1 =	vmax.f32 v1, v9;
	v5 =	vld [tilespmem:s24+$0x6CE0];
	v2 =	vmax.f32 v2, v13  }
0x6f: {  	v8 =	vmax.f32 v8, v3;
	v1 =	vmax.f32 v1, v4;
	v38 =	vld [tilespmem:s24+$0x6C80];
	v2 =	vmax.f32 v2, v11  }
0x70: {  	v53 =	vmax.f32 v8, v31;
	v55 =	vmax.f32 v1, v33;
	v3 =	vld [tilespmem:s24+$0x6C90];
	v58 =	vmax.f32 v2, v14  }
0x71: {  	v4 =	vld [tilespmem:s24+$0x6CA0]  }
0x72: {  	v44 =	vld [tilespmem:s24+$0x6C40];
	v31 =	vmov v6  }
0x73: {  	v8 =	vld [tilespmem:s24+$0x6C50];
	v33 =	vmov v5  }
0x74: {  	v9 =	vld [tilespmem:s24+$0x6C60]  }
0x75: {  	v49 =	vld [tilespmem:s24+$0x6C00]  }
0x76: {  	v10 =	vld [tilespmem:s24+$0x6C10]  }
0x77: {  	v12 =	vld [tilespmem:s24+$0x6C20]  }
0x78: {  	v45 =	vld [tilespmem:s24+$0x6BC0]  }
0x79: {  	v16 =	vld [tilespmem:s24+$0x6BD0]  }
0x7a: {  	v15 =	vld [tilespmem:s24+$0x6BE0]  }
0x7b: {  	v21 =	vld [tilespmem:s24+$0x6B80]  }
0x7c: {  	v18 =	vld [tilespmem:s24+$0x6B90]  }
0x7d: {  	v20 =	vld [tilespmem:s24+$0x6BA0]  }
0x7e: {  	v2 =	vld [tilespmem:s24+$0x6B40]  }
0x7f: {  	v24 =	vld [tilespmem:s24+$0x6B50]  }
0x80: {  	v22 =	vld [tilespmem:s24+$0x6B60]  }
0x81: {  	v1 =	vld [tilespmem:s24+$0x6B00]  }
0x82: {  	v26 =	vld [tilespmem:s24+$0x6B10]  }
0x83: {  	v28 =	vld [tilespmem:s24+$0x6B20]  }
0x84: {  	v19 =	vld [tilespmem:s24+$0x6AC0]  }
0x85: {  	v32 =	vld [tilespmem:s24+$0x6AD0]  }
0x86: {  	v30 =	vld [tilespmem:s24+$0x6AE0]  }
0x87: {  	v17 =	vld [tilespmem:s24+$0x6A80]  }
0x88: {  	v34 =	vld [tilespmem:s24+$0x6A90]  }
0x89: {  	v36 =	vld [tilespmem:s24+$0x6AA0]  }
0x8a: {  	v14 =	vld [tilespmem:s24+$0x6A40]  }
0x8b: {  	v40 =	vld [tilespmem:s24+$0x6A50]  }
0x8c: {  	v42 =	vld [tilespmem:s24+$0x6A60]  }
0x8d: {  	v13 =	vld [tilespmem:s24+$0x6A00]  }
0x8e: {  	v48 =	vld [tilespmem:s24+$0x6A10]  }
0x8f: {  	v52 =	vld [tilespmem:s24+$0x6A20]  }
0x90: {  	v11 =	vld [tilespmem:s24+$0x69C0]  }
0x91: {  	v56 =	vld [tilespmem:s24+$0x69D0]  }
0x92: {  	v57 =	vld [tilespmem:s24+$0x69E0]  }
0x93: {  	v23 =	vld [tilespmem:s24+$0x6980]  }
0x94: {  	v5 =	vld [tilespmem:s24+$0x6800]  }
0x95: {  	v6 =	vld [tilespmem:s24+$0x6840]  }
0x96: {  	v25 =	vld [tilespmem:s24+$0x6880]  }
0x97: {  	v27 =	vld [tilespmem:s24+$0x68C0]  }
0x98: {  	v29 =	vld [tilespmem:s24+$0x6900]  }
0x99: {  	v5 =	vmax.f32 v7, v5;
	v7 =	vld [tilespmem:s24+$0x6940]  }
0x9a: {  	v5 =	vmax.f32 v5, v6;
	v60 =	vld [tilespmem:s24+$0x6990]  }
0x9b: {  	v6 =	vmax.f32 v5, v25;
	v5 =	vld [tilespmem:s24+$0x69A0]  }
0x9c: {  	v25 =	vmax.f32 v6, v27;
	v6 =	vld [tilespmem:s24+$0x6950]  }
0x9d: {  	v25 =	vmax.f32 v25, v29;
	v62 =	vld [tilespmem:s24+$0x6960]  }
0x9e: {  	v61 =	vld [tilespmem:s24+$0x6910];
	v7 =	vmax.f32 v25, v7  }
0x9f: {  	v63 =	vld [tilespmem:s24+$0x6920];
	v7 =	vmax.f32 v7, v23  }
0xa0: {  	v59 =	vld [tilespmem:s24+$0x68D0];
	v7 =	vmax.f32 v7, v11  }
0xa1: {  	v11 =	vld [tilespmem:s24+$0x68E0];
	v7 =	vmax.f32 v7, v13  }
0xa2: {  	v13 =	vld [tilespmem:s24+$0x6890];
	v7 =	vmax.f32 v7, v14  }
.Ltmp0:
0xa3: {  	v14 =	vld [tilespmem:s24+$0x68A0];
	v7 =	vmax.f32 v7, v17;
	(pc) =	sbr.rel @p0 .LBB2_3-.Ltmp0, $4  }
0xa4: {  	v17 =	vld [tilespmem:s24+$0x6850];
	v7 =	vmax.f32 v7, v19  }
0xa5: {  	v19 =	vld [tilespmem:s24+$0x6860];
	v7 =	vmax.f32 v7, v1  }
0xa6: {  	v1 =	vld [tilespmem:s24+$0x6810];
	v7 =	vmax.f32 v7, v2  }
0xa7: {  	s23 =	sadd.s32 $0x1400, s23;
	v2 =	vld [tilespmem:s24+$0x6820];
	v7 =	vmax.f32 v7, v21  }
0xa8: {  	v21 =	vld [tilespmem:s24+$0x6830];
	_ =	sdelay $0x4  }
0xa9: {  	[tilespmem:$0x1FD90] =	vst v21;
	v21 =	vld [tilespmem:s24+$0x6870];
	_ =	sdelay $0x4  }
0xaa: {  	[tilespmem:$0x1FDA0] =	vst v21;
	v21 =	vld [tilespmem:s24+$0x68B0];
	_ =	sdelay $0x4  }
0xab: {  	[tilespmem:$0x1FDB0] =	vst v21;
	v21 =	vld [tilespmem:s24+$0x68F0];
	_ =	sdelay $0x4  }
0xac: {  	[tilespmem:$0x1FDC0] =	vst v21;
	v21 =	vld [tilespmem:s24+$0x6930];
	_ =	sdelay $0x4  }
0xad: {  	[tilespmem:$0x1FDD0] =	vst v21;
	v21 =	vld [tilespmem:s24+$0x6970];
	_ =	sdelay $0x4  }
0xae: {  	[tilespmem:$0x1FDE0] =	vst v21;
	v21 =	vld [tilespmem:s24+$0x69B0];
	_ =	sdelay $0x4  }
0xaf: {  	[tilespmem:$0x1FDF0] =	vst v21;
	v21 =	vld [tilespmem:s24+$0x69F0];
	_ =	sdelay $0x4  }
0xb0: {  	[tilespmem:$0x1FE00] =	vst v21;
	v21 =	vld [tilespmem:s24+$0x6A30];
	_ =	sdelay $0x4  }
0xb1: {  	[tilespmem:$0x1FE10] =	vst v21;
	v21 =	vld [tilespmem:s24+$0x6A70];
	_ =	sdelay $0x4  }
0xb2: {  	[tilespmem:$0x1FE20] =	vst v21;
	v21 =	vld [tilespmem:s24+$0x6AB0];
	_ =	sdelay $0x4  }
0xb3: {  	[tilespmem:$0x1FE30] =	vst v21;
	v21 =	vld [tilespmem:s24+$0x6AF0];
	_ =	sdelay $0x4  }
0xb4: {  	[tilespmem:$0x1FE50] =	vst v21;
	v21 =	vld [tilespmem:s24+$0x6B30];
	_ =	sdelay $0x4  }
0xb5: {  	[tilespmem:$0x1FE90] =	vst v21;
	v21 =	vld [tilespmem:s24+$0x6B70];
	_ =	sdelay $0x4  }
0xb6: {  	[tilespmem:$0x1FEC0] =	vst v21;
	v21 =	vld [tilespmem:s24+$0x6BB0];
	_ =	sdelay $0x4  }
0xb7: {  	[tilespmem:$0x1FEF0] =	vst v21;
	v21 =	vld [tilespmem:s24+$0x6BF0];
	_ =	sdelay $0x4  }
0xb8: {  	[tilespmem:$0x1FF00] =	vst v21;
	v21 =	vld [tilespmem:s24+$0x6C30];
	_ =	sdelay $0x4  }
0xb9: {  	[tilespmem:$0x1FF10] =	vst v21;
	v21 =	vld [tilespmem:s24+$0x6C70];
	_ =	sdelay $0x4  }
0xba: {  	[tilespmem:$0x1FF30] =	vst v21;
	v21 =	vld [tilespmem:s24+$0x6CB0];
	_ =	sdelay $0x3  }
0xbb: {  	p0 =	seq.s32 s22, $0x3F  }
0xbc: {  	s23 =	smul.u32 @!p0 $0x680, s22;
	[tilespmem:$0x1FF60] =	vst v21;
	v21 =	vld [tilespmem:s24+$0x6CF0];
	_ =	sdelay $0x1  }
0xbd: {  	v7 =	vmax.f32 v7, v45;
	s23 =	sshra.s32 @!p0 s23, $0x2  }
0xbe: {  	s26 =	simm.s32 @!p0 $0x64;
	s28 =	simm.s32 @!p0 $0x6800;
	v7 =	vmax.f32 v7, v49;
	s25 =	sadd.s32 @!p0 $0x1A0, s23  }
0xbf: {  	v7 =	vmax.f32 v7, v44;
	[tilespmem:s28], [sflag:$0x1] =	stream.indirect.gather @!p0 [hbm4b:s3+s26], $0x40, s25, s26, $0xb8;
	[tilespmem:$0xEC00] =	vst v63  }
0xc0: {  	v7 =	vmax.f32 v7, v38;
	[tilespmem:$0x1FFC0] =	vst v21  }
0xc1: {  	v0 =	vmax.f32 v7, v0;
	_ =	swait.ge [sflag:s17], $0x1900  }
0xc2: {  	[tilespmem:$0x1FD80] =	vst v0;
	v0 =	vmax.f32 v53, v1;
	v1 =	vmax.f32 v55, v2;
	v2 =	vld [tilespmem:$0x1FD90]  }
0xc3: {  	[sflag:s17] =	ssyncset.done $0x0;
	v7 =	vld [tilespmem:$0x1FDA0]  }
0xc4: {  	s24 =	simm.s32 $0x0;
	[sflag:s17] =	ssyncadd.s32 $0xFFFFE700;
	v1 =	vmax.f32 v1, v19;
	v19 =	vld [tilespmem:$0x1FE30]  }
0xc5: {  	v41 =	vld [tilespmem:s24+$0x85C0]  }
0xc6: {  	v21 =	vld [tilespmem:s24+$0x85D0]  }
0xc7: {  	v47 =	vld [tilespmem:s24+$0x8580]  }
0xc8: {  	v50 =	vld [tilespmem:s24+$0x8540]  }
0xc9: {  	v54 =	vld [tilespmem:s24+$0x8500]  }
0xca: {  	v46 =	vld [tilespmem:s24+$0x84C0]  }
0xcb: {  	v23 =	vld [tilespmem:s24+$0x84D0]  }
0xcc: {  	v25 =	vld [tilespmem:s24+$0x8480]  }
0xcd: {  	v27 =	vld [tilespmem:s24+$0x84A0]  }
0xce: {  	v29 =	vld [tilespmem:s24+$0x8440]  }
0xcf: {  	[tilespmem:$0x1FF70] =	vst v31;
	v31 =	vld [tilespmem:s24+$0x8450]  }
0xd0: {  	v35 =	vld [tilespmem:s24+$0x8400];
	v2 =	vmax.f32 v58, v2  }
0xd1: {  	v2 =	vmax.f32 v2, v7;
	v7 =	vld [tilespmem:$0x1FDB0]  }
0xd2: {  	[tilespmem:$0x1FFA0] =	vst v33;
	v33 =	vld [tilespmem:s24+$0x8410]  }
0xd3: {  	v37 =	vld [tilespmem:s24+$0x83C0]  }
0xd4: {  	v39 =	vld [tilespmem:s24+$0x83D0]  }
0xd5: {  	v43 =	vld [tilespmem:s24+$0x8380]  }
0xd6: {  	v2 =	vmax.f32 v2, v7;
	v7 =	vld [tilespmem:$0x1FDC0]  }
0xd7: {  	v45 =	vld [tilespmem:s24+$0x83A0]  }
0xd8: {  	v0 =	vmax.f32 v0, v17;
	v49 =	vld [tilespmem:s24+$0x8340]  }
0xd9: {  	v51 =	vld [tilespmem:s24+$0x8360];
	v0 =	vmax.f32 v0, v13  }
0xda: {  	v44 =	vld [tilespmem:s24+$0x8300];
	v0 =	vmax.f32 v0, v59  }
0xdb: {  	v1 =	vmax.f32 v1, v14;
	v0 =	vmax.f32 v0, v61;
	v2 =	vmax.f32 v2, v7;
	v7 =	vld [tilespmem:$0x1FDD0]  }
0xdc: {  	v1 =	vmax.f32 v1, v11;
	v0 =	vmax.f32 v0, v6;
	v6 =	vld [tilespmem:$0x1FDE0]  }
0xdd: {  	v53 =	vld [tilespmem:s24+$0x8310];
	v1 =	vmax.f32 v1, v63  }
0xde: {  	v55 =	vld [tilespmem:s24+$0x8320];
	v1 =	vmax.f32 v1, v62  }
0xdf: {  	v1 =	vmax.f32 v1, v5;
	v5 =	vld [tilespmem:$0x1FDF0]  }
0xe0: {  	v13 =	vld [tilespmem:s24+$0x82C0];
	v2 =	vmax.f32 v2, v7  }
0xe1: {  	v2 =	vmax.f32 v2, v6;
	v6 =	vld [tilespmem:$0x1FE00]  }
0xe2: {  	v11 =	vld [tilespmem:$0x1FE10]  }
0xe3: {  	v14 =	vld [tilespmem:$0x1FE20]  }
0xe4: {  	v0 =	vmax.f32 v0, v60;
	v2 =	vmax.f32 v2, v5;
	v5 =	vld [tilespmem:s24+$0x8100]  }
0xe5: {  	v17 =	vld [tilespmem:s24+$0x8200];
	v0 =	vmax.f32 v0, v56  }
0xe6: {  	v59 =	vld [tilespmem:s24+$0x82D0];
	v0 =	vmax.f32 v0, v48;
	v2 =	vmax.f32 v2, v6  }
0xe7: {  	v61 =	vld [tilespmem:s24+$0x82E0];
	v0 =	vmax.f32 v0, v40;
	v2 =	vmax.f32 v2, v11  }
0xe8: {  	v56 =	vimm.f32 $-3.402823470e+38;
	v0 =	vmax.f32 v0, v34;
	v6 =	vld [tilespmem:s24+$0x8140];
	v2 =	vmax.f32 v2, v14  }
0xe9: {  	v2 =	vmax.f32 v2, v19;
	v19 =	vmax.f32 v0, v32;
	v0 =	vmax.f32 v56, v5;
	v5 =	vld [tilespmem:$0x1FE50]  }
0xea: {  	v11 =	vld [tilespmem:s24+$0x8180]  }
0xeb: {  	v63 =	vld [tilespmem:s24+$0x82A0]  }
0xec: {  	v58 =	vld [tilespmem:s24+$0x8240]  }
0xed: {  	[tilespmem:$0x1FE70] =	vst v21;
	v21 =	vld [tilespmem:s24+$0x85E0]  }
0xee: {  	v14 =	vld [tilespmem:s24+$0x81C0];
	v2 =	vmax.f32 v2, v5;
	v5 =	vmax.f32 v0, v6  }
0xef: {  	v5 =	vmax.f32 v5, v11;
	v11 =	vld [tilespmem:$0x1FE90]  }
0xf0: {  	v62 =	vld [tilespmem:s24+$0x8210]  }
0xf1: {  	v60 =	vld [tilespmem:s24+$0x81D0];
	v1 =	vmax.f32 v1, v57  }
0xf2: {  	[tilespmem:$0x1FFF0] =	vst v25;
	v25 =	vld [tilespmem:s24+$0x8490];
	v1 =	vmax.f32 v1, v52  }
0xf3: {  	v1 =	vmax.f32 v1, v42;
	[tilespmem:$0x1FED0] =	vst v21;
	v21 =	vld [tilespmem:s24+$0x8590];
	v6 =	vmax.f32 v19, v26  }
0xf4: {  	v2 =	vmax.f32 v2, v11;
	v11 =	vmax.f32 v6, v24;
	v6 =	vmax.f32 v5, v14;
	v14 =	vld [tilespmem:$0x1FEC0]  }
0xf5: {  	[tilespmem:$0x1FFE0] =	vst v29;
	v29 =	vld [tilespmem:s24+$0x8460];
	v1 =	vmax.f32 v1, v36  }
0xf6: {  	v1 =	vmax.f32 v1, v30;
	v7 =	vld [tilespmem:s24+$0x8280]  }
0xf7: {  	[tilespmem:$0x1FF90] =	vst v35;
	v35 =	vld [tilespmem:s24+$0x8420];
	v1 =	vmax.f32 v1, v28  }
0xf8: {  	[tilespmem:$0x1FF50] =	vst v37;
	v37 =	vld [tilespmem:s24+$0x83E0];
	v1 =	vmax.f32 v1, v22  }
0xf9: {  	v1 =	vmax.f32 v1, v20;
	[tilespmem:$0x1FEB0] =	vst v21;
	v21 =	vld [tilespmem:s24+$0x85A0];
	v2 =	vmax.f32 v2, v14;
	v14 =	vmax.f32 v6, v17  }
0xfa: {  	v1 =	vmax.f32 v1, v15;
	v15 =	vld [tilespmem:$0x1FF00];
	v14 =	vmax.f32 v14, v58  }
0xfb: {  	v1 =	vmax.f32 v1, v12;
	v11 =	vmax.f32 v11, v18;
	v17 =	vld [tilespmem:$0x1FEF0];
	v14 =	vmax.f32 v14, v7  }
0xfc: {  	v1 =	vmax.f32 v1, v9;
	v9 =	vld [tilespmem:$0x1FF30];
	v11 =	vmax.f32 v11, v16;
	v13 =	vmax.f32 v14, v13  }
0xfd: {  	v11 =	vmax.f32 v11, v10;
	v12 =	vmax.f32 v13, v44;
	v13 =	vld [tilespmem:$0x1FF10]  }
0xfe: {  	[tilespmem:$0x1FEA0] =	vst v21;
	v21 =	vld [tilespmem:s24+$0x8550];
	v11 =	vmax.f32 v11, v8  }
0xff: {  	v3 =	vmax.f32 v11, v3;
	v11 =	vld [tilespmem:$0x1FF60]  }
0x100: {  	[tilespmem:$0x1FF40] =	vst v43;
	v43 =	vld [tilespmem:s24+$0x8390];
	v2 =	vmax.f32 v2, v17  }
0x101: {  	[tilespmem:$0x1FF20] =	vst v49;
	v49 =	vld [tilespmem:s24+$0x8350];
	v2 =	vmax.f32 v2, v15  }
0x102: {  	v20 =	vld [tilespmem:$0x1FED0];
	v2 =	vmax.f32 v2, v13  }
0x103: {  	[tilespmem:$0x1FE60] =	vst v21;
	v21 =	vld [tilespmem:s24+$0x8560];
	v2 =	vmax.f32 v2, v9  }
0x104: {  	v2 =	vmax.f32 v2, v11;
	v11 =	vld [tilespmem:$0x1FF70]  }
0x105: {  	v22 =	vld [tilespmem:$0x1FEB0]  }
0x106: {  	v1 =	vmax.f32 v1, v4;
	v4 =	vld [tilespmem:$0x1FF50]  }
0x107: {  	v8 =	vld [tilespmem:$0x1FF20]  }
0x108: {  	v9 =	vld [tilespmem:$0x1FF40]  }
0x109: {  	[tilespmem:$0x1FE80] =	vst v21;
	v21 =	vld [tilespmem:s24+$0x8510];
	v3 =	vmax.f32 v3, v11  }
0x10a: {  	[tilespmem:$0x1FF80] =	vst v3;
	v3 =	vld [tilespmem:$0x1FF90]  }
0x10b: {  	v28 =	vld [tilespmem:$0x1FE80]  }
0x10c: {  	v0 =	vld [tilespmem:s24+$0x8290];
	v12 =	vmax.f32 v12, v8  }
0x10d: {  	v26 =	vld [tilespmem:$0x1FE60];
	v12 =	vmax.f32 v12, v9  }
0x10e: {  	[tilespmem:$0x1FE40] =	vst v21;
	v21 =	vld [tilespmem:s24+$0x8520];
	v4 =	vmax.f32 v12, v4  }
0x10f: {  	v3 =	vmax.f32 v4, v3;
	v4 =	vld [tilespmem:$0x1FFA0]  }
0x110: {  	v19 =	vld [tilespmem:$0x1FE70]  }
0x111: {  	v30 =	vld [tilespmem:$0x1FE40]  }
0x112: {  	v24 =	vld [tilespmem:$0x1FEA0]  }
0x113: {  	v5 =	vld [tilespmem:s24+$0x8250]  }
0x114: {  	[tilespmem:$0x1FEE0] =	vst v21;
	v21 =	vld [tilespmem:s24+$0x84E0];
	v1 =	vmax.f32 v1, v4  }
0x115: {  	[tilespmem:$0x1FFB0] =	vst v1;
	v1 =	vld [tilespmem:$0x1FFC0]  }
0x116: {  	v32 =	vld [tilespmem:$0x1FEE0]  }
0x117: {  	v16 =	vld [tilespmem:s24+$0x8110]  }
0x118: {  	v10 =	vld [tilespmem:s24+$0x81E0]  }
0x119: {  	v6 =	vld [tilespmem:s24+$0x8260]  }
0x11a: {  	v7 =	vld [tilespmem:s24+$0x8220];
	v1 =	vmax.f32 v2, v1  }
0x11b: {  	[tilespmem:$0x1FFD0] =	vst v1;
	v1 =	vld [tilespmem:$0x1FFE0]  }
0x11c: {  	v2 =	vld [tilespmem:$0x1FFF0]  }
0x11d: {  	v14 =	vld [tilespmem:s24+$0x8150]  }
0x11e: {  	v8 =	vld [tilespmem:s24+$0x8190]  }
0x11f: {  	v17 =	vld [tilespmem:s24+$0x8120]  }
0x120: {  	v15 =	vld [tilespmem:s24+$0x8160];
	v1 =	vmax.f32 v3, v1  }
0x121: {  	s25 =	simm.s32 $0x1400;
	v9 =	vld [tilespmem:s24+$0x81A0];
	v3 =	vmax.f32 v1, v2;
	v1 =	vimm.f32 $-3.402823470e+38;
	v2 =	vimm.f32 $-3.402823470e+38  }
.LBB2_5:
0x122: {  	p1 =	sne.s32 s25, $0x5000;
	v4 =	vld [tilespmem:s24+$0x8130];
	v3 =	vmax.f32 v3, v46  }
0x123: {  	v11 =	vld [tilespmem:s24+$0x8170];
	v3 =	vmax.f32 v3, v54  }
0x124: {  	v12 =	vld [tilespmem:s24+$0x81B0];
	v3 =	vmax.f32 v3, v50  }
0x125: {  	v13 =	vld [tilespmem:s24+$0x81F0];
	v3 =	vmax.f32 v3, v47  }
0x126: {  	v18 =	vld [tilespmem:s24+$0x8230];
	v3 =	vmax.f32 v3, v41  }
0x127: {  	v16 =	vmax.f32 v56, v16;
	v1 =	vmax.f32 v1, v17;
	v2 =	vmax.f32 v2, v4;
	v4 =	vld [tilespmem:s24+$0x8270]  }
0x128: {  	v14 =	vmax.f32 v16, v14;
	v1 =	vmax.f32 v1, v15;
	v2 =	vmax.f32 v2, v11;
	v11 =	vld [tilespmem:s24+$0x82B0]  }
0x129: {  	v8 =	vmax.f32 v14, v8;
	v1 =	vmax.f32 v1, v9;
	v2 =	vmax.f32 v2, v12;
	v9 =	vld [tilespmem:s24+$0x82F0]  }
0x12a: {  	v8 =	vmax.f32 v8, v60;
	v1 =	vmax.f32 v1, v10;
	v2 =	vmax.f32 v2, v13;
	v10 =	vld [tilespmem:s24+$0x8330]  }
0x12b: {  	v8 =	vmax.f32 v8, v62;
	v1 =	vmax.f32 v1, v7;
	v2 =	vmax.f32 v2, v18;
	v7 =	vld [tilespmem:s24+$0x8370]  }
0x12c: {  	v5 =	vmax.f32 v8, v5;
	v1 =	vmax.f32 v1, v6;
	v2 =	vmax.f32 v2, v4;
	v4 =	vld [tilespmem:s24+$0x83B0]  }
0x12d: {  	v0 =	vmax.f32 v5, v0;
	v1 =	vmax.f32 v1, v63;
	v2 =	vmax.f32 v2, v11;
	v5 =	vld [tilespmem:s24+$0x83F0]  }
0x12e: {  	v0 =	vmax.f32 v0, v59;
	v1 =	vmax.f32 v1, v61;
	v2 =	vmax.f32 v2, v9;
	v6 =	vld [tilespmem:s24+$0x8430]  }
0x12f: {  	v0 =	vmax.f32 v0, v53;
	v1 =	vmax.f32 v1, v55;
	v2 =	vmax.f32 v2, v10;
	v8 =	vld [tilespmem:s24+$0x8470]  }
0x130: {  	v0 =	vmax.f32 v0, v49;
	v1 =	vmax.f32 v1, v51;
	v2 =	vmax.f32 v2, v7;
	v7 =	vld [tilespmem:s24+$0x84B0]  }
0x131: {  	v0 =	vmax.f32 v0, v43;
	v1 =	vmax.f32 v1, v45;
	v2 =	vmax.f32 v2, v4;
	v4 =	vld [tilespmem:s24+$0x84F0]  }
0x132: {  	v0 =	vmax.f32 v0, v39;
	v1 =	vmax.f32 v1, v37;
	v2 =	vmax.f32 v2, v5;
	v5 =	vld [tilespmem:s24+$0x8530]  }
0x133: {  	v0 =	vmax.f32 v0, v33;
	v1 =	vmax.f32 v1, v35;
	v2 =	vmax.f32 v2, v6;
	v6 =	vld [tilespmem:s24+$0x8570]  }
0x134: {  	v0 =	vmax.f32 v0, v31;
	v1 =	vmax.f32 v1, v29;
	v2 =	vmax.f32 v2, v8;
	v8 =	vld [tilespmem:s24+$0x85B0]  }
0x135: {  	v0 =	vmax.f32 v0, v25;
	v1 =	vmax.f32 v1, v27;
	v2 =	vmax.f32 v2, v7;
	v7 =	vld [tilespmem:s24+$0x85F0];
	s24 =	sshra.s32 s25, $0x2  }
0x136: {  	v0 =	vmax.f32 v0, v23;
	v1 =	vmax.f32 v1, v21;
	v41 =	vld [tilespmem:s24+$0x85C0];
	v2 =	vmax.f32 v2, v4  }
0x137: {  	v0 =	vmax.f32 v0, v30;
	v1 =	vmax.f32 v1, v32;
	v4 =	vld [tilespmem:s24+$0x85D0];
	v2 =	vmax.f32 v2, v5  }
0x138: {  	v0 =	vmax.f32 v0, v26;
	v1 =	vmax.f32 v1, v28;
	v5 =	vld [tilespmem:s24+$0x85E0];
	v2 =	vmax.f32 v2, v6  }
0x139: {  	v0 =	vmax.f32 v0, v22;
	v1 =	vmax.f32 v1, v24;
	v47 =	vld [tilespmem:s24+$0x8580];
	v2 =	vmax.f32 v2, v8  }
0x13a: {  	v56 =	vmax.f32 v0, v19;
	v1 =	vmax.f32 v1, v20;
	v22 =	vld [tilespmem:s24+$0x8590];
	v2 =	vmax.f32 v2, v7  }
0x13b: {  	v24 =	vld [tilespmem:s24+$0x85A0]  }
0x13c: {  	v50 =	vld [tilespmem:s24+$0x8540];
	v19 =	vmov v4  }
0x13d: {  	v26 =	vld [tilespmem:s24+$0x8550];
	v20 =	vmov v5  }
0x13e: {  	v28 =	vld [tilespmem:s24+$0x8560]  }
0x13f: {  	v54 =	vld [tilespmem:s24+$0x8500]  }
0x140: {  	v30 =	vld [tilespmem:s24+$0x8510]  }
0x141: {  	v32 =	vld [tilespmem:s24+$0x8520]  }
0x142: {  	v46 =	vld [tilespmem:s24+$0x84C0]  }
0x143: {  	v23 =	vld [tilespmem:s24+$0x84D0]  }
0x144: {  	v21 =	vld [tilespmem:s24+$0x84E0]  }
0x145: {  	v4 =	vld [tilespmem:s24+$0x8480]  }
0x146: {  	v25 =	vld [tilespmem:s24+$0x8490]  }
0x147: {  	v27 =	vld [tilespmem:s24+$0x84A0]  }
0x148: {  	v11 =	vld [tilespmem:s24+$0x8440]  }
0x149: {  	v31 =	vld [tilespmem:s24+$0x8450]  }
0x14a: {  	v29 =	vld [tilespmem:s24+$0x8460]  }
0x14b: {  	v12 =	vld [tilespmem:s24+$0x8400]  }
0x14c: {  	v33 =	vld [tilespmem:s24+$0x8410]  }
0x14d: {  	v35 =	vld [tilespmem:s24+$0x8420]  }
0x14e: {  	v13 =	vld [tilespmem:s24+$0x83C0]  }
0x14f: {  	v39 =	vld [tilespmem:s24+$0x83D0]  }
0x150: {  	v37 =	vld [tilespmem:s24+$0x83E0]  }
0x151: {  	v14 =	vld [tilespmem:s24+$0x8380]  }
0x152: {  	v43 =	vld [tilespmem:s24+$0x8390]  }
0x153: {  	v45 =	vld [tilespmem:s24+$0x83A0]  }
0x154: {  	v9 =	vld [tilespmem:s24+$0x8340]  }
0x155: {  	v49 =	vld [tilespmem:s24+$0x8350]  }
0x156: {  	v51 =	vld [tilespmem:s24+$0x8360]  }
0x157: {  	v8 =	vld [tilespmem:s24+$0x8300]  }
0x158: {  	v53 =	vld [tilespmem:s24+$0x8310]  }
0x159: {  	v55 =	vld [tilespmem:s24+$0x8320]  }
0x15a: {  	v10 =	vld [tilespmem:s24+$0x82C0]  }
0x15b: {  	v59 =	vld [tilespmem:s24+$0x82D0]  }
0x15c: {  	v61 =	vld [tilespmem:s24+$0x82E0]  }
0x15d: {  	v15 =	vld [tilespmem:s24+$0x8280]  }
0x15e: {  	v0 =	vld [tilespmem:s24+$0x8100]  }
0x15f: {  	v5 =	vld [tilespmem:s24+$0x8140]  }
0x160: {  	v6 =	vld [tilespmem:s24+$0x8180]  }
0x161: {  	v7 =	vld [tilespmem:s24+$0x81C0]  }
0x162: {  	v16 =	vld [tilespmem:s24+$0x8200]  }
0x163: {  	v0 =	vmax.f32 v3, v0;
	v3 =	vld [tilespmem:s24+$0x8240]  }
0x164: {  	v5 =	vmax.f32 v0, v5;
	v0 =	vld [tilespmem:s24+$0x8290]  }
0x165: {  	v5 =	vmax.f32 v5, v6;
	v63 =	vld [tilespmem:s24+$0x82A0]  }
0x166: {  	v6 =	vmax.f32 v5, v7;
	v5 =	vld [tilespmem:s24+$0x8250]  }
0x167: {  	v7 =	vmax.f32 v6, v16;
	v6 =	vld [tilespmem:s24+$0x8260]  }
0x168: {  	v62 =	vld [tilespmem:s24+$0x8210];
	v3 =	vmax.f32 v7, v3  }
0x169: {  	v7 =	vld [tilespmem:s24+$0x8220];
	v3 =	vmax.f32 v3, v15  }
0x16a: {  	v60 =	vld [tilespmem:s24+$0x81D0];
	v3 =	vmax.f32 v3, v10  }
0x16b: {  	v10 =	vld [tilespmem:s24+$0x81E0];
	v3 =	vmax.f32 v3, v8  }
0x16c: {  	v8 =	vld [tilespmem:s24+$0x8190];
	v3 =	vmax.f32 v3, v9  }
.Ltmp1:
0x16d: {  	v9 =	vld [tilespmem:s24+$0x81A0];
	v3 =	vmax.f32 v3, v14;
	(pc) =	sbr.rel @p1 .LBB2_5-.Ltmp1, $4  }
0x16e: {  	v14 =	vld [tilespmem:s24+$0x8150];
	v3 =	vmax.f32 v3, v13  }
0x16f: {  	v15 =	vld [tilespmem:s24+$0x8160];
	v3 =	vmax.f32 v3, v12  }
0x170: {  	v16 =	vld [tilespmem:s24+$0x8110];
	v3 =	vmax.f32 v3, v11  }
0x171: {  	s25 =	sadd.s32 $0x1400, s25;
	v17 =	vld [tilespmem:s24+$0x8120];
	v3 =	vmax.f32 v3, v4  }
0x172: {  	v11 =	vld [tilespmem:s24+$0x8270];
	_ =	sdelay $0x4  }
0x173: {  	[tilespmem:$0x1FBA0] =	vst v11;
	v11 =	vld [tilespmem:s24+$0x82B0];
	_ =	sdelay $0x4  }
0x174: {  	[tilespmem:$0x1FBB0] =	vst v11;
	v11 =	vld [tilespmem:s24+$0x82F0];
	_ =	sdelay $0x4  }
0x175: {  	[tilespmem:$0x1FBC0] =	vst v11;
	v11 =	vld [tilespmem:s24+$0x8330];
	_ =	sdelay $0x4  }
0x176: {  	[tilespmem:$0x1FBD0] =	vst v11;
	v11 =	vld [tilespmem:s24+$0x8370];
	_ =	sdelay $0x4  }
0x177: {  	[tilespmem:$0x1FBE0] =	vst v11;
	v11 =	vld [tilespmem:s24+$0x83B0];
	_ =	sdelay $0x4  }
0x178: {  	[tilespmem:$0x1FBF0] =	vst v11;
	v11 =	vld [tilespmem:s24+$0x83F0];
	_ =	sdelay $0x4  }
0x179: {  	[tilespmem:$0x1FC00] =	vst v11;
	v11 =	vld [tilespmem:s24+$0x8430];
	_ =	sdelay $0x4  }
0x17a: {  	[tilespmem:$0x1FC20] =	vst v11;
	v11 =	vld [tilespmem:s24+$0x8470];
	_ =	sdelay $0x4  }
0x17b: {  	[tilespmem:$0x1FC50] =	vst v11;
	v11 =	vld [tilespmem:s24+$0x84B0];
	_ =	sdelay $0x4  }
0x17c: {  	[tilespmem:$0x1FC80] =	vst v11;
	v11 =	vld [tilespmem:s24+$0x84F0];
	_ =	sdelay $0x4  }
0x17d: {  	[tilespmem:$0x1FCA0] =	vst v11;
	v11 =	vld [tilespmem:s24+$0x8530];
	_ =	sdelay $0x4  }
0x17e: {  	[tilespmem:$0x1FCB0] =	vst v11;
	v11 =	vld [tilespmem:s24+$0x8570];
	_ =	sdelay $0x4  }
0x17f: {  	[tilespmem:$0x1FCD0] =	vst v11;
	v11 =	vld [tilespmem:s24+$0x85B0];
	_ =	sdelay $0x3  }
0x180: {  	v18 =	vld [tilespmem:s24+$0x8130]  }
0x181: {  	[tilespmem:$0x1FD00] =	vst v11;
	v11 =	vld [tilespmem:s24+$0x85F0]  }
0x182: {  	[tilespmem:$0x1FE70] =	vst v19;
	v19 =	vld [tilespmem:s24+$0x8170]  }
0x183: {  	[tilespmem:$0x1FED0] =	vst v20;
	v20 =	vld [tilespmem:s24+$0x81B0]  }
0x184: {  	v4 =	vld [tilespmem:s24+$0x81F0];
	s25 =	sadd.s32 @!p0 $0x208, s23;
	s26 =	simm.s32 @!p0 $0x64;
	s28 =	simm.s32 @!p0 $0x8100  }
0x185: {  	v12 =	vld [tilespmem:s24+$0x8230];
	[tilespmem:s28], [sflag:$0x2] =	stream.indirect.gather @!p0 [hbm4b:s3+s26], $0x40, s25, s26, $0xb8  }
0x186: {  	[tilespmem:$0x1FD40] =	vst v11  }
0x187: {  	_ =	swait.ge [sflag:s18], $0x1900  }
0x188: {  	[sflag:s18] =	ssyncset.done $0x0  }
0x189: {  	s24 =	simm.s32 $0x0;
	[sflag:s18] =	ssyncadd.s32 $0xFFFFE700  }
0x18a: {  	v11 =	vld [tilespmem:s24+$0x9ED0];
	_ =	sdelay $0x2  }
0x18b: {  	v3 =	vmax.f32 v3, v46  }
0x18c: {  	v3 =	vmax.f32 v3, v54  }
0x18d: {  	v3 =	vmax.f32 v3, v50;
	[tilespmem:$0x1FC90] =	vst v11;
	v11 =	vld [tilespmem:s24+$0x9EE0]  }
0x18e: {  	v3 =	vmax.f32 v3, v47  }
0x18f: {  	v3 =	vmax.f32 v3, v41;
	v1 =	vmax.f32 v1, v17  }
0x190: {  	v2 =	vmax.f32 v2, v18;
	v1 =	vmax.f32 v1, v15;
	[tilespmem:$0x1FB90] =	vst v3;
	v3 =	vmax.f32 v56, v16  }
0x191: {  	v2 =	vmax.f32 v2, v19;
	v1 =	vmax.f32 v1, v9;
	v3 =	vmax.f32 v3, v14  }
0x192: {  	v2 =	vmax.f32 v2, v20;
	v1 =	vmax.f32 v1, v10;
	v3 =	vmax.f32 v3, v8;
	[tilespmem:$0x1FC60] =	vst v11;
	v11 =	vld [tilespmem:s24+$0x9E90]  }
0x193: {  	v2 =	vmax.f32 v2, v4;
	v1 =	vmax.f32 v1, v7;
	v4 =	vld [tilespmem:$0x1FBA0];
	v3 =	vmax.f32 v3, v60  }
0x194: {  	v1 =	vmax.f32 v1, v6;
	v6 =	vld [tilespmem:$0x1FBD0];
	v3 =	vmax.f32 v3, v62  }
0x195: {  	v7 =	vld [tilespmem:$0x1FBE0];
	v3 =	vmax.f32 v3, v5  }
0x196: {  	v0 =	vmax.f32 v3, v0;
	v3 =	vld [tilespmem:$0x1FBB0]  }
0x197: {  	[tilespmem:$0x1FC70] =	vst v11;
	v11 =	vld [tilespmem:s24+$0x9EA0]  }
0x198: {  	v5 =	vld [tilespmem:$0x1FBC0]  }
0x199: {  	v2 =	vmax.f32 v2, v12;
	v9 =	vld [tilespmem:$0x1FBF0]  }
0x19a: {  	v10 =	vld [tilespmem:$0x1FC00];
	v2 =	vmax.f32 v2, v4  }
0x19b: {  	v2 =	vmax.f32 v2, v3;
	v3 =	vld [tilespmem:s24+$0x9A00]  }
0x19c: {  	[tilespmem:$0x1FC40] =	vst v11;
	v11 =	vld [tilespmem:s24+$0x9E50]  }
0x19d: {  	v2 =	vmax.f32 v2, v5;
	v5 =	vld [tilespmem:s24+$0x9A40]  }
0x19e: {  	v2 =	vmax.f32 v2, v6;
	v6 =	vld [tilespmem:s24+$0x9A80]  }
0x19f: {  	v1 =	vmax.f32 v1, v63;
	v2 =	vmax.f32 v2, v7;
	v7 =	vld [tilespmem:s24+$0x9AC0]  }
0x1a0: {  	v1 =	vmax.f32 v1, v61;
	v61 =	vimm.f32 $-3.402823470e+38;
	v8 =	vld [tilespmem:s24+$0x9B00]  }
0x1a1: {  	v3 =	vmax.f32 v61, v3;
	[tilespmem:$0x1FC30] =	vst v11;
	v11 =	vld [tilespmem:s24+$0x9E60]  }
0x1a2: {  	v2 =	vmax.f32 v2, v9;
	v9 =	vld [tilespmem:s24+$0x9B40];
	v3 =	vmax.f32 v3, v5  }
0x1a3: {  	v5 =	vmax.f32 v3, v6;
	v6 =	vld [tilespmem:$0x1FC20]  }
0x1a4: {  	v5 =	vmax.f32 v5, v7;
	v7 =	vld [tilespmem:$0x1FC50]  }
0x1a5: {  	v4 =	vld [tilespmem:s24+$0x9B80]  }
0x1a6: {  	[tilespmem:$0x1FC10] =	vst v11;
	v11 =	vld [tilespmem:s24+$0x9E20]  }
0x1a7: {  	v10 =	vmax.f32 v2, v10  }
0x1a8: {  	v1 =	vmax.f32 v1, v55;
	v5 =	vmax.f32 v5, v8;
	v10 =	vmax.f32 v10, v6  }
0x1a9: {  	v1 =	vmax.f32 v1, v51;
	v5 =	vmax.f32 v5, v9;
	v7 =	vmax.f32 v10, v7;
	v10 =	vld [tilespmem:$0x1FC80]  }
0x1aa: {  	v1 =	vmax.f32 v1, v45;
	v4 =	vmax.f32 v5, v4;
	v5 =	vld [tilespmem:$0x1FCA0]  }
0x1ab: {  	v1 =	vmax.f32 v1, v37;
	v0 =	vmax.f32 v0, v59;
	v37 =	vmov v11;
	v11 =	vld [tilespmem:$0x1FCB0]  }
0x1ac: {  	v0 =	vmax.f32 v0, v53  }
0x1ad: {  	v0 =	vmax.f32 v0, v49  }
0x1ae: {  	[tilespmem:$0x1FE40] =	vst v30;
	v54 =	vld [tilespmem:s24+$0x9C40];
	v0 =	vmax.f32 v0, v43;
	v10 =	vmax.f32 v7, v10  }
0x1af: {  	[tilespmem:$0x1FE60] =	vst v26;
	v0 =	vmax.f32 v0, v39;
	v5 =	vmax.f32 v10, v5;
	v10 =	vld [tilespmem:$0x1FE40]  }
0x1b0: {  	v0 =	vmax.f32 v0, v33;
	v5 =	vmax.f32 v5, v11;
	v11 =	vld [tilespmem:$0x1FE60]  }
0x1b1: {  	v0 =	vmax.f32 v0, v31  }
0x1b2: {  	v0 =	vmax.f32 v0, v25  }
0x1b3: {  	v14 =	vld [tilespmem:s24+$0x9BC0];
	v0 =	vmax.f32 v0, v23  }
0x1b4: {  	v41 =	vld [tilespmem:s24+$0x9C00];
	[tilespmem:$0x1FCC0] =	vst v54;
	v0 =	vmax.f32 v0, v10  }
0x1b5: {  	v0 =	vmax.f32 v0, v11;
	v11 =	vld [tilespmem:$0x1FCC0];
	_ =	sdelay $0x2  }
0x1b6: {  	[tilespmem:$0x1FEE0] =	vst v32;
	v44 =	vld [tilespmem:s24+$0x9D00];
	v4 =	vmax.f32 v4, v14  }
0x1b7: {  	[tilespmem:$0x1FE80] =	vst v28;
	v4 =	vmax.f32 v4, v41;
	v10 =	vld [tilespmem:$0x1FEE0]  }
0x1b8: {  	v1 =	vmax.f32 v1, v35;
	v4 =	vmax.f32 v4, v11;
	v11 =	vld [tilespmem:$0x1FE80]  }
0x1b9: {  	v1 =	vmax.f32 v1, v29  }
0x1ba: {  	v1 =	vmax.f32 v1, v27  }
0x1bb: {  	v1 =	vmax.f32 v1, v21  }
0x1bc: {  	[tilespmem:$0x1FD20] =	vst v44;
	v44 =	vld [tilespmem:s24+$0x9C80];
	v1 =	vmax.f32 v1, v10  }
0x1bd: {  	v1 =	vmax.f32 v1, v11;
	v11 =	vld [tilespmem:$0x1FCD0];
	_ =	sdelay $0x3  }
0x1be: {  	[tilespmem:$0x1FCE0] =	vst v44  }
0x1bf: {  	v5 =	vmax.f32 v5, v11;
	v11 =	vld [tilespmem:$0x1FCE0];
	_ =	sdelay $0x1  }
0x1c0: {  	v42 =	vld [tilespmem:s24+$0x9EC0]  }
0x1c1: {  	v48 =	vld [tilespmem:s24+$0x9E80]  }
0x1c2: {  	[tilespmem:$0x1FEB0] =	vst v22;
	v52 =	vld [tilespmem:s24+$0x9E40]  }
0x1c3: {  	v4 =	vmax.f32 v4, v11;
	v11 =	vld [tilespmem:$0x1FEB0]  }
0x1c4: {  	v57 =	vld [tilespmem:s24+$0x9E00]  }
0x1c5: {  	v13 =	vld [tilespmem:s24+$0x9E10]  }
0x1c6: {  	v58 =	vld [tilespmem:s24+$0x9DC0]  }
0x1c7: {  	[tilespmem:$0x1FEA0] =	vst v24;
	v38 =	vld [tilespmem:s24+$0x9CC0]  }
0x1c8: {  	v0 =	vmax.f32 v0, v11;
	v11 =	vld [tilespmem:$0x1FEA0]  }
0x1c9: {  	v24 =	vld [tilespmem:s24+$0x9DD0]  }
0x1ca: {  	v22 =	vld [tilespmem:s24+$0x9DE0]  }
0x1cb: {  	v34 =	vld [tilespmem:s24+$0x9D80]  }
0x1cc: {  	v26 =	vld [tilespmem:s24+$0x9D90];
	[tilespmem:$0x1FCF0] =	vst v38  }
0x1cd: {  	v1 =	vmax.f32 v1, v11;
	v11 =	vld [tilespmem:$0x1FCF0]  }
0x1ce: {  	v28 =	vld [tilespmem:s24+$0x9DA0]  }
0x1cf: {  	v40 =	vld [tilespmem:s24+$0x9D40]  }
0x1d0: {  	v32 =	vld [tilespmem:s24+$0x9D50]  }
0x1d1: {  	v30 =	vld [tilespmem:s24+$0x9D60]  }
0x1d2: {  	v4 =	vmax.f32 v4, v11;
	v11 =	vld [tilespmem:$0x1FD00]  }
0x1d3: {  	v36 =	vld [tilespmem:s24+$0x9D20]  }
0x1d4: {  	v46 =	vld [tilespmem:s24+$0x9CA0]  }
0x1d5: {  	v50 =	vld [tilespmem:s24+$0x9C50]  }
0x1d6: {  	v47 =	vld [tilespmem:s24+$0x9C60]  }
0x1d7: {  	v5 =	vmax.f32 v5, v11;
	v11 =	vld [tilespmem:$0x1FE70]  }
0x1d8: {  	v56 =	vld [tilespmem:s24+$0x9C20]  }
0x1d9: {  	v12 =	vld [tilespmem:s24+$0x9A90]  }
0x1da: {  	v15 =	vld [tilespmem:s24+$0x9AA0]  }
0x1db: {  	v16 =	vld [tilespmem:s24+$0x9A50]  }
0x1dc: {  	v18 =	vld [tilespmem:s24+$0x9A60];
	v0 =	vmax.f32 v0, v11  }
0x1dd: {  	[tilespmem:$0x1FD10] =	vst v0;
	v0 =	vld [tilespmem:$0x1FD20]  }
0x1de: {  	v20 =	vld [tilespmem:s24+$0x9A10]  }
0x1df: {  	v60 =	vld [tilespmem:s24+$0x9BD0]  }
0x1e0: {  	v62 =	vld [tilespmem:s24+$0x9BE0]  }
0x1e1: {  	[tilespmem:$0x1FD70] =	vst v34;
	v34 =	vld [tilespmem:s24+$0x9D10]  }
0x1e2: {  	v0 =	vmax.f32 v4, v0;
	v4 =	vld [tilespmem:$0x1FED0]  }
0x1e3: {  	[tilespmem:$0x1FD60] =	vst v40;
	v40 =	vld [tilespmem:s24+$0x9CD0]  }
0x1e4: {  	v38 =	vld [tilespmem:s24+$0x9CE0]  }
0x1e5: {  	v54 =	vld [tilespmem:s24+$0x9C10]  }
0x1e6: {  	v21 =	vld [tilespmem:$0x1FC90]  }
0x1e7: {  	v44 =	vld [tilespmem:s24+$0x9C90];
	v1 =	vmax.f32 v1, v4  }
0x1e8: {  	[tilespmem:$0x1FD30] =	vst v1;
	v1 =	vld [tilespmem:$0x1FD40]  }
0x1e9: {  	v25 =	vld [tilespmem:$0x1FC60]  }
0x1ea: {  	v23 =	vld [tilespmem:s24+$0x9AD0]  }
0x1eb: {  	v2 =	vld [tilespmem:s24+$0x9B90]  }
0x1ec: {  	v3 =	vld [tilespmem:s24+$0x9BA0]  }
0x1ed: {  	v27 =	vld [tilespmem:$0x1FC70];
	v1 =	vmax.f32 v5, v1  }
0x1ee: {  	[tilespmem:$0x1FD50] =	vst v1;
	v1 =	vld [tilespmem:$0x1FD60]  }
0x1ef: {  	v8 =	vld [tilespmem:s24+$0x9B60]  }
0x1f0: {  	v9 =	vld [tilespmem:s24+$0x9B10]  }
0x1f1: {  	v6 =	vld [tilespmem:s24+$0x9B50]  }
0x1f2: {  	v29 =	vld [tilespmem:$0x1FC40]  }
0x1f3: {  	v0 =	vmax.f32 v0, v1;
	v1 =	vld [tilespmem:$0x1FD70]  }
0x1f4: {  	v31 =	vld [tilespmem:$0x1FC30]  }
0x1f5: {  	v7 =	vld [tilespmem:s24+$0x9B20]  }
0x1f6: {  	v33 =	vld [tilespmem:$0x1FC10]  }
0x1f7: {  	v10 =	vld [tilespmem:s24+$0x9AE0]  }
0x1f8: {  	s25 =	simm.s32 $0x1400;
	v35 =	vmovc v13;
	v11 =	vld [tilespmem:s24+$0x9A20];
	v4 =	vimm.f32 $-3.402823470e+38;
	v5 =	vimm.f32 $-3.402823470e+38;
	v55 =	vmax.f32 v0, v1  }
.LBB2_7:
0x1f9: {  	p1 =	sne.s32 s25, $0x5000;
	v1 =	vld [tilespmem:s24+$0x9A30];
	v0 =	vmax.f32 v55, v58  }
0x1fa: {  	v13 =	vld [tilespmem:s24+$0x9A70];
	v0 =	vmax.f32 v0, v57  }
0x1fb: {  	v14 =	vld [tilespmem:s24+$0x9AB0];
	v0 =	vmax.f32 v0, v52  }
0x1fc: {  	v17 =	vld [tilespmem:s24+$0x9AF0];
	v0 =	vmax.f32 v0, v48  }
0x1fd: {  	v19 =	vld [tilespmem:s24+$0x9B30];
	v0 =	vmax.f32 v0, v42  }
0x1fe: {  	v20 =	vmax.f32 v61, v20;
	v4 =	vmax.f32 v4, v11;
	v1 =	vmax.f32 v5, v1;
	v5 =	vld [tilespmem:s24+$0x9B70]  }
0x1ff: {  	v11 =	vmax.f32 v20, v16;
	v4 =	vmax.f32 v4, v18;
	v1 =	vmax.f32 v1, v13;
	v13 =	vld [tilespmem:s24+$0x9BB0]  }
0x200: {  	v11 =	vmax.f32 v11, v12;
	v4 =	vmax.f32 v4, v15;
	v1 =	vmax.f32 v1, v14;
	v12 =	vld [tilespmem:s24+$0x9BF0]  }
0x201: {  	v11 =	vmax.f32 v11, v23;
	v4 =	vmax.f32 v4, v10;
	v1 =	vmax.f32 v1, v17;
	v10 =	vld [tilespmem:s24+$0x9C30]  }
0x202: {  	v9 =	vmax.f32 v11, v9;
	v4 =	vmax.f32 v4, v7;
	v1 =	vmax.f32 v1, v19;
	v7 =	vld [tilespmem:s24+$0x9C70]  }
0x203: {  	v6 =	vmax.f32 v9, v6;
	v4 =	vmax.f32 v4, v8;
	v1 =	vmax.f32 v1, v5;
	v5 =	vld [tilespmem:s24+$0x9CB0]  }
0x204: {  	v2 =	vmax.f32 v6, v2;
	v3 =	vmax.f32 v4, v3;
	v1 =	vmax.f32 v1, v13;
	v4 =	vld [tilespmem:s24+$0x9CF0]  }
0x205: {  	v2 =	vmax.f32 v2, v60;
	v3 =	vmax.f32 v3, v62;
	v1 =	vmax.f32 v1, v12;
	v6 =	vld [tilespmem:s24+$0x9D30]  }
0x206: {  	v2 =	vmax.f32 v2, v54;
	v3 =	vmax.f32 v3, v56;
	v1 =	vmax.f32 v1, v10;
	v8 =	vld [tilespmem:s24+$0x9D70]  }
0x207: {  	v2 =	vmax.f32 v2, v50;
	v3 =	vmax.f32 v3, v47;
	v1 =	vmax.f32 v1, v7;
	v7 =	vld [tilespmem:s24+$0x9DB0]  }
0x208: {  	v2 =	vmax.f32 v2, v44;
	v3 =	vmax.f32 v3, v46;
	v1 =	vmax.f32 v1, v5;
	v5 =	vld [tilespmem:s24+$0x9DF0]  }
0x209: {  	v2 =	vmax.f32 v2, v40;
	v3 =	vmax.f32 v3, v38;
	v1 =	vmax.f32 v1, v4;
	v4 =	vld [tilespmem:s24+$0x9E30]  }
0x20a: {  	v2 =	vmax.f32 v2, v34;
	v3 =	vmax.f32 v3, v36;
	v1 =	vmax.f32 v1, v6;
	v6 =	vld [tilespmem:s24+$0x9E70]  }
0x20b: {  	v2 =	vmax.f32 v2, v32;
	v3 =	vmax.f32 v3, v30;
	v1 =	vmax.f32 v1, v8;
	v8 =	vld [tilespmem:s24+$0x9EB0]  }
0x20c: {  	v2 =	vmax.f32 v2, v26;
	v3 =	vmax.f32 v3, v28;
	v1 =	vmax.f32 v1, v7;
	v7 =	vld [tilespmem:s24+$0x9EF0];
	s24 =	sshra.s32 s25, $0x2  }
0x20d: {  	v2 =	vmax.f32 v2, v24;
	v3 =	vmax.f32 v3, v22;
	v42 =	vld [tilespmem:s24+$0x9EC0];
	v1 =	vmax.f32 v1, v5  }
0x20e: {  	v2 =	vmax.f32 v2, v35;
	v3 =	vmax.f32 v3, v37;
	v9 =	vld [tilespmem:s24+$0x9ED0];
	v1 =	vmax.f32 v1, v4  }
0x20f: {  	v2 =	vmax.f32 v2, v31;
	v3 =	vmax.f32 v3, v33;
	v10 =	vld [tilespmem:s24+$0x9EE0];
	v1 =	vmax.f32 v1, v6  }
0x210: {  	v2 =	vmax.f32 v2, v27;
	v3 =	vmax.f32 v3, v29;
	v48 =	vld [tilespmem:s24+$0x9E80];
	v1 =	vmax.f32 v1, v8  }
0x211: {  	v61 =	vmax.f32 v2, v21;
	v4 =	vmax.f32 v3, v25;
	v27 =	vld [tilespmem:s24+$0x9E90];
	v5 =	vmax.f32 v1, v7  }
0x212: {  	v29 =	vld [tilespmem:s24+$0x9EA0]  }
0x213: {  	v52 =	vld [tilespmem:s24+$0x9E40];
	v21 =	vmov v9  }
0x214: {  	v31 =	vld [tilespmem:s24+$0x9E50];
	v25 =	vmov v10  }
0x215: {  	v33 =	vld [tilespmem:s24+$0x9E60]  }
0x216: {  	v57 =	vld [tilespmem:s24+$0x9E00]  }
0x217: {  	v35 =	vld [tilespmem:s24+$0x9E10]  }
0x218: {  	v37 =	vld [tilespmem:s24+$0x9E20]  }
0x219: {  	v58 =	vld [tilespmem:s24+$0x9DC0]  }
0x21a: {  	v24 =	vld [tilespmem:s24+$0x9DD0]  }
0x21b: {  	v22 =	vld [tilespmem:s24+$0x9DE0]  }
0x21c: {  	v1 =	vld [tilespmem:s24+$0x9D80]  }
0x21d: {  	v26 =	vld [tilespmem:s24+$0x9D90]  }
0x21e: {  	v28 =	vld [tilespmem:s24+$0x9DA0]  }
0x21f: {  	v11 =	vld [tilespmem:s24+$0x9D40]  }
0x220: {  	v32 =	vld [tilespmem:s24+$0x9D50]  }
0x221: {  	v30 =	vld [tilespmem:s24+$0x9D60]  }
0x222: {  	v13 =	vld [tilespmem:s24+$0x9D00]  }
0x223: {  	v34 =	vld [tilespmem:s24+$0x9D10]  }
0x224: {  	v36 =	vld [tilespmem:s24+$0x9D20]  }
0x225: {  	v14 =	vld [tilespmem:s24+$0x9CC0]  }
0x226: {  	v40 =	vld [tilespmem:s24+$0x9CD0]  }
0x227: {  	v38 =	vld [tilespmem:s24+$0x9CE0]  }
0x228: {  	v16 =	vld [tilespmem:s24+$0x9C80]  }
0x229: {  	v44 =	vld [tilespmem:s24+$0x9C90]  }
0x22a: {  	v46 =	vld [tilespmem:s24+$0x9CA0]  }
0x22b: {  	v15 =	vld [tilespmem:s24+$0x9C40]  }
0x22c: {  	v50 =	vld [tilespmem:s24+$0x9C50]  }
0x22d: {  	v47 =	vld [tilespmem:s24+$0x9C60]  }
0x22e: {  	v12 =	vld [tilespmem:s24+$0x9C00]  }
0x22f: {  	v54 =	vld [tilespmem:s24+$0x9C10]  }
0x230: {  	v56 =	vld [tilespmem:s24+$0x9C20]  }
0x231: {  	v10 =	vld [tilespmem:s24+$0x9BC0]  }
0x232: {  	v60 =	vld [tilespmem:s24+$0x9BD0]  }
0x233: {  	v62 =	vld [tilespmem:s24+$0x9BE0]  }
0x234: {  	v17 =	vld [tilespmem:s24+$0x9B80]  }
0x235: {  	v2 =	vld [tilespmem:s24+$0x9A00]  }
0x236: {  	v3 =	vld [tilespmem:s24+$0x9A40]  }
0x237: {  	v6 =	vld [tilespmem:s24+$0x9A80]  }
0x238: {  	v7 =	vld [tilespmem:s24+$0x9AC0]  }
0x239: {  	v8 =	vld [tilespmem:s24+$0x9B00]  }
0x23a: {  	v0 =	vmax.f32 v0, v2;
	v18 =	vld [tilespmem:s24+$0x9B40]  }
0x23b: {  	v0 =	vmax.f32 v0, v3;
	v2 =	vld [tilespmem:s24+$0x9B90]  }
0x23c: {  	v0 =	vmax.f32 v0, v6;
	v3 =	vld [tilespmem:s24+$0x9BA0]  }
0x23d: {  	v0 =	vmax.f32 v0, v7;
	v6 =	vld [tilespmem:s24+$0x9B50]  }
0x23e: {  	v0 =	vmax.f32 v0, v8;
	v8 =	vld [tilespmem:s24+$0x9B60]  }
0x23f: {  	v9 =	vld [tilespmem:s24+$0x9B10];
	v0 =	vmax.f32 v0, v18  }
0x240: {  	v7 =	vld [tilespmem:s24+$0x9B20];
	v0 =	vmax.f32 v0, v17  }
0x241: {  	v23 =	vld [tilespmem:s24+$0x9AD0];
	v0 =	vmax.f32 v0, v10  }
0x242: {  	v10 =	vld [tilespmem:s24+$0x9AE0];
	v0 =	vmax.f32 v0, v12  }
0x243: {  	v12 =	vld [tilespmem:s24+$0x9A90];
	v0 =	vmax.f32 v0, v15  }
.Ltmp2:
0x244: {  	v15 =	vld [tilespmem:s24+$0x9AA0];
	v0 =	vmax.f32 v0, v16;
	(pc) =	sbr.rel @p1 .LBB2_7-.Ltmp2, $4  }
0x245: {  	v16 =	vld [tilespmem:s24+$0x9A50];
	v0 =	vmax.f32 v0, v14  }
0x246: {  	v18 =	vld [tilespmem:s24+$0x9A60];
	v0 =	vmax.f32 v0, v13  }
0x247: {  	v20 =	vld [tilespmem:s24+$0x9A10];
	v0 =	vmax.f32 v0, v11  }
0x248: {  	s25 =	sadd.s32 $0x1400, s25;
	v11 =	vld [tilespmem:s24+$0x9A20];
	v55 =	vmax.f32 v0, v1  }
0x249: {  	v0 =	vld [tilespmem:s24+$0x9A30];
	_ =	sdelay $0x4  }
0x24a: {  	[tilespmem:$0x1F9B0] =	vst v0;
	v0 =	vld [tilespmem:s24+$0x9A70];
	_ =	sdelay $0x4  }
0x24b: {  	[tilespmem:$0x1F9C0] =	vst v0;
	v0 =	vld [tilespmem:s24+$0x9AB0];
	_ =	sdelay $0x4  }
0x24c: {  	[tilespmem:$0x1F9D0] =	vst v0;
	v0 =	vld [tilespmem:s24+$0x9AF0];
	_ =	sdelay $0x4  }
0x24d: {  	[tilespmem:$0x1F9E0] =	vst v0;
	v0 =	vld [tilespmem:s24+$0x9B30];
	_ =	sdelay $0x4  }
0x24e: {  	[tilespmem:$0x1F9F0] =	vst v0;
	v0 =	vld [tilespmem:s24+$0x9B70];
	_ =	sdelay $0x4  }
0x24f: {  	[tilespmem:$0x1FA00] =	vst v0;
	v0 =	vld [tilespmem:s24+$0x9BB0];
	_ =	sdelay $0x4  }
0x250: {  	[tilespmem:$0x1FA10] =	vst v0;
	v0 =	vld [tilespmem:s24+$0x9BF0];
	_ =	sdelay $0x4  }
0x251: {  	[tilespmem:$0x1FA20] =	vst v0;
	v0 =	vld [tilespmem:s24+$0x9C30];
	_ =	sdelay $0x4  }
0x252: {  	[tilespmem:$0x1FA30] =	vst v0;
	v0 =	vld [tilespmem:s24+$0x9C70];
	_ =	sdelay $0x4  }
0x253: {  	[tilespmem:$0x1FA40] =	vst v0;
	v0 =	vld [tilespmem:s24+$0x9CB0];
	_ =	sdelay $0x4  }
0x254: {  	[tilespmem:$0x1FA50] =	vst v0;
	v0 =	vld [tilespmem:s24+$0x9CF0];
	_ =	sdelay $0x4  }
0x255: {  	[tilespmem:$0x1FA70] =	vst v0;
	v0 =	vld [tilespmem:s24+$0x9D30];
	_ =	sdelay $0x4  }
0x256: {  	[tilespmem:$0x1FA80] =	vst v0;
	v0 =	vld [tilespmem:s24+$0x9D70];
	_ =	sdelay $0x4  }
0x257: {  	[tilespmem:$0x1FA90] =	vst v0;
	v0 =	vld [tilespmem:s24+$0x9DB0];
	_ =	sdelay $0x4  }
0x258: {  	[tilespmem:$0x1FAA0] =	vst v0;
	v0 =	vld [tilespmem:s24+$0x9DF0];
	_ =	sdelay $0x4  }
0x259: {  	[tilespmem:$0x1FAB0] =	vst v0;
	v0 =	vld [tilespmem:s24+$0x9E30];
	_ =	sdelay $0x4  }
0x25a: {  	[tilespmem:$0x1FAF0] =	vst v0;
	v0 =	vld [tilespmem:s24+$0x9E70];
	_ =	sdelay $0x4  }
0x25b: {  	[tilespmem:$0x1FB10] =	vst v0;
	v0 =	vld [tilespmem:s24+$0x9EB0];
	_ =	sdelay $0x4  }
0x25c: {  	[tilespmem:$0x1FB40] =	vst v0;
	v0 =	vld [tilespmem:s24+$0x9EF0];
	_ =	sdelay $0x2  }
0x25d: {  	s25 =	sadd.s32 @!p0 $0x270, s23;
	s26 =	simm.s32 @!p0 $0x64;
	s28 =	simm.s32 @!p0 $0x9A00  }
0x25e: {  	[tilespmem:s28], [sflag:$0x3] =	stream.indirect.gather @!p0 [hbm4b:s3+s26], $0x40, s25, s26, $0xb8;
	[tilespmem:$0xEC00] =	vst v63  }
0x25f: {  	[tilespmem:$0x1FB60] =	vst v0  }
0x260: {  	_ =	swait.ge [sflag:s19], $0x1900  }
0x261: {  	v4 =	vmax.f32 v4, v11;
	v11 =	vld [tilespmem:$0x1F9B0];
	_ =	sdelay $0x3  }
0x262: {  	v20 =	vmax.f32 v61, v20  }
0x263: {  	v4 =	vmax.f32 v4, v18;
	v5 =	vmax.f32 v5, v11;
	v11 =	vmax.f32 v20, v16;
	v16 =	vld [tilespmem:$0x1F9C0]  }
0x264: {  	v4 =	vmax.f32 v4, v15;
	v11 =	vmax.f32 v11, v12;
	v12 =	vld [tilespmem:$0x1F9D0]  }
0x265: {  	v4 =	vmax.f32 v4, v10;
	v10 =	vld [tilespmem:$0x1F9E0]  }
0x266: {  	v4 =	vmax.f32 v4, v7;
	v7 =	vld [tilespmem:$0x1F9F0];
	_ =	sdelay $0x1  }
0x267: {  	v5 =	vmax.f32 v5, v16  }
0x268: {  	v5 =	vmax.f32 v5, v12  }
0x269: {  	v11 =	vmax.f32 v11, v23;
	v5 =	vmax.f32 v5, v10  }
0x26a: {  	v4 =	vmax.f32 v4, v8;
	v9 =	vmax.f32 v11, v9;
	v5 =	vmax.f32 v5, v7;
	v7 =	vld [tilespmem:$0x1FA00]  }
0x26b: {  	v3 =	vmax.f32 v4, v3;
	v4 =	vld [tilespmem:$0x1FA10];
	v6 =	vmax.f32 v9, v6  }
0x26c: {  	v2 =	vmax.f32 v6, v2;
	v6 =	vld [tilespmem:$0x1FA20]  }
0x26d: {  	v8 =	vld [tilespmem:$0x1FA30]  }
0x26e: {  	[sflag:s19] =	ssyncset.done $0x0;
	v9 =	vld [tilespmem:$0x1FA40]  }
0x26f: {  	s24 =	simm.s32 $0x0;
	[sflag:s19] =	ssyncadd.s32 $0xFFFFE700;
	v12 =	vld [tilespmem:$0x1FA50];
	v5 =	vmax.f32 v5, v7  }
0x270: {  	v4 =	vmax.f32 v5, v4;
	v5 =	vld [tilespmem:s24+$0xB300]  }
0x271: {  	v2 =	vmax.f32 v2, v60;
	v4 =	vmax.f32 v4, v6;
	v6 =	vld [tilespmem:s24+$0xB340]  }
0x272: {  	v2 =	vmax.f32 v2, v54;
	v4 =	vmax.f32 v4, v8;
	v8 =	vld [tilespmem:s24+$0xB380]  }
0x273: {  	v2 =	vmax.f32 v2, v50;
	v4 =	vmax.f32 v4, v9;
	v9 =	vld [tilespmem:s24+$0xB3C0]  }
0x274: {  	v15 =	vld [tilespmem:$0x1FA70];
	v10 =	vmax.f32 v2, v44;
	v2 =	vimm.f32 $-3.402823470e+38  }
0x275: {  	v11 =	vld [tilespmem:s24+$0xB400];
	v5 =	vmax.f32 v2, v5  }
0x276: {  	v10 =	vmax.f32 v10, v40;
	v4 =	vmax.f32 v4, v12;
	v12 =	vld [tilespmem:s24+$0xB440];
	v5 =	vmax.f32 v5, v6  }
0x277: {  	v6 =	vmax.f32 v10, v34;
	v10 =	vld [tilespmem:$0x1FA80];
	v8 =	vmax.f32 v5, v8  }
0x278: {  	v8 =	vmax.f32 v8, v9;
	v9 =	vld [tilespmem:$0x1FA90]  }
0x279: {  	v7 =	vld [tilespmem:s24+$0xB480];
	_ =	sdelay $0x1  }
0x27a: {  	v15 =	vmax.f32 v4, v15  }
0x27b: {  	v8 =	vmax.f32 v8, v11;
	v10 =	vmax.f32 v15, v10  }
0x27c: {  	v8 =	vmax.f32 v8, v12;
	v9 =	vmax.f32 v10, v9;
	v10 =	vld [tilespmem:$0x1FAA0]  }
0x27d: {  	v7 =	vmax.f32 v8, v7;
	v8 =	vld [tilespmem:$0x1FAB0];
	_ =	sdelay $0x2  }
0x27e: {  	v58 =	vmax.f32 v55, v58  }
0x27f: {  	v57 =	vmax.f32 v58, v57;
	[tilespmem:$0x1FAC0] =	vst v35;
	v58 =	vld [tilespmem:s24+$0xB540];
	v9 =	vmax.f32 v9, v10  }
0x280: {  	v8 =	vmax.f32 v9, v8;
	v9 =	vld [tilespmem:$0x1FAC0]  }
0x281: {  	v3 =	vmax.f32 v3, v62  }
0x282: {  	v3 =	vmax.f32 v3, v56;
	v6 =	vmax.f32 v6, v32  }
0x283: {  	v3 =	vmax.f32 v3, v47;
	[tilespmem:$0x1FAD0] =	vst v37;
	v6 =	vmax.f32 v6, v26  }
0x284: {  	v3 =	vmax.f32 v3, v46;
	[tilespmem:$0x1FB00] =	vst v58;
	v58 =	vld [tilespmem:s24+$0xB500];
	v6 =	vmax.f32 v6, v24  }
0x285: {  	v3 =	vmax.f32 v3, v38;
	v6 =	vmax.f32 v6, v9;
	v9 =	vld [tilespmem:$0x1FAD0]  }
0x286: {  	v3 =	vmax.f32 v3, v36  }
0x287: {  	v3 =	vmax.f32 v3, v30  }
0x288: {  	v3 =	vmax.f32 v3, v28  }
0x289: {  	v3 =	vmax.f32 v3, v22;
	v16 =	vld [tilespmem:s24+$0xB4C0];
	[tilespmem:$0x1FAE0] =	vst v58  }
0x28a: {  	v3 =	vmax.f32 v3, v9;
	v9 =	vld [tilespmem:$0x1FAE0];
	_ =	sdelay $0x3  }
0x28b: {  	v7 =	vmax.f32 v7, v16  }
0x28c: {  	v7 =	vmax.f32 v7, v9;
	v9 =	vld [tilespmem:$0x1FAF0];
	_ =	sdelay $0x3  }
0x28d: {  	[tilespmem:$0x1FC30] =	vst v31  }
0x28e: {  	v8 =	vmax.f32 v8, v9;
	v9 =	vld [tilespmem:$0x1FC30];
	_ =	sdelay $0x4  }
0x28f: {  	v6 =	vmax.f32 v6, v9;
	v9 =	vld [tilespmem:$0x1FB00];
	_ =	sdelay $0x3  }
0x290: {  	[tilespmem:$0x1FC10] =	vst v33;
	v53 =	vld [tilespmem:s24+$0xB640]  }
0x291: {  	v7 =	vmax.f32 v7, v9;
	v9 =	vld [tilespmem:$0x1FC10];
	_ =	sdelay $0x3  }
0x292: {  	[tilespmem:$0x1FB70] =	vst v53;
	v53 =	vld [tilespmem:s24+$0xB580]  }
0x293: {  	v3 =	vmax.f32 v3, v9;
	v9 =	vld [tilespmem:$0x1FB10]  }
0x294: {  	v51 =	vld [tilespmem:s24+$0xB7C0]  }
0x295: {  	v13 =	vld [tilespmem:s24+$0xB7D0]  }
0x296: {  	v0 =	vld [tilespmem:s24+$0xB7E0]  }
0x297: {  	v59 =	vld [tilespmem:s24+$0xB780];
	[tilespmem:$0x1FB20] =	vst v53  }
0x298: {  	v8 =	vmax.f32 v8, v9;
	v9 =	vld [tilespmem:$0x1FB20]  }
0x299: {  	v17 =	vld [tilespmem:s24+$0xB790]  }
0x29a: {  	v14 =	vld [tilespmem:s24+$0xB7A0]  }
0x29b: {  	[tilespmem:$0x1FC90] =	vst v21;
	v63 =	vld [tilespmem:s24+$0xB740]  }
0x29c: {  	[tilespmem:$0x1FC70] =	vst v27;
	v21 =	vld [tilespmem:s24+$0xB750]  }
0x29d: {  	v7 =	vmax.f32 v7, v9;
	v9 =	vld [tilespmem:$0x1FC70]  }
0x29e: {  	v19 =	vld [tilespmem:s24+$0xB760]  }
0x29f: {  	v27 =	vld [tilespmem:s24+$0xB710]  }
0x2a0: {  	[tilespmem:$0x1FC60] =	vst v25;
	v25 =	vld [tilespmem:s24+$0xB720]  }
0x2a1: {  	[tilespmem:$0x1FC40] =	vst v29;
	v45 =	vld [tilespmem:s24+$0xB5C0]  }
0x2a2: {  	v6 =	vmax.f32 v6, v9;
	v9 =	vld [tilespmem:$0x1FC40]  }
0x2a3: {  	v1 =	vld [tilespmem:s24+$0xB6C0]  }
0x2a4: {  	v31 =	vld [tilespmem:s24+$0xB6D0]  }
0x2a5: {  	v29 =	vld [tilespmem:s24+$0xB6E0]  }
0x2a6: {  	v39 =	vld [tilespmem:s24+$0xB680];
	[tilespmem:$0x1FB30] =	vst v45  }
0x2a7: {  	v3 =	vmax.f32 v3, v9;
	v9 =	vld [tilespmem:$0x1FB30]  }
0x2a8: {  	v35 =	vld [tilespmem:s24+$0xB690]  }
0x2a9: {  	v33 =	vld [tilespmem:s24+$0xB6A0]  }
0x2aa: {  	v37 =	vld [tilespmem:s24+$0xB660]  }
0x2ab: {  	v41 =	vld [tilespmem:s24+$0xB600]  }
0x2ac: {  	v7 =	vmax.f32 v7, v9;
	v9 =	vld [tilespmem:$0x1FB40]  }
0x2ad: {  	v43 =	vld [tilespmem:s24+$0xB610]  }
0x2ae: {  	v49 =	vld [tilespmem:s24+$0xB5D0]  }
0x2af: {  	v55 =	vld [tilespmem:s24+$0xB5A0]  }
0x2b0: {  	v57 =	vmax.f32 v57, v52;
	v52 =	vld [tilespmem:s24+$0xB550]  }
0x2b1: {  	v57 =	vmax.f32 v57, v48;
	v8 =	vmax.f32 v8, v9;
	v9 =	vld [tilespmem:$0x1FC90]  }
0x2b2: {  	v42 =	vmax.f32 v57, v42;
	v48 =	vld [tilespmem:s24+$0xB560]  }
0x2b3: {  	[tilespmem:$0x1F9A0] =	vst v42;
	v42 =	vld [tilespmem:s24+$0xB510]  }
0x2b4: {  	v57 =	vld [tilespmem:s24+$0xB520]  }
0x2b5: {  	v61 =	vld [tilespmem:s24+$0xB4E0];
	[tilespmem:$0x1FB50] =	vst v41  }
0x2b6: {  	v10 =	vmax.f32 v6, v9;
	v6 =	vld [tilespmem:$0x1FB50]  }
0x2b7: {  	v30 =	vld [tilespmem:s24+$0xB460]  }
0x2b8: {  	v18 =	vld [tilespmem:s24+$0xB3E0]  }
0x2b9: {  	v22 =	vld [tilespmem:s24+$0xB350]  }
0x2ba: {  	v28 =	vld [tilespmem:s24+$0xB320]  }
0x2bb: {  	v6 =	vmax.f32 v7, v6;
	v7 =	vld [tilespmem:$0x1FC60]  }
0x2bc: {  	v20 =	vld [tilespmem:s24+$0xB3A0]  }
0x2bd: {  	[tilespmem:$0x1FA60] =	vst v0;
	v0 =	vld [tilespmem:s24+$0xB700]  }
0x2be: {  	[tilespmem:$0x1FB80] =	vst v39;
	v39 =	vld [tilespmem:s24+$0xB650]  }
0x2bf: {  	v41 =	vld [tilespmem:s24+$0xB620]  }
0x2c0: {  	v9 =	vmax.f32 v3, v7;
	v3 =	vld [tilespmem:$0x1FB60]  }
0x2c1: {  	v45 =	vld [tilespmem:s24+$0xB5E0]  }
0x2c2: {  	v23 =	vld [tilespmem:s24+$0xB450]  }
0x2c3: {  	v53 =	vld [tilespmem:s24+$0xB590]  }
0x2c4: {  	v58 =	vld [tilespmem:s24+$0xB4D0]  }
0x2c5: {  	v8 =	vmax.f32 v8, v3;
	v3 =	vld [tilespmem:$0x1FB70]  }
0x2c6: {  	v40 =	vld [tilespmem:$0x1FA60]  }
0x2c7: {  	v4 =	vld [tilespmem:s24+$0xB490]  }
0x2c8: {  	v5 =	vld [tilespmem:s24+$0xB4A0]  }
0x2c9: {  	v26 =	vld [tilespmem:s24+$0xB310]  }
0x2ca: {  	v3 =	vmax.f32 v6, v3;
	v6 =	vld [tilespmem:$0x1FB80]  }
0x2cb: {  	v11 =	vld [tilespmem:s24+$0xB390]  }
0x2cc: {  	v24 =	vld [tilespmem:s24+$0xB360]  }
0x2cd: {  	v12 =	vld [tilespmem:s24+$0xB410]  }
0x2ce: {  	v15 =	vld [tilespmem:s24+$0xB420]  }
0x2cf: {  	s25 =	simm.s32 $0x1400;
	v16 =	vld [tilespmem:s24+$0xB3D0];
	v7 =	vimm.f32 $-3.402823470e+38;
	v3 =	vmax.f32 v3, v6;
	v6 =	vimm.f32 $-3.402823470e+38  }
.LBB2_9:
0x2d0: {  	p1 =	sne.s32 s25, $0x5000;
	v32 =	vld [tilespmem:s24+$0xB330];
	v1 =	vmax.f32 v3, v1  }
0x2d1: {  	v34 =	vld [tilespmem:s24+$0xB370];
	v0 =	vmax.f32 v1, v0  }
0x2d2: {  	v1 =	vld [tilespmem:s24+$0xB3B0];
	v0 =	vmax.f32 v0, v63  }
0x2d3: {  	v36 =	vld [tilespmem:s24+$0xB3F0];
	v0 =	vmax.f32 v0, v59  }
0x2d4: {  	v38 =	vld [tilespmem:s24+$0xB430];
	v3 =	vmax.f32 v0, v51  }
0x2d5: {  	v0 =	vmax.f32 v2, v26;
	v2 =	vmax.f32 v7, v28;
	v6 =	vmax.f32 v6, v32;
	v7 =	vld [tilespmem:s24+$0xB470]  }
0x2d6: {  	v0 =	vmax.f32 v0, v22;
	v2 =	vmax.f32 v2, v24;
	v6 =	vmax.f32 v6, v34;
	v22 =	vld [tilespmem:s24+$0xB4B0]  }
0x2d7: {  	v0 =	vmax.f32 v0, v11;
	v2 =	vmax.f32 v2, v20;
	v1 =	vmax.f32 v6, v1;
	v6 =	vld [tilespmem:s24+$0xB4F0]  }
0x2d8: {  	v0 =	vmax.f32 v0, v16;
	v2 =	vmax.f32 v2, v18;
	v1 =	vmax.f32 v1, v36;
	v11 =	vld [tilespmem:s24+$0xB530]  }
0x2d9: {  	v0 =	vmax.f32 v0, v12;
	v2 =	vmax.f32 v2, v15;
	v1 =	vmax.f32 v1, v38;
	v12 =	vld [tilespmem:s24+$0xB570]  }
0x2da: {  	v0 =	vmax.f32 v0, v23;
	v2 =	vmax.f32 v2, v30;
	v1 =	vmax.f32 v1, v7;
	v7 =	vld [tilespmem:s24+$0xB5B0]  }
0x2db: {  	v0 =	vmax.f32 v0, v4;
	v2 =	vmax.f32 v2, v5;
	v1 =	vmax.f32 v1, v22;
	v4 =	vld [tilespmem:s24+$0xB5F0]  }
0x2dc: {  	v0 =	vmax.f32 v0, v58;
	v2 =	vmax.f32 v2, v61;
	v1 =	vmax.f32 v1, v6;
	v5 =	vld [tilespmem:s24+$0xB630]  }
0x2dd: {  	v0 =	vmax.f32 v0, v42;
	v2 =	vmax.f32 v2, v57;
	v1 =	vmax.f32 v1, v11;
	v6 =	vld [tilespmem:s24+$0xB670]  }
0x2de: {  	v0 =	vmax.f32 v0, v52;
	v2 =	vmax.f32 v2, v48;
	v1 =	vmax.f32 v1, v12;
	v11 =	vld [tilespmem:s24+$0xB6B0]  }
0x2df: {  	v0 =	vmax.f32 v0, v53;
	v2 =	vmax.f32 v2, v55;
	v1 =	vmax.f32 v1, v7;
	v7 =	vld [tilespmem:s24+$0xB6F0]  }
0x2e0: {  	v0 =	vmax.f32 v0, v49;
	v2 =	vmax.f32 v2, v45;
	v1 =	vmax.f32 v1, v4;
	v4 =	vld [tilespmem:s24+$0xB730]  }
0x2e1: {  	v0 =	vmax.f32 v0, v43;
	v2 =	vmax.f32 v2, v41;
	v1 =	vmax.f32 v1, v5;
	v5 =	vld [tilespmem:s24+$0xB770]  }
0x2e2: {  	v0 =	vmax.f32 v0, v39;
	v2 =	vmax.f32 v2, v37;
	v1 =	vmax.f32 v1, v6;
	v6 =	vld [tilespmem:s24+$0xB7B0]  }
0x2e3: {  	v0 =	vmax.f32 v0, v35;
	v2 =	vmax.f32 v2, v33;
	v1 =	vmax.f32 v1, v11;
	v11 =	vld [tilespmem:s24+$0xB7F0];
	s24 =	sshra.s32 s25, $0x2  }
0x2e4: {  	v0 =	vmax.f32 v0, v31;
	v2 =	vmax.f32 v2, v29;
	v51 =	vld [tilespmem:s24+$0xB7C0];
	v1 =	vmax.f32 v1, v7  }
0x2e5: {  	v0 =	vmax.f32 v0, v27;
	v2 =	vmax.f32 v2, v25;
	v12 =	vld [tilespmem:s24+$0xB7D0];
	v1 =	vmax.f32 v1, v4  }
0x2e6: {  	v0 =	vmax.f32 v0, v21;
	v2 =	vmax.f32 v2, v19;
	v4 =	vld [tilespmem:s24+$0xB7E0];
	v1 =	vmax.f32 v1, v5  }
0x2e7: {  	v0 =	vmax.f32 v0, v17;
	v5 =	vmax.f32 v2, v14;
	v59 =	vld [tilespmem:s24+$0xB780];
	v1 =	vmax.f32 v1, v6  }
0x2e8: {  	v2 =	vmax.f32 v0, v13;
	v7 =	vmax.f32 v5, v40;
	v17 =	vld [tilespmem:s24+$0xB790];
	v6 =	vmax.f32 v1, v11  }
0x2e9: {  	v14 =	vld [tilespmem:s24+$0xB7A0]  }
0x2ea: {  	v63 =	vld [tilespmem:s24+$0xB740];
	v13 =	vmov v12  }
0x2eb: {  	v21 =	vld [tilespmem:s24+$0xB750];
	v40 =	vmov v4  }
0x2ec: {  	v19 =	vld [tilespmem:s24+$0xB760]  }
0x2ed: {  	v0 =	vld [tilespmem:s24+$0xB700]  }
0x2ee: {  	v27 =	vld [tilespmem:s24+$0xB710]  }
0x2ef: {  	v25 =	vld [tilespmem:s24+$0xB720]  }
0x2f0: {  	v1 =	vld [tilespmem:s24+$0xB6C0]  }
0x2f1: {  	v31 =	vld [tilespmem:s24+$0xB6D0]  }
0x2f2: {  	v29 =	vld [tilespmem:s24+$0xB6E0]  }
0x2f3: {  	v32 =	vld [tilespmem:s24+$0xB680]  }
0x2f4: {  	v35 =	vld [tilespmem:s24+$0xB690]  }
0x2f5: {  	v33 =	vld [tilespmem:s24+$0xB6A0]  }
0x2f6: {  	v28 =	vld [tilespmem:s24+$0xB640]  }
0x2f7: {  	v39 =	vld [tilespmem:s24+$0xB650]  }
0x2f8: {  	v37 =	vld [tilespmem:s24+$0xB660]  }
0x2f9: {  	v26 =	vld [tilespmem:s24+$0xB600]  }
0x2fa: {  	v43 =	vld [tilespmem:s24+$0xB610]  }
0x2fb: {  	v41 =	vld [tilespmem:s24+$0xB620]  }
0x2fc: {  	v24 =	vld [tilespmem:s24+$0xB5C0]  }
0x2fd: {  	v49 =	vld [tilespmem:s24+$0xB5D0]  }
0x2fe: {  	v45 =	vld [tilespmem:s24+$0xB5E0]  }
0x2ff: {  	v22 =	vld [tilespmem:s24+$0xB580]  }
0x300: {  	v53 =	vld [tilespmem:s24+$0xB590]  }
0x301: {  	v55 =	vld [tilespmem:s24+$0xB5A0]  }
0x302: {  	v20 =	vld [tilespmem:s24+$0xB540]  }
0x303: {  	v52 =	vld [tilespmem:s24+$0xB550]  }
0x304: {  	v48 =	vld [tilespmem:s24+$0xB560]  }
0x305: {  	v11 =	vld [tilespmem:s24+$0xB500]  }
0x306: {  	v42 =	vld [tilespmem:s24+$0xB510]  }
0x307: {  	v57 =	vld [tilespmem:s24+$0xB520]  }
0x308: {  	v18 =	vld [tilespmem:s24+$0xB4C0]  }
0x309: {  	v58 =	vld [tilespmem:s24+$0xB4D0]  }
0x30a: {  	v61 =	vld [tilespmem:s24+$0xB4E0]  }
0x30b: {  	v16 =	vld [tilespmem:s24+$0xB480]  }
0x30c: {  	v4 =	vld [tilespmem:s24+$0xB300]  }
0x30d: {  	v5 =	vld [tilespmem:s24+$0xB340]  }
0x30e: {  	v12 =	vld [tilespmem:s24+$0xB380]  }
0x30f: {  	v15 =	vld [tilespmem:s24+$0xB3C0]  }
0x310: {  	v30 =	vld [tilespmem:s24+$0xB400]  }
0x311: {  	v3 =	vmax.f32 v3, v4;
	v34 =	vld [tilespmem:s24+$0xB440]  }
0x312: {  	v3 =	vmax.f32 v3, v5;
	v4 =	vld [tilespmem:s24+$0xB490]  }
0x313: {  	v3 =	vmax.f32 v3, v12;
	v5 =	vld [tilespmem:s24+$0xB4A0]  }
0x314: {  	v3 =	vmax.f32 v3, v15;
	v23 =	vld [tilespmem:s24+$0xB450]  }
0x315: {  	v3 =	vmax.f32 v3, v30;
	v30 =	vld [tilespmem:s24+$0xB460]  }
0x316: {  	v12 =	vld [tilespmem:s24+$0xB410];
	v3 =	vmax.f32 v3, v34  }
0x317: {  	v15 =	vld [tilespmem:s24+$0xB420];
	v3 =	vmax.f32 v3, v16  }
0x318: {  	v16 =	vld [tilespmem:s24+$0xB3D0];
	v3 =	vmax.f32 v3, v18  }
0x319: {  	v18 =	vld [tilespmem:s24+$0xB3E0];
	v3 =	vmax.f32 v3, v11  }
0x31a: {  	v11 =	vld [tilespmem:s24+$0xB390];
	v3 =	vmax.f32 v3, v20  }
.Ltmp3:
0x31b: {  	v20 =	vld [tilespmem:s24+$0xB3A0];
	v3 =	vmax.f32 v3, v22;
	(pc) =	sbr.rel @p1 .LBB2_9-.Ltmp3, $4  }
0x31c: {  	v22 =	vld [tilespmem:s24+$0xB350];
	v3 =	vmax.f32 v3, v24  }
0x31d: {  	v24 =	vld [tilespmem:s24+$0xB360];
	v3 =	vmax.f32 v3, v26  }
0x31e: {  	v26 =	vld [tilespmem:s24+$0xB310];
	v3 =	vmax.f32 v3, v28  }
0x31f: {  	s25 =	sadd.s32 $0x1400, s25;
	v28 =	vld [tilespmem:s24+$0xB320];
	v3 =	vmax.f32 v3, v32  }
0x320: {  	v32 =	vld [tilespmem:s24+$0xB330]  }
0x321: {  	v34 =	vld [tilespmem:s24+$0xB370]  }
0x322: {  	v54 =	vld [tilespmem:s24+$0xB3B0]  }
0x323: {  	v56 =	vld [tilespmem:s24+$0xB3F0]  }
0x324: {  	v36 =	vld [tilespmem:s24+$0xB430]  }
0x325: {  	v60 =	vld [tilespmem:s24+$0xB470]  }
0x326: {  	v62 =	vld [tilespmem:s24+$0xB4B0]  }
0x327: {  	v38 =	vld [tilespmem:s24+$0xB630]  }
0x328: {  	v44 =	vld [tilespmem:s24+$0xB6B0]  }
0x329: {  	v46 =	vld [tilespmem:s24+$0xB6F0]  }
0x32a: {  	v1 =	vmax.f32 v3, v1;
	v47 =	vld [tilespmem:s24+$0xB730]  }
0x32b: {  	v50 =	vld [tilespmem:s24+$0xB7F0];
	v0 =	vmax.f32 v1, v0  }
0x32c: {  	v0 =	vmax.f32 v0, v63;
	v63 =	vld [tilespmem:s24+$0xB4F0]  }
0x32d: {  	v0 =	vmax.f32 v0, v59;
	v2 =	vmax.f32 v2, v26;
	v59 =	vld [tilespmem:$0x1FD30]  }
0x32e: {  	v0 =	vmax.f32 v0, v51;
	v7 =	vmax.f32 v7, v28;
	v2 =	vmax.f32 v2, v22;
	v28 =	vld [tilespmem:s24+$0xB570]  }
0x32f: {  	v51 =	vld [tilespmem:$0x1FD80];
	v6 =	vmax.f32 v6, v32;
	v7 =	vmax.f32 v7, v24;
	v2 =	vmax.f32 v2, v11  }
0x330: {  	v6 =	vmax.f32 v6, v34;
	v7 =	vmax.f32 v7, v20;
	v2 =	vmax.f32 v2, v16;
	v20 =	vld [tilespmem:s24+$0xB530]  }
0x331: {  	v34 =	vld [tilespmem:s24+$0xB5B0];
	v3 =	vmax.f32 v6, v54;
	v24 =	vmax.f32 v7, v18;
	v2 =	vmax.f32 v2, v12  }
0x332: {  	v54 =	vld [tilespmem:$0x1FF80];
	v1 =	vmax.f32 v3, v56;
	v32 =	vmax.f32 v24, v15;
	v2 =	vmax.f32 v2, v23  }
0x333: {  	v1 =	vmax.f32 v1, v36;
	v3 =	vmax.f32 v32, v30;
	v2 =	vmax.f32 v2, v4;
	v36 =	vld [tilespmem:s24+$0xB5F0]  }
0x334: {  	v1 =	vmax.f32 v1, v60;
	v3 =	vmax.f32 v3, v5;
	v2 =	vmax.f32 v2, v58;
	v58 =	vld [tilespmem:$0x1FFB0]  }
0x335: {  	v1 =	vmax.f32 v1, v62;
	v3 =	vmax.f32 v3, v61;
	v2 =	vmax.f32 v2, v42;
	v42 =	vld [tilespmem:s24+$0xB670]  }
0x336: {  	v61 =	vld [tilespmem:$0x1FFD0];
	v1 =	vmax.f32 v1, v63;
	v3 =	vmax.f32 v3, v57  }
0x337: {  	v2 =	vmax.f32 v2, v52;
	v52 =	vld [tilespmem:$0x1FB90];
	v1 =	vmax.f32 v1, v20;
	v3 =	vmax.f32 v3, v48  }
0x338: {  	v2 =	vmax.f32 v2, v53;
	v53 =	vld [tilespmem:$0x1F9A0];
	v1 =	vmax.f32 v1, v28;
	v3 =	vmax.f32 v3, v55  }
0x339: {  	v62 =	vld [tilespmem:$0x1FD50];
	v2 =	vmax.f32 v2, v49;
	v1 =	vmax.f32 v1, v34;
	v3 =	vmax.f32 v3, v45  }
0x33a: {  	v55 =	vld [tilespmem:$0x1FD10];
	v2 =	vmax.f32 v2, v43;
	v1 =	vmax.f32 v1, v36;
	v3 =	vmax.f32 v3, v41  }
0x33b: {  	s23 =	sadd.s32 @!p0 $0x2D8, s23;
	v48 =	vld [tilespmem:s24+$0xB770];
	v2 =	vmax.f32 v2, v39;
	v1 =	vmax.f32 v1, v38;
	v3 =	vmax.f32 v3, v37  }
0x33c: {  	s25 =	simm.s32 @!p0 $0xB300;
	s31 =	sshll.u32 s22, $0x7;
	v49 =	vld [tilespmem:s24+$0xB7B0];
	s24 =	simm.s32 @!p0 $0x64;
	v2 =	vmax.f32 v2, v35;
	v11 =	vmax.f32 v51, v52;
	v1 =	vmax.f32 v1, v42  }
0x33d: {  	[tilespmem:s25], [sflag:$0x4] =	stream.indirect.gather @!p0 [hbm4b:s3+s24], $0x40, s23, s24, $0xb8;
	v3 =	vmax.f32 v3, v33;
	v2 =	vmax.f32 v2, v31;
	v0 =	vmax.f32 v53, v0;
	[tilespmem:$0xEC00] =	vst v63  }
0x33e: {  	s23 =	sand.u32 $0x3FFFFF80, s31;
	v1 =	vmax.f32 v1, v44;
	v3 =	vmax.f32 v3, v29;
	v2 =	vmax.f32 v2, v27  }
0x33f: {  	[tilespmem:s23+$0xCC40] =	vst v0;
	v0 =	vmax.f32 v54, v55;
	v1 =	vmax.f32 v1, v46;
	v2 =	vmax.f32 v2, v21  }
0x340: {  	s22 =	sadd.s32 $0x1, s22;
	v3 =	vmax.f32 v3, v25;
	[tilespmem:s23+$0xCC10] =	vst v0;
	v0 =	vmax.f32 v58, v59;
	v2 =	vmax.f32 v2, v17  }
0x341: {  	p0 =	sne.s32 s22, $0x40;
	v3 =	vmax.f32 v3, v19;
	v1 =	vmax.f32 v1, v47;
	[tilespmem:s23+$0xCC20] =	vst v0;
	v0 =	vmax.f32 v61, v62  }
.Ltmp4:
0x342: {  	[tilespmem:s23+$0xCC00] =	vst v11;
	v2 =	vmax.f32 v2, v13;
	v3 =	vmax.f32 v3, v14;
	v1 =	vmax.f32 v1, v48;
	(pc) =	sbr.rel @p0 .LBB2_2-.Ltmp4, $4  }
0x343: {  	[tilespmem:s23+$0xCC30] =	vst v0;
	v56 =	vmax.f32 v10, v2;
	v57 =	vmax.f32 v3, v40;
	v1 =	vmax.f32 v1, v49  }
0x344: {  	[tilespmem:s23+$0xCC50] =	vst v56;
	v60 =	vmax.f32 v9, v57;
	v1 =	vmax.f32 v1, v50  }
0x345: {  	[tilespmem:s23+$0xCC60] =	vst v60;
	v63 =	vmax.f32 v8, v1  }
0x346: {  	[tilespmem:s23+$0xCC70] =	vst v63  }
0x347: {  	s21 =	sadd.s32 $0x1, s21  }
0x348: {  	p0 =	sne.s32 s21, s6  }
.Ltmp5:
0x349: {  	_ = 	snop;
	(pc) =	sbr.rel @p0 .LBB2_1-.Ltmp5, $4  }
0x34a: {  	[hbm4b:s5+s2] =	stream.linear.scatter [tilespmem:s20], [sflag:$0x5], $0x2000, $0x38;
	[tilespmem:$0xEC00] =	vst v63  }
0x34b: {  	_ =	swait.ge [sflag:s7], $0x2000  }
0x34c: {  	[sflag:s7] =	ssyncset.done $0x0  }
0x34d: {  	[sflag:s7] =	ssyncadd.s32 $0xFFFFE000  }
0x34e: {  	_ =	sfence.sel $0x180000  }
0x34f: {  	[bflag:$0x0] =	sbarrier.arrive $0xFFFF  }
0x350: {  	p0 =	sne.s32 s0, $0x0;
	_ =	strace $0x90000047  }
0x351: {  	s0 =	sadd.s32 @!p0 $0x100000, s1;
	[bflag:$0x2] =	sbarrier.arrive $0xFFFF  }
0x352: {  	[sflag:s0] =	ssyncadd.tile.s32 @!p0 $0x1;
	_ =	shalt  }
.Lfunc_end2:
_tile_overlayer_lowered:
.L_overlay_start_2:
0x353: {  	(tag) =	ssettag $0x2  }
0x354: {  	s0 =	rddreg [dreg:$0x0];
	s2 =	stileid.u32  }
0x355: {  	s1 =	rddreg [dreg:$0x1];
	p0 =	sne.s32 s2, $0x0  }
0x356: {  	s3 =	rddreg [dreg:$0x2];
	[bflag:$0x3] =	sbarrier.arrive $0xFFFF;
	s2 =	simm.s32 @!p0 $0x1C05  }
0x357: {  	[timem:s3], [sflag:s2] =	dma.local @!p0 [hbm:s0], s1  }
0x358: {  	s0 =	simm.s32 @!p0 $0x5  }
0x359: {  	_ =	swait.ge @!p0 [sflag:s0], s1  }
0x35a: {  	s1 =	ssub.s32 @!p0 $0x0, s1;
	[sflag:s0] =	ssyncset.done @!p0 $0x0  }
0x35b: {  	[sflag:s0] =	ssyncadd.s32 @!p0 s1  }
0x35c: {  	[bflag:$0x3] =	sbarrier.arrive $0xFFFF  }
0x35d: {  	_ =	shalt  }

</sc_bundles>
